<compile_context>
chip_gen: v7x
topology: tpu7x:2x2x1
jax: 0.10.2.dev20260603
libtpu: 0.0.44.dev20260713+nightly
codegen_flags: <defaults>
</compile_context>

<pallas_src>
import functools

import jax
import jax.numpy as jnp
from jax import lax
from jax.experimental import pallas as pl
from jax.experimental.pallas import tpu as pltpu
from jax.experimental.pallas import tpu_sc as plsc

NC, NS, LANES = 2, 16, 16
TILES = NC * NS
CHUNK = 128
DP = 128

N = 10000
E = 320000
ET = E + N
CPT = -(-ET // (TILES * CHUNK))
CPT += CPT % 2
ETP = TILES * CHUNK * CPT
ETP2 = ETP + 2 * CHUNK
EPT = CPT * CHUNK
RPT = -(-(-(-N // NS)) // CHUNK) * CHUNK
NP_ = RPT * NS


def _mesh():
    return plsc.VectorSubcoreMesh(
        core_axis_name="c", subcore_axis_name="s", num_cores=NC, num_subcores=NS
    )


def _zero_1d(buf, n):
    z = jnp.zeros((LANES,), jnp.float32)
    for j in range(n // LANES):
        buf[pl.ds(j * LANES, LANES)] = z


def _zero_2d(buf, n, d):
    z = jnp.zeros((LANES,), jnp.float32)

    def body(j, carry):
        for kk in range(d // LANES):
            buf[j, pl.ds(kk * LANES, LANES)] = z
        return carry

    lax.fori_loop(0, n, body, 0)


def _deg_body(col_hbm, w_hbm, deg_hbm, col_res, w_res, zbuf, acc, rc, rw, ss):
    cid = lax.axis_index("c")
    sid = lax.axis_index("s")
    wid = cid * NS + sid
    start = sid * RPT
    pltpu.async_copy(col_hbm.at[pl.ds(wid * EPT, EPT)], col_res, rc)
    pltpu.async_copy(w_hbm.at[pl.ds(wid * EPT, EPT)], w_res, rw)
    _zero_1d(zbuf, CHUNK)
    for t in range(RPT // CHUNK):
        pltpu.sync_copy(zbuf, acc.at[pl.ds(start + t * CHUNK, CHUNK)])
    plsc.subcore_barrier()
    pltpu.make_async_copy(col_hbm.at[pl.ds(wid * EPT, EPT)], col_res, rc).wait()
    pltpu.make_async_copy(w_hbm.at[pl.ds(wid * EPT, EPT)], w_res, rw).wait()

    def body(ch, carry):
        sl = pl.ds(ch * CHUNK, CHUNK)
        pltpu.async_copy(w_res.at[sl], acc.at[col_res.at[sl]], ss, add=True)
        pltpu.make_async_copy(w_res.at[sl], acc.at[col_res.at[sl]], ss).wait()
        return carry

    lax.fori_loop(0, CPT, body, 0)
    plsc.subcore_barrier()
    for t in range(RPT // CHUNK):
        pltpu.sync_copy(acc.at[pl.ds(start + t * CHUNK, CHUNK)],
                        deg_hbm.at[pl.ds(cid * NP_ + start + t * CHUNK,
                                         CHUNK)])


def _sc_degree(col, w):
    k = pl.kernel(
        _deg_body,
        out_type=jax.ShapeDtypeStruct((NC * NP_,), jnp.float32),
        mesh=_mesh(),
        scratch_types=[
            pltpu.VMEM((EPT,), jnp.int32),
            pltpu.VMEM((EPT,), jnp.float32),
            pltpu.VMEM((CHUNK,), jnp.float32),
            pltpu.VMEM_SHARED((NP_,), jnp.float32),
            pltpu.SemaphoreType.DMA,
            pltpu.SemaphoreType.DMA,
            pltpu.SemaphoreType.DMA,
        ],
    )
    return k(col, w)


def _seg_body(m_hbm, col_hbm, out_hbm, col_res, cmpA, cmpB, acc,
              rc, rmA, rmB, ss):
    DR = DP
    cid = lax.axis_index("c")
    sid = lax.axis_index("s")
    wid = cid * NS + sid
    start = sid * RPT

    def m_start(ch, cmp, sem):
        base = wid * EPT + ch * CHUNK
        pltpu.async_copy(m_hbm.at[pl.ds(base, CHUNK)], cmp, sem)

    def m_wait(ch, cmp, sem):
        base = wid * EPT + ch * CHUNK
        pltpu.make_async_copy(m_hbm.at[pl.ds(base, CHUNK)], cmp, sem).wait()

    def scat(ch, cmp):
        esl = pl.ds(ch * CHUNK, CHUNK)
        pltpu.async_copy(cmp, acc.at[col_res.at[esl]], ss, add=True)
        pltpu.make_async_copy(cmp, acc.at[col_res.at[esl]], ss).wait()

    pltpu.async_copy(col_hbm.at[pl.ds(wid * EPT, EPT)], col_res, rc)
    _zero_2d(cmpA, CHUNK, DR)
    for t in range(RPT // CHUNK):
        pltpu.sync_copy(cmpA, acc.at[pl.ds(start + t * CHUNK, CHUNK)])
    plsc.subcore_barrier()
    pltpu.make_async_copy(col_hbm.at[pl.ds(wid * EPT, EPT)], col_res, rc).wait()

    m_start(0, cmpA, rmA)
    m_start(1, cmpB, rmB)

    def body(k, carry):
        a = 2 * k
        m_wait(a, cmpA, rmA)
        scat(a, cmpA)
        m_start(a + 2, cmpA, rmA)
        m_wait(a + 1, cmpB, rmB)
        scat(a + 1, cmpB)
        m_start(a + 3, cmpB, rmB)
        return carry

    lax.fori_loop(0, CPT // 2, body, 0)
    m_wait(CPT, cmpA, rmA)
    m_wait(CPT + 1, cmpB, rmB)
    plsc.subcore_barrier()
    for t in range(RPT // CHUNK):
        pltpu.sync_copy(acc.at[pl.ds(start + t * CHUNK, CHUNK)],
                        out_hbm.at[pl.ds(cid * NP_ + start + t * CHUNK,
                                         CHUNK)])


def _sc_segsum(m, col):
    k = pl.kernel(
        _seg_body,
        out_type=jax.ShapeDtypeStruct((NC * NP_, DP), jnp.float32),
        mesh=_mesh(),
        scratch_types=[
            pltpu.VMEM((EPT,), jnp.int32),
            pltpu.VMEM((CHUNK, DP), jnp.float32),
            pltpu.VMEM((CHUNK, DP), jnp.float32),
            pltpu.VMEM_SHARED((NP_, DP), jnp.float32),
            pltpu.SemaphoreType.DMA,
            pltpu.SemaphoreType.DMA,
            pltpu.SemaphoreType.DMA,
            pltpu.SemaphoreType.DMA,
        ],
    )
    return k(m, col)


def _tc1_body(dpt_ref, x_ref, w1_ref, dinv_ref, g1_ref):
    deg = dpt_ref[:, 0:1] + dpt_ref[:, 1:2]
    dinv = jnp.where(deg > 0, lax.rsqrt(deg), 0.0)
    dinv_ref[...] = dinv
    h = lax.dot_general(
        x_ref[...], w1_ref[...], (((1,), (0,)), ((), ())),
        precision=lax.Precision.HIGHEST, preferred_element_type=jnp.float32)
    g1_ref[:, 0:64] = dinv[:N] * h
    g1_ref[:, 64:DP] = jnp.zeros((N, DP - 64), jnp.float32)


def _tc_mid_body(DI, DO, p_ref, dinv_ref, b_ref, w_ref, g_ref):
    dinv = dinv_ref[...]
    p = p_ref[0, :, 0:DI] + p_ref[1, :, 0:DI]
    h = jnp.maximum(dinv * p + b_ref[...], 0.0)
    g_ref[:, 0:DO] = dinv * lax.dot_general(
        h, w_ref[...], (((1,), (0,)), ((), ())),
        precision=lax.Precision.HIGHEST, preferred_element_type=jnp.float32)
    g_ref[:, DO:DP] = jnp.zeros((NP_, DP - DO), jnp.float32)


def _tc_fin_body(p_ref, dinv_ref, b_ref, node_ref, graph_ref):
    p = p_ref[0, :N, 0:32] + p_ref[1, :N, 0:32]
    h = dinv_ref[:N] * p + b_ref[...]
    node_ref[...] = h
    graph_ref[...] = jnp.mean(h, axis=0, keepdims=True)


def kernel(x, edge_index, edge_attr, W1, b1, W2, b2, W3, b3):
    f32 = jnp.float32
    loop = jnp.arange(N, dtype=edge_index.dtype)
    pad = ETP2 - ET
    pad_idx = (jnp.arange(pad) % N).astype(edge_index.dtype)
    rowr = jnp.concatenate([edge_index[0], loop])
    col = jnp.concatenate([edge_index[1], loop, pad_idx])
    wfull = jnp.concatenate([edge_attr.reshape(-1), jnp.ones((N,), f32)])
    mpad = jnp.zeros((ETP2 - ET, DP), f32)

    degp = _sc_degree(col, jnp.concatenate([wfull, jnp.zeros((pad,), f32)]))
    dpt = degp.reshape(NC, NP_).T

    dinv, g1 = pl.pallas_call(
        _tc1_body,
        out_shape=[jax.ShapeDtypeStruct((NP_, 1), f32),
                   jax.ShapeDtypeStruct((N, DP), f32)],
    )(dpt, x, W1)

    def msgs(gtab):
        m = wfull[:, None] * jnp.take(gtab, rowr, axis=0)
        return jnp.concatenate([m, mpad])

    p1 = _sc_segsum(msgs(g1), col)

    g2 = pl.pallas_call(
        functools.partial(_tc_mid_body, 64, 64),
        out_shape=jax.ShapeDtypeStruct((NP_, DP), f32),
    )(p1.reshape(NC, NP_, DP), dinv, b1.reshape(1, 64), W2)

    p2 = _sc_segsum(msgs(g2), col)

    g3 = pl.pallas_call(
        functools.partial(_tc_mid_body, 64, 32),
        out_shape=jax.ShapeDtypeStruct((NP_, DP), f32),
    )(p2.reshape(NC, NP_, DP), dinv, b2.reshape(1, 64), W3)

    p3 = _sc_segsum(msgs(g3), col)

    node, graph = pl.pallas_call(
        _tc_fin_body,
        out_shape=[jax.ShapeDtypeStruct((N, 32), f32),
                   jax.ShapeDtypeStruct((1, 32), f32)],
    )(p3.reshape(NC, NP_, DP), dinv, b3.reshape(1, 32))

    return (node, graph)

# --- scband reference (transcript-rebuilt; emitter-appended) ---
"""Pipeline reference for scband-gcn-88545045774432 (READ-ONLY COPY).

The authoritative reference and input builder live on the scoring server;
editing this copy changes nothing except your own understanding.
"""

import jax, jax.numpy as jnp
import numpy as np

N = 10000
E = 320000
D_IN, D_HID, D_OUT = 128, 64, 32


def setup_inputs(seed: int = 0):
    key = jax.random.key(seed)
    ks = jax.random.split(key, 10)
    x = jax.random.normal(ks[0], (N, D_IN), dtype=jnp.float32)
    edge_index = jax.random.randint(ks[1], (2, E), 0, N, dtype=jnp.int32)
    edge_attr = jax.random.uniform(ks[2], (E, 1), dtype=jnp.float32)
    W1 = jax.random.normal(ks[3], (D_IN, D_HID), dtype=jnp.float32) * (1.0 / np.sqrt(D_IN))
    b1 = jnp.zeros((D_HID,), dtype=jnp.float32)
    W2 = jax.random.normal(ks[4], (D_HID, D_HID), dtype=jnp.float32) * (1.0 / np.sqrt(D_HID))
    b2 = jnp.zeros((D_HID,), dtype=jnp.float32)
    W3 = jax.random.normal(ks[5], (D_HID, D_OUT), dtype=jnp.float32) * (1.0 / np.sqrt(D_HID))
    b3 = jnp.zeros((D_OUT,), dtype=jnp.float32)
    return {"x": x, "edge_index": edge_index, "edge_attr": edge_attr,
            "W1": W1, "b1": b1, "W2": W2, "b2": b2, "W3": W3, "b3": b3}


def _gcn_conv(h_in, row, col, w, W, b, n_nodes):
    # PyG GCNConv: linear transform, symmetric normalization (self-loops already
    # appended to row/col/w by caller), scatter-add aggregation onto dst nodes.
    h = h_in @ W
    deg = jax.ops.segment_sum(w, col, num_segments=n_nodes)
    dinv = jnp.where(deg > 0, deg ** -0.5, 0.0)
    norm = dinv[row] * w * dinv[col]
    msgs = norm[:, None] * jnp.take(h, row, axis=0)
    out = jax.ops.segment_sum(msgs, col, num_segments=n_nodes)
    return out + b


def reference(x, edge_index, edge_attr, W1, b1, W2, b2, W3, b3):
    n_nodes = x.shape[0]
    edge_weight = edge_attr.reshape(-1)  # .squeeze()
    loop = jnp.arange(n_nodes, dtype=edge_index.dtype)
    row = jnp.concatenate([edge_index[0], loop])
    col = jnp.concatenate([edge_index[1], loop])
    w = jnp.concatenate([edge_weight, jnp.ones((n_nodes,), dtype=edge_weight.dtype)])

    h = _gcn_conv(x, row, col, w, W1, b1, n_nodes)
    h = jax.nn.relu(h)
    # dropout is identity in eval mode
    h = _gcn_conv(h, row, col, w, W2, b2, n_nodes)
    h = jax.nn.relu(h)
    h = _gcn_conv(h, row, col, w, W3, b3, n_nodes)

    node_embeddings = h
    # global_mean_pool with all-zero batch vector -> mean over all nodes, shape [1, D_OUT]
    graph_embedding = jnp.mean(h, axis=0, keepdims=True)
    return (node_embeddings, graph_embedding)

if __name__ == "__main__":
    import jax
    _d = setup_inputs()
    print(jax.jit(kernel)(*tuple(_d.values())))

</pallas_src>

<mosaic_0001>
#map = affine_map<(d0, d1) -> (0, 0)>
#map1 = affine_map<(d0, d1) -> (0)>
module attributes {stable_mosaic.version = 14 : i64} {
  func.func @_seg_body(%arg0: i32, %arg1: i32, %arg2: memref<336128x128xf32, #tpu.memory_space<hbm>>, %arg3: memref<336128xi32, #tpu.memory_space<hbm>>, %arg4: memref<20480x128xf32, #tpu.memory_space<hbm>>, %arg5: memref<10496xi32, #tpu.memory_space<vmem>>, %arg6: memref<128x128xf32, #tpu.memory_space<vmem>>, %arg7: memref<128x128xf32, #tpu.memory_space<vmem>>, %arg8: memref<10240x128xf32, #tpu.memory_space<vmem_shared>>, %arg9: memref<!tpu.dma_semaphore, #tpu.memory_space<semaphore_mem>>, %arg10: memref<!tpu.dma_semaphore, #tpu.memory_space<semaphore_mem>>, %arg11: memref<!tpu.dma_semaphore, #tpu.memory_space<semaphore_mem>>, %arg12: memref<!tpu.dma_semaphore, #tpu.memory_space<semaphore_mem>>) attributes {dimension_semantics = [#tpu.dimension_semantics<core_parallel>, #tpu.dimension_semantics<subcore_parallel>], iteration_bounds = array<i64: 2, 16>, scalar_prefetch = 0 : i64, scratch_operands = 8 : i64, tpu.core_type = #tpu.core_type<sc_vector_subcore>, window_params = [{transform_indices = #map}, {transform_indices = #map1}, {transform_indices = #map}]} {
    %mul3A = arith.constant 16 : i32
    %mul3A_0 = arith.muli %arg0, %mul3A : i32
    %add3A = arith.addi %mul3A_0, %arg1 : i32
    %mul3A_1 = arith.constant 640 : i32
    %mul3A_2 = arith.muli %arg1, %mul3A_1 : i32
    %mul3A_3 = arith.constant 10496 : i32
    %mul3A_4 = arith.muli %add3A, %mul3A_3 : i32
    %dma_start3A = tpu.memref_slice %arg3[%mul3A_4] : memref<336128xi32, #tpu.memory_space<hbm>> -> memref<10496xi32, #tpu.memory_space<hbm>>
    %dma_start3A_5 = tpu.memref_slice %arg3[%mul3A_4] : memref<336128xi32, #tpu.memory_space<hbm>> -> memref<10496xi32, #tpu.memory_space<hbm>>
    tpu.enqueue_dma source(%dma_start3A_5 : memref<10496xi32, #tpu.memory_space<hbm>>) target(%arg5 : memref<10496xi32, #tpu.memory_space<vmem>>) target_semaphore(%arg9 : memref<!tpu.dma_semaphore, #tpu.memory_space<semaphore_mem>>)
    %broadcast_in_dim3A = arith.constant 0.000000e+00 : f32
    %broadcast_in_dim3A_6 = vector.broadcast %broadcast_in_dim3A : f32 to vector<16xf32>
    %scan3A = arith.constant 0 : i32
    %scan3A_7 = arith.constant 0 : i32
    %scan3A_8 = arith.constant 128 : i32
    %scan3A_9 = arith.addi %scan3A_7, %scan3A_8 : i32
    %scan3A_10 = arith.constant 1 : i32
    scf.for %scan3A_99 = %scan3A_7 to %scan3A_9 step %scan3A_10  : i32 {
      %swap3A = arith.index_cast %scan3A_99 : i32 to index
      %swap3A_100 = arith.constant 0 : index
      %swap3A_101 = tpu.vector_load %arg6[%swap3A, %swap3A_100] {strides = array<i32>} : memref<128x128xf32, #tpu.memory_space<vmem>>, vector<1x16xf32>,
      %swap3A_102 = vector.shape_cast %swap3A_101 : vector<1x16xf32> to vector<16xf32>
      %swap3A_103 = vector.shape_cast %broadcast_in_dim3A_6 : vector<16xf32> to vector<1x16xf32>
      tpu.vector_store %arg6[%swap3A, %swap3A_100], %swap3A_103 {strides = array<i32>} : memref<128x128xf32, #tpu.memory_space<vmem>>, vector<1x16xf32>,
      %swap3A_104 = arith.index_cast %scan3A_99 : i32 to index
      %swap3A_105 = arith.constant 16 : index
      %swap3A_106 = tpu.vector_load %arg6[%swap3A_104, %swap3A_105] {strides = array<i32>} : memref<128x128xf32, #tpu.memory_space<vmem>>, vector<1x16xf32>,
      %swap3A_107 = vector.shape_cast %swap3A_106 : vector<1x16xf32> to vector<16xf32>
      %swap3A_108 = vector.shape_cast %broadcast_in_dim3A_6 : vector<16xf32> to vector<1x16xf32>
      tpu.vector_store %arg6[%swap3A_104, %swap3A_105], %swap3A_108 {strides = array<i32>} : memref<128x128xf32, #tpu.memory_space<vmem>>, vector<1x16xf32>,
      %swap3A_109 = arith.index_cast %scan3A_99 : i32 to index
      %swap3A_110 = arith.constant 32 : index
      %swap3A_111 = tpu.vector_load %arg6[%swap3A_109, %swap3A_110] {strides = array<i32>} : memref<128x128xf32, #tpu.memory_space<vmem>>, vector<1x16xf32>,
      %swap3A_112 = vector.shape_cast %swap3A_111 : vector<1x16xf32> to vector<16xf32>
      %swap3A_113 = vector.shape_cast %broadcast_in_dim3A_6 : vector<16xf32> to vector<1x16xf32>
      tpu.vector_store %arg6[%swap3A_109, %swap3A_110], %swap3A_113 {strides = array<i32>} : memref<128x128xf32, #tpu.memory_space<vmem>>, vector<1x16xf32>,
      %swap3A_114 = arith.index_cast %scan3A_99 : i32 to index
      %swap3A_115 = arith.constant 48 : index
      %swap3A_116 = tpu.vector_load %arg6[%swap3A_114, %swap3A_115] {strides = array<i32>} : memref<128x128xf32, #tpu.memory_space<vmem>>, vector<1x16xf32>,
      %swap3A_117 = vector.shape_cast %swap3A_116 : vector<1x16xf32> to vector<16xf32>
      %swap3A_118 = vector.shape_cast %broadcast_in_dim3A_6 : vector<16xf32> to vector<1x16xf32>
      tpu.vector_store %arg6[%swap3A_114, %swap3A_115], %swap3A_118 {strides = array<i32>} : memref<128x128xf32, #tpu.memory_space<vmem>>, vector<1x16xf32>,
      %swap3A_119 = arith.index_cast %scan3A_99 : i32 to index
      %swap3A_120 = arith.constant 64 : index
      %swap3A_121 = tpu.vector_load %arg6[%swap3A_119, %swap3A_120] {strides = array<i32>} : memref<128x128xf32, #tpu.memory_space<vmem>>, vector<1x16xf32>,
      %swap3A_122 = vector.shape_cast %swap3A_121 : vector<1x16xf32> to vector<16xf32>
      %swap3A_123 = vector.shape_cast %broadcast_in_dim3A_6 : vector<16xf32> to vector<1x16xf32>
      tpu.vector_store %arg6[%swap3A_119, %swap3A_120], %swap3A_123 {strides = array<i32>} : memref<128x128xf32, #tpu.memory_space<vmem>>, vector<1x16xf32>,
      %swap3A_124 = arith.index_cast %scan3A_99 : i32 to index
      %swap3A_125 = arith.constant 80 : index
      %swap3A_126 = tpu.vector_load %arg6[%swap3A_124, %swap3A_125] {strides = array<i32>} : memref<128x128xf32, #tpu.memory_space<vmem>>, vector<1x16xf32>,
      %swap3A_127 = vector.shape_cast %swap3A_126 : vector<1x16xf32> to vector<16xf32>
      %swap3A_128 = vector.shape_cast %broadcast_in_dim3A_6 : vector<16xf32> to vector<1x16xf32>
      tpu.vector_store %arg6[%swap3A_124, %swap3A_125], %swap3A_128 {strides = array<i32>} : memref<128x128xf32, #tpu.memory_space<vmem>>, vector<1x16xf32>,
      %swap3A_129 = arith.index_cast %scan3A_99 : i32 to index
      %swap3A_130 = arith.constant 96 : index
      %swap3A_131 = tpu.vector_load %arg6[%swap3A_129, %swap3A_130] {strides = array<i32>} : memref<128x128xf32, #tpu.memory_space<vmem>>, vector<1x16xf32>,
      %swap3A_132 = vector.shape_cast %swap3A_131 : vector<1x16xf32> to vector<16xf32>
      %swap3A_133 = vector.shape_cast %broadcast_in_dim3A_6 : vector<16xf32> to vector<1x16xf32>
      tpu.vector_store %arg6[%swap3A_129, %swap3A_130], %swap3A_133 {strides = array<i32>} : memref<128x128xf32, #tpu.memory_space<vmem>>, vector<1x16xf32>,
      %swap3A_134 = arith.index_cast %scan3A_99 : i32 to index
      %swap3A_135 = arith.constant 112 : index
      %swap3A_136 = tpu.vector_load %arg6[%swap3A_134, %swap3A_135] {strides = array<i32>} : memref<128x128xf32, #tpu.memory_space<vmem>>, vector<1x16xf32>,
      %swap3A_137 = vector.shape_cast %swap3A_136 : vector<1x16xf32> to vector<16xf32>
      %swap3A_138 = vector.shape_cast %broadcast_in_dim3A_6 : vector<16xf32> to vector<1x16xf32>
      tpu.vector_store %arg6[%swap3A_134, %swap3A_135], %swap3A_138 {strides = array<i32>} : memref<128x128xf32, #tpu.memory_space<vmem>>, vector<1x16xf32>,
    }
    %scan3A_11 = arith.constant 128 : i32
    %add3A_12 = arith.constant 0 : i32
    %add3A_13 = arith.addi %mul3A_2, %add3A_12 : i32
    "tpu.region"() ({
      %run_scoped3A = tpu.sem_alloc : memref<!tpu.dma_semaphore, #tpu.memory_space<semaphore_mem>>
      %dma_start3A_99 = arith.constant 0 : i32
      %dma_start3A_100 = tpu.memref_slice %arg8[%add3A_13, %dma_start3A_99] : memref<10240x128xf32, #tpu.memory_space<vmem_shared>> -> memref<128x128xf32, #tpu.memory_space<vmem_shared>>
      %dma_start3A_101 = arith.constant 0 : i32
      %dma_start3A_102 = tpu.memref_slice %arg8[%add3A_13, %dma_start3A_101] : memref<10240x128xf32, #tpu.memory_space<vmem_shared>> -> memref<128x128xf32, #tpu.memory_space<vmem_shared>>
      tpu.enqueue_dma source(%arg6 : memref<128x128xf32, #tpu.memory_space<vmem>>) target(%dma_start3A_102 : memref<128x128xf32, #tpu.memory_space<vmem_shared>>) target_semaphore(%run_scoped3A : memref<!tpu.dma_semaphore, #tpu.memory_space<semaphore_mem>>)
      %dma_wait3A_103 = arith.constant 0 : i32
      %dma_wait3A_104 = tpu.memref_slice %arg8[%add3A_13, %dma_wait3A_103] : memref<10240x128xf32, #tpu.memory_space<vmem_shared>> -> memref<128x128xf32, #tpu.memory_space<vmem_shared>>
      %dma_wait3A_105 = arith.constant 0 : i32
      %dma_wait3A_106 = tpu.memref_slice %arg8[%add3A_13, %dma_wait3A_105] : memref<10240x128xf32, #tpu.memory_space<vmem_shared>> -> memref<128x128xf32, #tpu.memory_space<vmem_shared>>
      tpu.wait_dma2 semaphore(%run_scoped3A : memref<!tpu.dma_semaphore, #tpu.memory_space<semaphore_mem>>) src(%arg6 : memref<128x128xf32, #tpu.memory_space<vmem>>) dst(%dma_wait3A_106 : memref<128x128xf32, #tpu.memory_space<vmem_shared>>)
      tpu.yield
    }) : () -> ()
    %add3A_14 = arith.constant 128 : i32
    %add3A_15 = arith.addi %mul3A_2, %add3A_14 : i32
    "tpu.region"() ({
      %run_scoped3A = tpu.sem_alloc : memref<!tpu.dma_semaphore, #tpu.memory_space<semaphore_mem>>
      %dma_start3A_99 = arith.constant 0 : i32
      %dma_start3A_100 = tpu.memref_slice %arg8[%add3A_15, %dma_start3A_99] : memref<10240x128xf32, #tpu.memory_space<vmem_shared>> -> memref<128x128xf32, #tpu.memory_space<vmem_shared>>
      %dma_start3A_101 = arith.constant 0 : i32
      %dma_start3A_102 = tpu.memref_slice %arg8[%add3A_15, %dma_start3A_101] : memref<10240x128xf32, #tpu.memory_space<vmem_shared>> -> memref<128x128xf32, #tpu.memory_space<vmem_shared>>
      tpu.enqueue_dma source(%arg6 : memref<128x128xf32, #tpu.memory_space<vmem>>) target(%dma_start3A_102 : memref<128x128xf32, #tpu.memory_space<vmem_shared>>) target_semaphore(%run_scoped3A : memref<!tpu.dma_semaphore, #tpu.memory_space<semaphore_mem>>)
      %dma_wait3A_103 = arith.constant 0 : i32
      %dma_wait3A_104 = tpu.memref_slice %arg8[%add3A_15, %dma_wait3A_103] : memref<10240x128xf32, #tpu.memory_space<vmem_shared>> -> memref<128x128xf32, #tpu.memory_space<vmem_shared>>
      %dma_wait3A_105 = arith.constant 0 : i32
      %dma_wait3A_106 = tpu.memref_slice %arg8[%add3A_15, %dma_wait3A_105] : memref<10240x128xf32, #tpu.memory_space<vmem_shared>> -> memref<128x128xf32, #tpu.memory_space<vmem_shared>>
      tpu.wait_dma2 semaphore(%run_scoped3A : memref<!tpu.dma_semaphore, #tpu.memory_space<semaphore_mem>>) src(%arg6 : memref<128x128xf32, #tpu.memory_space<vmem>>) dst(%dma_wait3A_106 : memref<128x128xf32, #tpu.memory_space<vmem_shared>>)
      tpu.yield
    }) : () -> ()
    %add3A_16 = arith.constant 256 : i32
    %add3A_17 = arith.addi %mul3A_2, %add3A_16 : i32
    "tpu.region"() ({
      %run_scoped3A = tpu.sem_alloc : memref<!tpu.dma_semaphore, #tpu.memory_space<semaphore_mem>>
      %dma_start3A_99 = arith.constant 0 : i32
      %dma_start3A_100 = tpu.memref_slice %arg8[%add3A_17, %dma_start3A_99] : memref<10240x128xf32, #tpu.memory_space<vmem_shared>> -> memref<128x128xf32, #tpu.memory_space<vmem_shared>>
      %dma_start3A_101 = arith.constant 0 : i32
      %dma_start3A_102 = tpu.memref_slice %arg8[%add3A_17, %dma_start3A_101] : memref<10240x128xf32, #tpu.memory_space<vmem_shared>> -> memref<128x128xf32, #tpu.memory_space<vmem_shared>>
      tpu.enqueue_dma source(%arg6 : memref<128x128xf32, #tpu.memory_space<vmem>>) target(%dma_start3A_102 : memref<128x128xf32, #tpu.memory_space<vmem_shared>>) target_semaphore(%run_scoped3A : memref<!tpu.dma_semaphore, #tpu.memory_space<semaphore_mem>>)
      %dma_wait3A_103 = arith.constant 0 : i32
      %dma_wait3A_104 = tpu.memref_slice %arg8[%add3A_17, %dma_wait3A_103] : memref<10240x128xf32, #tpu.memory_space<vmem_shared>> -> memref<128x128xf32, #tpu.memory_space<vmem_shared>>
      %dma_wait3A_105 = arith.constant 0 : i32
      %dma_wait3A_106 = tpu.memref_slice %arg8[%add3A_17, %dma_wait3A_105] : memref<10240x128xf32, #tpu.memory_space<vmem_shared>> -> memref<128x128xf32, #tpu.memory_space<vmem_shared>>
      tpu.wait_dma2 semaphore(%run_scoped3A : memref<!tpu.dma_semaphore, #tpu.memory_space<semaphore_mem>>) src(%arg6 : memref<128x128xf32, #tpu.memory_space<vmem>>) dst(%dma_wait3A_106 : memref<128x128xf32, #tpu.memory_space<vmem_shared>>)
      tpu.yield
    }) : () -> ()
    %add3A_18 = arith.constant 384 : i32
    %add3A_19 = arith.addi %mul3A_2, %add3A_18 : i32
    "tpu.region"() ({
      %run_scoped3A = tpu.sem_alloc : memref<!tpu.dma_semaphore, #tpu.memory_space<semaphore_mem>>
      %dma_start3A_99 = arith.constant 0 : i32
      %dma_start3A_100 = tpu.memref_slice %arg8[%add3A_19, %dma_start3A_99] : memref<10240x128xf32, #tpu.memory_space<vmem_shared>> -> memref<128x128xf32, #tpu.memory_space<vmem_shared>>
      %dma_start3A_101 = arith.constant 0 : i32
      %dma_start3A_102 = tpu.memref_slice %arg8[%add3A_19, %dma_start3A_101] : memref<10240x128xf32, #tpu.memory_space<vmem_shared>> -> memref<128x128xf32, #tpu.memory_space<vmem_shared>>
      tpu.enqueue_dma source(%arg6 : memref<128x128xf32, #tpu.memory_space<vmem>>) target(%dma_start3A_102 : memref<128x128xf32, #tpu.memory_space<vmem_shared>>) target_semaphore(%run_scoped3A : memref<!tpu.dma_semaphore, #tpu.memory_space<semaphore_mem>>)
      %dma_wait3A_103 = arith.constant 0 : i32
      %dma_wait3A_104 = tpu.memref_slice %arg8[%add3A_19, %dma_wait3A_103] : memref<10240x128xf32, #tpu.memory_space<vmem_shared>> -> memref<128x128xf32, #tpu.memory_space<vmem_shared>>
      %dma_wait3A_105 = arith.constant 0 : i32
      %dma_wait3A_106 = tpu.memref_slice %arg8[%add3A_19, %dma_wait3A_105] : memref<10240x128xf32, #tpu.memory_space<vmem_shared>> -> memref<128x128xf32, #tpu.memory_space<vmem_shared>>
      tpu.wait_dma2 semaphore(%run_scoped3A : memref<!tpu.dma_semaphore, #tpu.memory_space<semaphore_mem>>) src(%arg6 : memref<128x128xf32, #tpu.memory_space<vmem>>) dst(%dma_wait3A_106 : memref<128x128xf32, #tpu.memory_space<vmem_shared>>)
      tpu.yield
    }) : () -> ()
    %add3A_20 = arith.constant 512 : i32
    %add3A_21 = arith.addi %mul3A_2, %add3A_20 : i32
    "tpu.region"() ({
      %run_scoped3A = tpu.sem_alloc : memref<!tpu.dma_semaphore, #tpu.memory_space<semaphore_mem>>
      %dma_start3A_99 = arith.constant 0 : i32
      %dma_start3A_100 = tpu.memref_slice %arg8[%add3A_21, %dma_start3A_99] : memref<10240x128xf32, #tpu.memory_space<vmem_shared>> -> memref<128x128xf32, #tpu.memory_space<vmem_shared>>
      %dma_start3A_101 = arith.constant 0 : i32
      %dma_start3A_102 = tpu.memref_slice %arg8[%add3A_21, %dma_start3A_101] : memref<10240x128xf32, #tpu.memory_space<vmem_shared>> -> memref<128x128xf32, #tpu.memory_space<vmem_shared>>
      tpu.enqueue_dma source(%arg6 : memref<128x128xf32, #tpu.memory_space<vmem>>) target(%dma_start3A_102 : memref<128x128xf32, #tpu.memory_space<vmem_shared>>) target_semaphore(%run_scoped3A : memref<!tpu.dma_semaphore, #tpu.memory_space<semaphore_mem>>)
      %dma_wait3A_103 = arith.constant 0 : i32
      %dma_wait3A_104 = tpu.memref_slice %arg8[%add3A_21, %dma_wait3A_103] : memref<10240x128xf32, #tpu.memory_space<vmem_shared>> -> memref<128x128xf32, #tpu.memory_space<vmem_shared>>
      %dma_wait3A_105 = arith.constant 0 : i32
      %dma_wait3A_106 = tpu.memref_slice %arg8[%add3A_21, %dma_wait3A_105] : memref<10240x128xf32, #tpu.memory_space<vmem_shared>> -> memref<128x128xf32, #tpu.memory_space<vmem_shared>>
      tpu.wait_dma2 semaphore(%run_scoped3A : memref<!tpu.dma_semaphore, #tpu.memory_space<semaphore_mem>>) src(%arg6 : memref<128x128xf32, #tpu.memory_space<vmem>>) dst(%dma_wait3A_106 : memref<128x128xf32, #tpu.memory_space<vmem_shared>>)
      tpu.yield
    }) : () -> ()
    %barrier3A = arith.constant 0 : index
    tpu.barrier barrier_id(%barrier3A)
    %mul3A_22 = arith.constant 10496 : i32
    %mul3A_23 = arith.muli %add3A, %mul3A_22 : i32
    %dma_wait3A = tpu.memref_slice %arg3[%mul3A_23] : memref<336128xi32, #tpu.memory_space<hbm>> -> memref<10496xi32, #tpu.memory_space<hbm>>
    %dma_wait3A_24 = tpu.memref_slice %arg3[%mul3A_23] : memref<336128xi32, #tpu.memory_space<hbm>> -> memref<10496xi32, #tpu.memory_space<hbm>>
    tpu.wait_dma2 semaphore(%arg9 : memref<!tpu.dma_semaphore, #tpu.memory_space<semaphore_mem>>) src(%dma_wait3A_24 : memref<10496xi32, #tpu.memory_space<hbm>>) dst(%arg5 : memref<10496xi32, #tpu.memory_space<vmem>>)
    %mul3A_25 = arith.constant 10496 : i32
    %mul3A_26 = arith.muli %add3A, %mul3A_25 : i32
    %add3A_27 = arith.constant 0 : i32
    %add3A_28 = arith.addi %mul3A_26, %add3A_27 : i32
    %dma_start3A_29 = arith.constant 0 : i32
    %dma_start3A_30 = tpu.memref_slice %arg2[%add3A_28, %dma_start3A_29] : memref<336128x128xf32, #tpu.memory_space<hbm>> -> memref<128x128xf32, #tpu.memory_space<hbm>>
    %dma_start3A_31 = arith.constant 0 : i32
    %dma_start3A_32 = tpu.memref_slice %arg2[%add3A_28, %dma_start3A_31] : memref<336128x128xf32, #tpu.memory_space<hbm>> -> memref<128x128xf32, #tpu.memory_space<hbm>>
    tpu.enqueue_dma source(%dma_start3A_32 : memref<128x128xf32, #tpu.memory_space<hbm>>) target(%arg6 : memref<128x128xf32, #tpu.memory_space<vmem>>) target_semaphore(%arg10 : memref<!tpu.dma_semaphore, #tpu.memory_space<semaphore_mem>>)
    %mul3A_33 = arith.constant 10496 : i32
    %mul3A_34 = arith.muli %add3A, %mul3A_33 : i32
    %add3A_35 = arith.constant 128 : i32
    %add3A_36 = arith.addi %mul3A_34, %add3A_35 : i32
    %dma_start3A_37 = arith.constant 0 : i32
    %dma_start3A_38 = tpu.memref_slice %arg2[%add3A_36, %dma_start3A_37] : memref<336128x128xf32, #tpu.memory_space<hbm>> -> memref<128x128xf32, #tpu.memory_space<hbm>>
    %dma_start3A_39 = arith.constant 0 : i32
    %dma_start3A_40 = tpu.memref_slice %arg2[%add3A_36, %dma_start3A_39] : memref<336128x128xf32, #tpu.memory_space<hbm>> -> memref<128x128xf32, #tpu.memory_space<hbm>>
    tpu.enqueue_dma source(%dma_start3A_40 : memref<128x128xf32, #tpu.memory_space<hbm>>) target(%arg7 : memref<128x128xf32, #tpu.memory_space<vmem>>) target_semaphore(%arg11 : memref<!tpu.dma_semaphore, #tpu.memory_space<semaphore_mem>>)
    %scan3A_41 = arith.constant 0 : i32
    %scan3A_42 = arith.constant 0 : i32
    %scan3A_43 = arith.constant 41 : i32
    %scan3A_44 = arith.addi %scan3A_42, %scan3A_43 : i32
    %scan3A_45 = arith.constant 1 : i32
    scf.for %scan3A_99 = %scan3A_42 to %scan3A_44 step %scan3A_45  : i32 {
      %mul3A_100 = arith.constant 2 : i32
      %mul3A_101 = arith.muli %mul3A_100, %scan3A_99 : i32
      %mul3A_102 = arith.constant 10496 : i32
      %mul3A_103 = arith.muli %add3A, %mul3A_102 : i32
      %mul3A_104 = arith.constant 128 : i32
      %mul3A_105 = arith.muli %mul3A_101, %mul3A_104 : i32
      %add3A_106 = arith.addi %mul3A_103, %mul3A_105 : i32
      %dma_wait3A_107 = arith.constant 0 : i32
      %dma_wait3A_108 = tpu.memref_slice %arg2[%add3A_106, %dma_wait3A_107] : memref<336128x128xf32, #tpu.memory_space<hbm>> -> memref<128x128xf32, #tpu.memory_space<hbm>>
      %dma_wait3A_109 = arith.constant 0 : i32
      %dma_wait3A_110 = tpu.memref_slice %arg2[%add3A_106, %dma_wait3A_109] : memref<336128x128xf32, #tpu.memory_space<hbm>> -> memref<128x128xf32, #tpu.memory_space<hbm>>
      tpu.wait_dma2 semaphore(%arg10 : memref<!tpu.dma_semaphore, #tpu.memory_space<semaphore_mem>>) src(%dma_wait3A_110 : memref<128x128xf32, #tpu.memory_space<hbm>>) dst(%arg6 : memref<128x128xf32, #tpu.memory_space<vmem>>)
      %mul3A_111 = arith.constant 128 : i32
      %mul3A_112 = arith.muli %mul3A_101, %mul3A_111 : i32
      %dma_start3A_113 = tpu.memref_slice %arg5[%mul3A_112] : memref<10496xi32, #tpu.memory_space<vmem>> -> memref<128xi32, #tpu.memory_space<vmem>>
      %dma_start3A_114 = arith.constant 0 : i32
      %dma_start3A_115 = arith.constant 0 : i32
      %dma_start3A_116 = tpu.memref_slice %arg8[%dma_start3A_114, %dma_start3A_115] : memref<10240x128xf32, #tpu.memory_space<vmem_shared>> -> memref<10240x128xf32, #tpu.memory_space<vmem_shared>>
      tpu.enqueue_indirect_dma source(%arg6 : memref<128x128xf32, #tpu.memory_space<vmem>>) target(%dma_start3A_116 : memref<10240x128xf32, #tpu.memory_space<vmem_shared>>) offsets(%dma_start3A_113 : memref<128xi32, #tpu.memory_space<vmem>>) semaphore(%arg12 : memref<!tpu.dma_semaphore, #tpu.memory_space<semaphore_mem>>) {add = true}
      %dma_wait3A_117 = tpu.memref_slice %arg5[%mul3A_112] : memref<10496xi32, #tpu.memory_space<vmem>> -> memref<128xi32, #tpu.memory_space<vmem>>
      %dma_wait3A_118 = arith.constant 0 : i32
      %dma_wait3A_119 = arith.constant 0 : i32
      %dma_wait3A_120 = tpu.memref_slice %arg8[%dma_wait3A_118, %dma_wait3A_119] : memref<10240x128xf32, #tpu.memory_space<vmem_shared>> -> memref<10240x128xf32, #tpu.memory_space<vmem_shared>>
      tpu.wait_indirect_dma semaphore(%arg12 : memref<!tpu.dma_semaphore, #tpu.memory_space<semaphore_mem>>) src(%arg6 : memref<128x128xf32, #tpu.memory_space<vmem>>) dst(%dma_wait3A_120 : memref<10240x128xf32, #tpu.memory_space<vmem_shared>>)
      %add3A_121 = arith.constant 2 : i32
      %add3A_122 = arith.addi %mul3A_101, %add3A_121 : i32
      %mul3A_123 = arith.constant 10496 : i32
      %mul3A_124 = arith.muli %add3A, %mul3A_123 : i32
      %mul3A_125 = arith.constant 128 : i32
      %mul3A_126 = arith.muli %add3A_122, %mul3A_125 : i32
      %add3A_127 = arith.addi %mul3A_124, %mul3A_126 : i32
      %dma_start3A_128 = arith.constant 0 : i32
      %dma_start3A_129 = tpu.memref_slice %arg2[%add3A_127, %dma_start3A_128] : memref<336128x128xf32, #tpu.memory_space<hbm>> -> memref<128x128xf32, #tpu.memory_space<hbm>>
      %dma_start3A_130 = arith.constant 0 : i32
      %dma_start3A_131 = tpu.memref_slice %arg2[%add3A_127, %dma_start3A_130] : memref<336128x128xf32, #tpu.memory_space<hbm>> -> memref<128x128xf32, #tpu.memory_space<hbm>>
      tpu.enqueue_dma source(%dma_start3A_131 : memref<128x128xf32, #tpu.memory_space<hbm>>) target(%arg6 : memref<128x128xf32, #tpu.memory_space<vmem>>) target_semaphore(%arg10 : memref<!tpu.dma_semaphore, #tpu.memory_space<semaphore_mem>>)
      %add3A_132 = arith.constant 1 : i32
      %add3A_133 = arith.addi %mul3A_101, %add3A_132 : i32
      %mul3A_134 = arith.constant 10496 : i32
      %mul3A_135 = arith.muli %add3A, %mul3A_134 : i32
      %mul3A_136 = arith.constant 128 : i32
      %mul3A_137 = arith.muli %add3A_133, %mul3A_136 : i32
      %add3A_138 = arith.addi %mul3A_135, %mul3A_137 : i32
      %dma_wait3A_139 = arith.constant 0 : i32
      %dma_wait3A_140 = tpu.memref_slice %arg2[%add3A_138, %dma_wait3A_139] : memref<336128x128xf32, #tpu.memory_space<hbm>> -> memref<128x128xf32, #tpu.memory_space<hbm>>
      %dma_wait3A_141 = arith.constant 0 : i32
      %dma_wait3A_142 = tpu.memref_slice %arg2[%add3A_138, %dma_wait3A_141] : memref<336128x128xf32, #tpu.memory_space<hbm>> -> memref<128x128xf32, #tpu.memory_space<hbm>>
      tpu.wait_dma2 semaphore(%arg11 : memref<!tpu.dma_semaphore, #tpu.memory_space<semaphore_mem>>) src(%dma_wait3A_142 : memref<128x128xf32, #tpu.memory_space<hbm>>) dst(%arg7 : memref<128x128xf32, #tpu.memory_space<vmem>>)
      %add3A_143 = arith.constant 1 : i32
      %add3A_144 = arith.addi %mul3A_101, %add3A_143 : i32
      %mul3A_145 = arith.constant 128 : i32
      %mul3A_146 = arith.muli %add3A_144, %mul3A_145 : i32
      %dma_start3A_147 = tpu.memref_slice %arg5[%mul3A_146] : memref<10496xi32, #tpu.memory_space<vmem>> -> memref<128xi32, #tpu.memory_space<vmem>>
      %dma_start3A_148 = arith.constant 0 : i32
      %dma_start3A_149 = arith.constant 0 : i32
      %dma_start3A_150 = tpu.memref_slice %arg8[%dma_start3A_148, %dma_start3A_149] : memref<10240x128xf32, #tpu.memory_space<vmem_shared>> -> memref<10240x128xf32, #tpu.memory_space<vmem_shared>>
      tpu.enqueue_indirect_dma source(%arg7 : memref<128x128xf32, #tpu.memory_space<vmem>>) target(%dma_start3A_150 : memref<10240x128xf32, #tpu.memory_space<vmem_shared>>) offsets(%dma_start3A_147 : memref<128xi32, #tpu.memory_space<vmem>>) semaphore(%arg12 : memref<!tpu.dma_semaphore, #tpu.memory_space<semaphore_mem>>) {add = true}
      %dma_wait3A_151 = tpu.memref_slice %arg5[%mul3A_146] : memref<10496xi32, #tpu.memory_space<vmem>> -> memref<128xi32, #tpu.memory_space<vmem>>
      %dma_wait3A_152 = arith.constant 0 : i32
      %dma_wait3A_153 = arith.constant 0 : i32
      %dma_wait3A_154 = tpu.memref_slice %arg8[%dma_wait3A_152, %dma_wait3A_153] : memref<10240x128xf32, #tpu.memory_space<vmem_shared>> -> memref<10240x128xf32, #tpu.memory_space<vmem_shared>>
      tpu.wait_indirect_dma semaphore(%arg12 : memref<!tpu.dma_semaphore, #tpu.memory_space<semaphore_mem>>) src(%arg7 : memref<128x128xf32, #tpu.memory_space<vmem>>) dst(%dma_wait3A_154 : memref<10240x128xf32, #tpu.memory_space<vmem_shared>>)
      %add3A_155 = arith.constant 3 : i32
      %add3A_156 = arith.addi %mul3A_101, %add3A_155 : i32
      %mul3A_157 = arith.constant 10496 : i32
      %mul3A_158 = arith.muli %add3A, %mul3A_157 : i32
      %mul3A_159 = arith.constant 128 : i32
      %mul3A_160 = arith.muli %add3A_156, %mul3A_159 : i32
      %add3A_161 = arith.addi %mul3A_158, %mul3A_160 : i32
      %dma_start3A_162 = arith.constant 0 : i32
      %dma_start3A_163 = tpu.memref_slice %arg2[%add3A_161, %dma_start3A_162] : memref<336128x128xf32, #tpu.memory_space<hbm>> -> memref<128x128xf32, #tpu.memory_space<hbm>>
      %dma_start3A_164 = arith.constant 0 : i32
      %dma_start3A_165 = tpu.memref_slice %arg2[%add3A_161, %dma_start3A_164] : memref<336128x128xf32, #tpu.memory_space<hbm>> -> memref<128x128xf32, #tpu.memory_space<hbm>>
      tpu.enqueue_dma source(%dma_start3A_165 : memref<128x128xf32, #tpu.memory_space<hbm>>) target(%arg7 : memref<128x128xf32, #tpu.memory_space<vmem>>) target_semaphore(%arg11 : memref<!tpu.dma_semaphore, #tpu.memory_space<semaphore_mem>>)
    }
    %scan3A_46 = arith.constant 41 : i32
    %mul3A_47 = arith.constant 10496 : i32
    %mul3A_48 = arith.muli %add3A, %mul3A_47 : i32
    %add3A_49 = arith.constant 10496 : i32
    %add3A_50 = arith.addi %mul3A_48, %add3A_49 : i32
    %dma_wait3A_51 = arith.constant 0 : i32
    %dma_wait3A_52 = tpu.memref_slice %arg2[%add3A_50, %dma_wait3A_51] : memref<336128x128xf32, #tpu.memory_space<hbm>> -> memref<128x128xf32, #tpu.memory_space<hbm>>
    %dma_wait3A_53 = arith.constant 0 : i32
    %dma_wait3A_54 = tpu.memref_slice %arg2[%add3A_50, %dma_wait3A_53] : memref<336128x128xf32, #tpu.memory_space<hbm>> -> memref<128x128xf32, #tpu.memory_space<hbm>>
    tpu.wait_dma2 semaphore(%arg10 : memref<!tpu.dma_semaphore, #tpu.memory_space<semaphore_mem>>) src(%dma_wait3A_54 : memref<128x128xf32, #tpu.memory_space<hbm>>) dst(%arg6 : memref<128x128xf32, #tpu.memory_space<vmem>>)
    %mul3A_55 = arith.constant 10496 : i32
    %mul3A_56 = arith.muli %add3A, %mul3A_55 : i32
    %add3A_57 = arith.constant 10624 : i32
    %add3A_58 = arith.addi %mul3A_56, %add3A_57 : i32
    %dma_wait3A_59 = arith.constant 0 : i32
    %dma_wait3A_60 = tpu.memref_slice %arg2[%add3A_58, %dma_wait3A_59] : memref<336128x128xf32, #tpu.memory_space<hbm>> -> memref<128x128xf32, #tpu.memory_space<hbm>>
    %dma_wait3A_61 = arith.constant 0 : i32
    %dma_wait3A_62 = tpu.memref_slice %arg2[%add3A_58, %dma_wait3A_61] : memref<336128x128xf32, #tpu.memory_space<hbm>> -> memref<128x128xf32, #tpu.memory_space<hbm>>
    tpu.wait_dma2 semaphore(%arg11 : memref<!tpu.dma_semaphore, #tpu.memory_space<semaphore_mem>>) src(%dma_wait3A_62 : memref<128x128xf32, #tpu.memory_space<hbm>>) dst(%arg7 : memref<128x128xf32, #tpu.memory_space<vmem>>)
    %barrier3A_63 = arith.constant 0 : index
    tpu.barrier barrier_id(%barrier3A_63)
    %add3A_64 = arith.constant 0 : i32
    %add3A_65 = arith.addi %mul3A_2, %add3A_64 : i32
    %mul3A_66 = arith.constant 10240 : i32
    %mul3A_67 = arith.muli %arg0, %mul3A_66 : i32
    %add3A_68 = arith.addi %mul3A_67, %mul3A_2 : i32
    %add3A_69 = arith.constant 0 : i32
    %add3A_70 = arith.addi %add3A_68, %add3A_69 : i32
    "tpu.region"() ({
      %run_scoped3A = tpu.sem_alloc : memref<!tpu.dma_semaphore, #tpu.memory_space<semaphore_mem>>
      %dma_start3A_99 = arith.constant 0 : i32
      %dma_start3A_100 = tpu.memref_slice %arg4[%add3A_70, %dma_start3A_99] : memref<20480x128xf32, #tpu.memory_space<hbm>> -> memref<128x128xf32, #tpu.memory_space<hbm>>
      %dma_start3A_101 = arith.constant 0 : i32
      %dma_start3A_102 = tpu.memref_slice %arg8[%add3A_65, %dma_start3A_101] : memref<10240x128xf32, #tpu.memory_space<vmem_shared>> -> memref<128x128xf32, #tpu.memory_space<vmem_shared>>
      tpu.enqueue_dma source(%dma_start3A_102 : memref<128x128xf32, #tpu.memory_space<vmem_shared>>) target(%dma_start3A_100 : memref<128x128xf32, #tpu.memory_space<hbm>>) target_semaphore(%run_scoped3A : memref<!tpu.dma_semaphore, #tpu.memory_space<semaphore_mem>>)
      %dma_wait3A_103 = arith.constant 0 : i32
      %dma_wait3A_104 = tpu.memref_slice %arg4[%add3A_70, %dma_wait3A_103] : memref<20480x128xf32, #tpu.memory_space<hbm>> -> memref<128x128xf32, #tpu.memory_space<hbm>>
      %dma_wait3A_105 = arith.constant 0 : i32
      %dma_wait3A_106 = tpu.memref_slice %arg8[%add3A_65, %dma_wait3A_105] : memref<10240x128xf32, #tpu.memory_space<vmem_shared>> -> memref<128x128xf32, #tpu.memory_space<vmem_shared>>
      tpu.wait_dma2 semaphore(%run_scoped3A : memref<!tpu.dma_semaphore, #tpu.memory_space<semaphore_mem>>) src(%dma_wait3A_106 : memref<128x128xf32, #tpu.memory_space<vmem_shared>>) dst(%dma_wait3A_104 : memref<128x128xf32, #tpu.memory_space<hbm>>)
      tpu.yield
    }) : () -> ()
    %add3A_71 = arith.constant 128 : i32
    %add3A_72 = arith.addi %mul3A_2, %add3A_71 : i32
    %mul3A_73 = arith.constant 10240 : i32
    %mul3A_74 = arith.muli %arg0, %mul3A_73 : i32
    %add3A_75 = arith.addi %mul3A_74, %mul3A_2 : i32
    %add3A_76 = arith.constant 128 : i32
    %add3A_77 = arith.addi %add3A_75, %add3A_76 : i32
    "tpu.region"() ({
      %run_scoped3A = tpu.sem_alloc : memref<!tpu.dma_semaphore, #tpu.memory_space<semaphore_mem>>
      %dma_start3A_99 = arith.constant 0 : i32
      %dma_start3A_100 = tpu.memref_slice %arg4[%add3A_77, %dma_start3A_99] : memref<20480x128xf32, #tpu.memory_space<hbm>> -> memref<128x128xf32, #tpu.memory_space<hbm>>
      %dma_start3A_101 = arith.constant 0 : i32
      %dma_start3A_102 = tpu.memref_slice %arg8[%add3A_72, %dma_start3A_101] : memref<10240x128xf32, #tpu.memory_space<vmem_shared>> -> memref<128x128xf32, #tpu.memory_space<vmem_shared>>
      tpu.enqueue_dma source(%dma_start3A_102 : memref<128x128xf32, #tpu.memory_space<vmem_shared>>) target(%dma_start3A_100 : memref<128x128xf32, #tpu.memory_space<hbm>>) target_semaphore(%run_scoped3A : memref<!tpu.dma_semaphore, #tpu.memory_space<semaphore_mem>>)
      %dma_wait3A_103 = arith.constant 0 : i32
      %dma_wait3A_104 = tpu.memref_slice %arg4[%add3A_77, %dma_wait3A_103] : memref<20480x128xf32, #tpu.memory_space<hbm>> -> memref<128x128xf32, #tpu.memory_space<hbm>>
      %dma_wait3A_105 = arith.constant 0 : i32
      %dma_wait3A_106 = tpu.memref_slice %arg8[%add3A_72, %dma_wait3A_105] : memref<10240x128xf32, #tpu.memory_space<vmem_shared>> -> memref<128x128xf32, #tpu.memory_space<vmem_shared>>
      tpu.wait_dma2 semaphore(%run_scoped3A : memref<!tpu.dma_semaphore, #tpu.memory_space<semaphore_mem>>) src(%dma_wait3A_106 : memref<128x128xf32, #tpu.memory_space<vmem_shared>>) dst(%dma_wait3A_104 : memref<128x128xf32, #tpu.memory_space<hbm>>)
      tpu.yield
    }) : () -> ()
    %add3A_78 = arith.constant 256 : i32
    %add3A_79 = arith.addi %mul3A_2, %add3A_78 : i32
    %mul3A_80 = arith.constant 10240 : i32
    %mul3A_81 = arith.muli %arg0, %mul3A_80 : i32
    %add3A_82 = arith.addi %mul3A_81, %mul3A_2 : i32
    %add3A_83 = arith.constant 256 : i32
    %add3A_84 = arith.addi %add3A_82, %add3A_83 : i32
    "tpu.region"() ({
      %run_scoped3A = tpu.sem_alloc : memref<!tpu.dma_semaphore, #tpu.memory_space<semaphore_mem>>
      %dma_start3A_99 = arith.constant 0 : i32
      %dma_start3A_100 = tpu.memref_slice %arg4[%add3A_84, %dma_start3A_99] : memref<20480x128xf32, #tpu.memory_space<hbm>> -> memref<128x128xf32, #tpu.memory_space<hbm>>
      %dma_start3A_101 = arith.constant 0 : i32
      %dma_start3A_102 = tpu.memref_slice %arg8[%add3A_79, %dma_start3A_101] : memref<10240x128xf32, #tpu.memory_space<vmem_shared>> -> memref<128x128xf32, #tpu.memory_space<vmem_shared>>
      tpu.enqueue_dma source(%dma_start3A_102 : memref<128x128xf32, #tpu.memory_space<vmem_shared>>) target(%dma_start3A_100 : memref<128x128xf32, #tpu.memory_space<hbm>>) target_semaphore(%run_scoped3A : memref<!tpu.dma_semaphore, #tpu.memory_space<semaphore_mem>>)
      %dma_wait3A_103 = arith.constant 0 : i32
      %dma_wait3A_104 = tpu.memref_slice %arg4[%add3A_84, %dma_wait3A_103] : memref<20480x128xf32, #tpu.memory_space<hbm>> -> memref<128x128xf32, #tpu.memory_space<hbm>>
      %dma_wait3A_105 = arith.constant 0 : i32
      %dma_wait3A_106 = tpu.memref_slice %arg8[%add3A_79, %dma_wait3A_105] : memref<10240x128xf32, #tpu.memory_space<vmem_shared>> -> memref<128x128xf32, #tpu.memory_space<vmem_shared>>
      tpu.wait_dma2 semaphore(%run_scoped3A : memref<!tpu.dma_semaphore, #tpu.memory_space<semaphore_mem>>) src(%dma_wait3A_106 : memref<128x128xf32, #tpu.memory_space<vmem_shared>>) dst(%dma_wait3A_104 : memref<128x128xf32, #tpu.memory_space<hbm>>)
      tpu.yield
    }) : () -> ()
    %add3A_85 = arith.constant 384 : i32
    %add3A_86 = arith.addi %mul3A_2, %add3A_85 : i32
    %mul3A_87 = arith.constant 10240 : i32
    %mul3A_88 = arith.muli %arg0, %mul3A_87 : i32
    %add3A_89 = arith.addi %mul3A_88, %mul3A_2 : i32
    %add3A_90 = arith.constant 384 : i32
    %add3A_91 = arith.addi %add3A_89, %add3A_90 : i32
    "tpu.region"() ({
      %run_scoped3A = tpu.sem_alloc : memref<!tpu.dma_semaphore, #tpu.memory_space<semaphore_mem>>
      %dma_start3A_99 = arith.constant 0 : i32
      %dma_start3A_100 = tpu.memref_slice %arg4[%add3A_91, %dma_start3A_99] : memref<20480x128xf32, #tpu.memory_space<hbm>> -> memref<128x128xf32, #tpu.memory_space<hbm>>
      %dma_start3A_101 = arith.constant 0 : i32
      %dma_start3A_102 = tpu.memref_slice %arg8[%add3A_86, %dma_start3A_101] : memref<10240x128xf32, #tpu.memory_space<vmem_shared>> -> memref<128x128xf32, #tpu.memory_space<vmem_shared>>
      tpu.enqueue_dma source(%dma_start3A_102 : memref<128x128xf32, #tpu.memory_space<vmem_shared>>) target(%dma_start3A_100 : memref<128x128xf32, #tpu.memory_space<hbm>>) target_semaphore(%run_scoped3A : memref<!tpu.dma_semaphore, #tpu.memory_space<semaphore_mem>>)
      %dma_wait3A_103 = arith.constant 0 : i32
      %dma_wait3A_104 = tpu.memref_slice %arg4[%add3A_91, %dma_wait3A_103] : memref<20480x128xf32, #tpu.memory_space<hbm>> -> memref<128x128xf32, #tpu.memory_space<hbm>>
      %dma_wait3A_105 = arith.constant 0 : i32
      %dma_wait3A_106 = tpu.memref_slice %arg8[%add3A_86, %dma_wait3A_105] : memref<10240x128xf32, #tpu.memory_space<vmem_shared>> -> memref<128x128xf32, #tpu.memory_space<vmem_shared>>
      tpu.wait_dma2 semaphore(%run_scoped3A : memref<!tpu.dma_semaphore, #tpu.memory_space<semaphore_mem>>) src(%dma_wait3A_106 : memref<128x128xf32, #tpu.memory_space<vmem_shared>>) dst(%dma_wait3A_104 : memref<128x128xf32, #tpu.memory_space<hbm>>)
      tpu.yield
    }) : () -> ()
    %add3A_92 = arith.constant 512 : i32
    %add3A_93 = arith.addi %mul3A_2, %add3A_92 : i32
    %mul3A_94 = arith.constant 10240 : i32
    %mul3A_95 = arith.muli %arg0, %mul3A_94 : i32
    %add3A_96 = arith.addi %mul3A_95, %mul3A_2 : i32
    %add3A_97 = arith.constant 512 : i32
    %add3A_98 = arith.addi %add3A_96, %add3A_97 : i32
    "tpu.region"() ({
      %run_scoped3A = tpu.sem_alloc : memref<!tpu.dma_semaphore, #tpu.memory_space<semaphore_mem>>
      %dma_start3A_99 = arith.constant 0 : i32
      %dma_start3A_100 = tpu.memref_slice %arg4[%add3A_98, %dma_start3A_99] : memref<20480x128xf32, #tpu.memory_space<hbm>> -> memref<128x128xf32, #tpu.memory_space<hbm>>
      %dma_start3A_101 = arith.constant 0 : i32
      %dma_start3A_102 = tpu.memref_slice %arg8[%add3A_93, %dma_start3A_101] : memref<10240x128xf32, #tpu.memory_space<vmem_shared>> -> memref<128x128xf32, #tpu.memory_space<vmem_shared>>
      tpu.enqueue_dma source(%dma_start3A_102 : memref<128x128xf32, #tpu.memory_space<vmem_shared>>) target(%dma_start3A_100 : memref<128x128xf32, #tpu.memory_space<hbm>>) target_semaphore(%run_scoped3A : memref<!tpu.dma_semaphore, #tpu.memory_space<semaphore_mem>>)
      %dma_wait3A_103 = arith.constant 0 : i32
      %dma_wait3A_104 = tpu.memref_slice %arg4[%add3A_98, %dma_wait3A_103] : memref<20480x128xf32, #tpu.memory_space<hbm>> -> memref<128x128xf32, #tpu.memory_space<hbm>>
      %dma_wait3A_105 = arith.constant 0 : i32
      %dma_wait3A_106 = tpu.memref_slice %arg8[%add3A_93, %dma_wait3A_105] : memref<10240x128xf32, #tpu.memory_space<vmem_shared>> -> memref<128x128xf32, #tpu.memory_space<vmem_shared>>
      tpu.wait_dma2 semaphore(%run_scoped3A : memref<!tpu.dma_semaphore, #tpu.memory_space<semaphore_mem>>) src(%dma_wait3A_106 : memref<128x128xf32, #tpu.memory_space<vmem_shared>>) dst(%dma_wait3A_104 : memref<128x128xf32, #tpu.memory_space<hbm>>)
      tpu.yield
    }) : () -> ()
    return
  }
}

#map = affine_map<(d0, d1) -> (0)>
module attributes {stable_mosaic.version = 14 : i64} {
  func.func @_deg_body(%arg0: i32, %arg1: i32, %arg2: memref<336128xi32, #tpu.memory_space<hbm>>, %arg3: memref<336128xf32, #tpu.memory_space<hbm>>, %arg4: memref<20480xf32, #tpu.memory_space<hbm>>, %arg5: memref<10496xi32, #tpu.memory_space<vmem>>, %arg6: memref<10496xf32, #tpu.memory_space<vmem>>, %arg7: memref<128xf32, #tpu.memory_space<vmem>>, %arg8: memref<10240xf32, #tpu.memory_space<vmem_shared>>, %arg9: memref<!tpu.dma_semaphore, #tpu.memory_space<semaphore_mem>>, %arg10: memref<!tpu.dma_semaphore, #tpu.memory_space<semaphore_mem>>, %arg11: memref<!tpu.dma_semaphore, #tpu.memory_space<semaphore_mem>>) attributes {dimension_semantics = [#tpu.dimension_semantics<core_parallel>, #tpu.dimension_semantics<subcore_parallel>], iteration_bounds = array<i64: 2, 16>, scalar_prefetch = 0 : i64, scratch_operands = 7 : i64, tpu.core_type = #tpu.core_type<sc_vector_subcore>, window_params = [{transform_indices = #map}, {transform_indices = #map}, {transform_indices = #map}]} {
    %mul3A = arith.constant 16 : i32
    %mul3A_0 = arith.muli %arg0, %mul3A : i32
    %add3A = arith.addi %mul3A_0, %arg1 : i32
    %mul3A_1 = arith.constant 640 : i32
    %mul3A_2 = arith.muli %arg1, %mul3A_1 : i32
    %mul3A_3 = arith.constant 10496 : i32
    %mul3A_4 = arith.muli %add3A, %mul3A_3 : i32
    %dma_start3A = tpu.memref_slice %arg2[%mul3A_4] : memref<336128xi32, #tpu.memory_space<hbm>> -> memref<10496xi32, #tpu.memory_space<hbm>>
    %dma_start3A_5 = tpu.memref_slice %arg2[%mul3A_4] : memref<336128xi32, #tpu.memory_space<hbm>> -> memref<10496xi32, #tpu.memory_space<hbm>>
    tpu.enqueue_dma source(%dma_start3A_5 : memref<10496xi32, #tpu.memory_space<hbm>>) target(%arg5 : memref<10496xi32, #tpu.memory_space<vmem>>) target_semaphore(%arg9 : memref<!tpu.dma_semaphore, #tpu.memory_space<semaphore_mem>>)
    %mul3A_6 = arith.constant 10496 : i32
    %mul3A_7 = arith.muli %add3A, %mul3A_6 : i32
    %dma_start3A_8 = tpu.memref_slice %arg3[%mul3A_7] : memref<336128xf32, #tpu.memory_space<hbm>> -> memref<10496xf32, #tpu.memory_space<hbm>>
    %dma_start3A_9 = tpu.memref_slice %arg3[%mul3A_7] : memref<336128xf32, #tpu.memory_space<hbm>> -> memref<10496xf32, #tpu.memory_space<hbm>>
    tpu.enqueue_dma source(%dma_start3A_9 : memref<10496xf32, #tpu.memory_space<hbm>>) target(%arg6 : memref<10496xf32, #tpu.memory_space<vmem>>) target_semaphore(%arg10 : memref<!tpu.dma_semaphore, #tpu.memory_space<semaphore_mem>>)
    %broadcast_in_dim3A = arith.constant 0.000000e+00 : f32
    %broadcast_in_dim3A_10 = vector.broadcast %broadcast_in_dim3A : f32 to vector<16xf32>
    %swap3A = arith.constant 0 : index
    %swap3A_11 = tpu.vector_load %arg7[%swap3A] {strides = array<i32>} : memref<128xf32, #tpu.memory_space<vmem>>, vector<16xf32>,
    %swap3A_12 = vector.shape_cast %swap3A_11 : vector<16xf32> to vector<16xf32>
    %swap3A_13 = vector.shape_cast %broadcast_in_dim3A_10 : vector<16xf32> to vector<16xf32>
    tpu.vector_store %arg7[%swap3A], %swap3A_13 {strides = array<i32>} : memref<128xf32, #tpu.memory_space<vmem>>, vector<16xf32>,
    %swap3A_14 = arith.constant 16 : index
    %swap3A_15 = tpu.vector_load %arg7[%swap3A_14] {strides = array<i32>} : memref<128xf32, #tpu.memory_space<vmem>>, vector<16xf32>,
    %swap3A_16 = vector.shape_cast %swap3A_15 : vector<16xf32> to vector<16xf32>
    %swap3A_17 = vector.shape_cast %broadcast_in_dim3A_10 : vector<16xf32> to vector<16xf32>
    tpu.vector_store %arg7[%swap3A_14], %swap3A_17 {strides = array<i32>} : memref<128xf32, #tpu.memory_space<vmem>>, vector<16xf32>,
    %swap3A_18 = arith.constant 32 : index
    %swap3A_19 = tpu.vector_load %arg7[%swap3A_18] {strides = array<i32>} : memref<128xf32, #tpu.memory_space<vmem>>, vector<16xf32>,
    %swap3A_20 = vector.shape_cast %swap3A_19 : vector<16xf32> to vector<16xf32>
    %swap3A_21 = vector.shape_cast %broadcast_in_dim3A_10 : vector<16xf32> to vector<16xf32>
    tpu.vector_store %arg7[%swap3A_18], %swap3A_21 {strides = array<i32>} : memref<128xf32, #tpu.memory_space<vmem>>, vector<16xf32>,
    %swap3A_22 = arith.constant 48 : index
    %swap3A_23 = tpu.vector_load %arg7[%swap3A_22] {strides = array<i32>} : memref<128xf32, #tpu.memory_space<vmem>>, vector<16xf32>,
    %swap3A_24 = vector.shape_cast %swap3A_23 : vector<16xf32> to vector<16xf32>
    %swap3A_25 = vector.shape_cast %broadcast_in_dim3A_10 : vector<16xf32> to vector<16xf32>
    tpu.vector_store %arg7[%swap3A_22], %swap3A_25 {strides = array<i32>} : memref<128xf32, #tpu.memory_space<vmem>>, vector<16xf32>,
    %swap3A_26 = arith.constant 64 : index
    %swap3A_27 = tpu.vector_load %arg7[%swap3A_26] {strides = array<i32>} : memref<128xf32, #tpu.memory_space<vmem>>, vector<16xf32>,
    %swap3A_28 = vector.shape_cast %swap3A_27 : vector<16xf32> to vector<16xf32>
    %swap3A_29 = vector.shape_cast %broadcast_in_dim3A_10 : vector<16xf32> to vector<16xf32>
    tpu.vector_store %arg7[%swap3A_26], %swap3A_29 {strides = array<i32>} : memref<128xf32, #tpu.memory_space<vmem>>, vector<16xf32>,
    %swap3A_30 = arith.constant 80 : index
    %swap3A_31 = tpu.vector_load %arg7[%swap3A_30] {strides = array<i32>} : memref<128xf32, #tpu.memory_space<vmem>>, vector<16xf32>,
    %swap3A_32 = vector.shape_cast %swap3A_31 : vector<16xf32> to vector<16xf32>
    %swap3A_33 = vector.shape_cast %broadcast_in_dim3A_10 : vector<16xf32> to vector<16xf32>
    tpu.vector_store %arg7[%swap3A_30], %swap3A_33 {strides = array<i32>} : memref<128xf32, #tpu.memory_space<vmem>>, vector<16xf32>,
    %swap3A_34 = arith.constant 96 : index
    %swap3A_35 = tpu.vector_load %arg7[%swap3A_34] {strides = array<i32>} : memref<128xf32, #tpu.memory_space<vmem>>, vector<16xf32>,
    %swap3A_36 = vector.shape_cast %swap3A_35 : vector<16xf32> to vector<16xf32>
    %swap3A_37 = vector.shape_cast %broadcast_in_dim3A_10 : vector<16xf32> to vector<16xf32>
    tpu.vector_store %arg7[%swap3A_34], %swap3A_37 {strides = array<i32>} : memref<128xf32, #tpu.memory_space<vmem>>, vector<16xf32>,
    %swap3A_38 = arith.constant 112 : index
    %swap3A_39 = tpu.vector_load %arg7[%swap3A_38] {strides = array<i32>} : memref<128xf32, #tpu.memory_space<vmem>>, vector<16xf32>,
    %swap3A_40 = vector.shape_cast %swap3A_39 : vector<16xf32> to vector<16xf32>
    %swap3A_41 = vector.shape_cast %broadcast_in_dim3A_10 : vector<16xf32> to vector<16xf32>
    tpu.vector_store %arg7[%swap3A_38], %swap3A_41 {strides = array<i32>} : memref<128xf32, #tpu.memory_space<vmem>>, vector<16xf32>,
    %add3A_42 = arith.constant 0 : i32
    %add3A_43 = arith.addi %mul3A_2, %add3A_42 : i32
    "tpu.region"() ({
      %run_scoped3A = tpu.sem_alloc : memref<!tpu.dma_semaphore, #tpu.memory_space<semaphore_mem>>
      %dma_start3A_100 = tpu.memref_slice %arg8[%add3A_43] : memref<10240xf32, #tpu.memory_space<vmem_shared>> -> memref<128xf32, #tpu.memory_space<vmem_shared>>
      %dma_start3A_101 = tpu.memref_slice %arg8[%add3A_43] : memref<10240xf32, #tpu.memory_space<vmem_shared>> -> memref<128xf32, #tpu.memory_space<vmem_shared>>
      tpu.enqueue_dma source(%arg7 : memref<128xf32, #tpu.memory_space<vmem>>) target(%dma_start3A_101 : memref<128xf32, #tpu.memory_space<vmem_shared>>) target_semaphore(%run_scoped3A : memref<!tpu.dma_semaphore, #tpu.memory_space<semaphore_mem>>)
      %dma_wait3A_102 = tpu.memref_slice %arg8[%add3A_43] : memref<10240xf32, #tpu.memory_space<vmem_shared>> -> memref<128xf32, #tpu.memory_space<vmem_shared>>
      %dma_wait3A_103 = tpu.memref_slice %arg8[%add3A_43] : memref<10240xf32, #tpu.memory_space<vmem_shared>> -> memref<128xf32, #tpu.memory_space<vmem_shared>>
      tpu.wait_dma2 semaphore(%run_scoped3A : memref<!tpu.dma_semaphore, #tpu.memory_space<semaphore_mem>>) src(%arg7 : memref<128xf32, #tpu.memory_space<vmem>>) dst(%dma_wait3A_103 : memref<128xf32, #tpu.memory_space<vmem_shared>>)
      tpu.yield
    }) : () -> ()
    %add3A_44 = arith.constant 128 : i32
    %add3A_45 = arith.addi %mul3A_2, %add3A_44 : i32
    "tpu.region"() ({
      %run_scoped3A = tpu.sem_alloc : memref<!tpu.dma_semaphore, #tpu.memory_space<semaphore_mem>>
      %dma_start3A_100 = tpu.memref_slice %arg8[%add3A_45] : memref<10240xf32, #tpu.memory_space<vmem_shared>> -> memref<128xf32, #tpu.memory_space<vmem_shared>>
      %dma_start3A_101 = tpu.memref_slice %arg8[%add3A_45] : memref<10240xf32, #tpu.memory_space<vmem_shared>> -> memref<128xf32, #tpu.memory_space<vmem_shared>>
      tpu.enqueue_dma source(%arg7 : memref<128xf32, #tpu.memory_space<vmem>>) target(%dma_start3A_101 : memref<128xf32, #tpu.memory_space<vmem_shared>>) target_semaphore(%run_scoped3A : memref<!tpu.dma_semaphore, #tpu.memory_space<semaphore_mem>>)
      %dma_wait3A_102 = tpu.memref_slice %arg8[%add3A_45] : memref<10240xf32, #tpu.memory_space<vmem_shared>> -> memref<128xf32, #tpu.memory_space<vmem_shared>>
      %dma_wait3A_103 = tpu.memref_slice %arg8[%add3A_45] : memref<10240xf32, #tpu.memory_space<vmem_shared>> -> memref<128xf32, #tpu.memory_space<vmem_shared>>
      tpu.wait_dma2 semaphore(%run_scoped3A : memref<!tpu.dma_semaphore, #tpu.memory_space<semaphore_mem>>) src(%arg7 : memref<128xf32, #tpu.memory_space<vmem>>) dst(%dma_wait3A_103 : memref<128xf32, #tpu.memory_space<vmem_shared>>)
      tpu.yield
    }) : () -> ()
    %add3A_46 = arith.constant 256 : i32
    %add3A_47 = arith.addi %mul3A_2, %add3A_46 : i32
    "tpu.region"() ({
      %run_scoped3A = tpu.sem_alloc : memref<!tpu.dma_semaphore, #tpu.memory_space<semaphore_mem>>
      %dma_start3A_100 = tpu.memref_slice %arg8[%add3A_47] : memref<10240xf32, #tpu.memory_space<vmem_shared>> -> memref<128xf32, #tpu.memory_space<vmem_shared>>
      %dma_start3A_101 = tpu.memref_slice %arg8[%add3A_47] : memref<10240xf32, #tpu.memory_space<vmem_shared>> -> memref<128xf32, #tpu.memory_space<vmem_shared>>
      tpu.enqueue_dma source(%arg7 : memref<128xf32, #tpu.memory_space<vmem>>) target(%dma_start3A_101 : memref<128xf32, #tpu.memory_space<vmem_shared>>) target_semaphore(%run_scoped3A : memref<!tpu.dma_semaphore, #tpu.memory_space<semaphore_mem>>)
      %dma_wait3A_102 = tpu.memref_slice %arg8[%add3A_47] : memref<10240xf32, #tpu.memory_space<vmem_shared>> -> memref<128xf32, #tpu.memory_space<vmem_shared>>
      %dma_wait3A_103 = tpu.memref_slice %arg8[%add3A_47] : memref<10240xf32, #tpu.memory_space<vmem_shared>> -> memref<128xf32, #tpu.memory_space<vmem_shared>>
      tpu.wait_dma2 semaphore(%run_scoped3A : memref<!tpu.dma_semaphore, #tpu.memory_space<semaphore_mem>>) src(%arg7 : memref<128xf32, #tpu.memory_space<vmem>>) dst(%dma_wait3A_103 : memref<128xf32, #tpu.memory_space<vmem_shared>>)
      tpu.yield
    }) : () -> ()
    %add3A_48 = arith.constant 384 : i32
    %add3A_49 = arith.addi %mul3A_2, %add3A_48 : i32
    "tpu.region"() ({
      %run_scoped3A = tpu.sem_alloc : memref<!tpu.dma_semaphore, #tpu.memory_space<semaphore_mem>>
      %dma_start3A_100 = tpu.memref_slice %arg8[%add3A_49] : memref<10240xf32, #tpu.memory_space<vmem_shared>> -> memref<128xf32, #tpu.memory_space<vmem_shared>>
      %dma_start3A_101 = tpu.memref_slice %arg8[%add3A_49] : memref<10240xf32, #tpu.memory_space<vmem_shared>> -> memref<128xf32, #tpu.memory_space<vmem_shared>>
      tpu.enqueue_dma source(%arg7 : memref<128xf32, #tpu.memory_space<vmem>>) target(%dma_start3A_101 : memref<128xf32, #tpu.memory_space<vmem_shared>>) target_semaphore(%run_scoped3A : memref<!tpu.dma_semaphore, #tpu.memory_space<semaphore_mem>>)
      %dma_wait3A_102 = tpu.memref_slice %arg8[%add3A_49] : memref<10240xf32, #tpu.memory_space<vmem_shared>> -> memref<128xf32, #tpu.memory_space<vmem_shared>>
      %dma_wait3A_103 = tpu.memref_slice %arg8[%add3A_49] : memref<10240xf32, #tpu.memory_space<vmem_shared>> -> memref<128xf32, #tpu.memory_space<vmem_shared>>
      tpu.wait_dma2 semaphore(%run_scoped3A : memref<!tpu.dma_semaphore, #tpu.memory_space<semaphore_mem>>) src(%arg7 : memref<128xf32, #tpu.memory_space<vmem>>) dst(%dma_wait3A_103 : memref<128xf32, #tpu.memory_space<vmem_shared>>)
      tpu.yield
    }) : () -> ()
    %add3A_50 = arith.constant 512 : i32
    %add3A_51 = arith.addi %mul3A_2, %add3A_50 : i32
    "tpu.region"() ({
      %run_scoped3A = tpu.sem_alloc : memref<!tpu.dma_semaphore, #tpu.memory_space<semaphore_mem>>
      %dma_start3A_100 = tpu.memref_slice %arg8[%add3A_51] : memref<10240xf32, #tpu.memory_space<vmem_shared>> -> memref<128xf32, #tpu.memory_space<vmem_shared>>
      %dma_start3A_101 = tpu.memref_slice %arg8[%add3A_51] : memref<10240xf32, #tpu.memory_space<vmem_shared>> -> memref<128xf32, #tpu.memory_space<vmem_shared>>
      tpu.enqueue_dma source(%arg7 : memref<128xf32, #tpu.memory_space<vmem>>) target(%dma_start3A_101 : memref<128xf32, #tpu.memory_space<vmem_shared>>) target_semaphore(%run_scoped3A : memref<!tpu.dma_semaphore, #tpu.memory_space<semaphore_mem>>)
      %dma_wait3A_102 = tpu.memref_slice %arg8[%add3A_51] : memref<10240xf32, #tpu.memory_space<vmem_shared>> -> memref<128xf32, #tpu.memory_space<vmem_shared>>
      %dma_wait3A_103 = tpu.memref_slice %arg8[%add3A_51] : memref<10240xf32, #tpu.memory_space<vmem_shared>> -> memref<128xf32, #tpu.memory_space<vmem_shared>>
      tpu.wait_dma2 semaphore(%run_scoped3A : memref<!tpu.dma_semaphore, #tpu.memory_space<semaphore_mem>>) src(%arg7 : memref<128xf32, #tpu.memory_space<vmem>>) dst(%dma_wait3A_103 : memref<128xf32, #tpu.memory_space<vmem_shared>>)
      tpu.yield
    }) : () -> ()
    %barrier3A = arith.constant 0 : index
    tpu.barrier barrier_id(%barrier3A)
    %mul3A_52 = arith.constant 10496 : i32
    %mul3A_53 = arith.muli %add3A, %mul3A_52 : i32
    %dma_wait3A = tpu.memref_slice %arg2[%mul3A_53] : memref<336128xi32, #tpu.memory_space<hbm>> -> memref<10496xi32, #tpu.memory_space<hbm>>
    %dma_wait3A_54 = tpu.memref_slice %arg2[%mul3A_53] : memref<336128xi32, #tpu.memory_space<hbm>> -> memref<10496xi32, #tpu.memory_space<hbm>>
    tpu.wait_dma2 semaphore(%arg9 : memref<!tpu.dma_semaphore, #tpu.memory_space<semaphore_mem>>) src(%dma_wait3A_54 : memref<10496xi32, #tpu.memory_space<hbm>>) dst(%arg5 : memref<10496xi32, #tpu.memory_space<vmem>>)
    %mul3A_55 = arith.constant 10496 : i32
    %mul3A_56 = arith.muli %add3A, %mul3A_55 : i32
    %dma_wait3A_57 = tpu.memref_slice %arg3[%mul3A_56] : memref<336128xf32, #tpu.memory_space<hbm>> -> memref<10496xf32, #tpu.memory_space<hbm>>
    %dma_wait3A_58 = tpu.memref_slice %arg3[%mul3A_56] : memref<336128xf32, #tpu.memory_space<hbm>> -> memref<10496xf32, #tpu.memory_space<hbm>>
    tpu.wait_dma2 semaphore(%arg10 : memref<!tpu.dma_semaphore, #tpu.memory_space<semaphore_mem>>) src(%dma_wait3A_58 : memref<10496xf32, #tpu.memory_space<hbm>>) dst(%arg6 : memref<10496xf32, #tpu.memory_space<vmem>>)
    %scan3A = arith.constant 0 : i32
    %scan3A_59 = arith.constant 0 : i32
    %scan3A_60 = arith.constant 82 : i32
    %scan3A_61 = arith.addi %scan3A_59, %scan3A_60 : i32
    %scan3A_62 = arith.constant 1 : i32
    scf.for %scan3A_100 = %scan3A_59 to %scan3A_61 step %scan3A_62  : i32 {
      %mul3A_101 = arith.constant 128 : i32
      %mul3A_102 = arith.muli %scan3A_100, %mul3A_101 : i32
      %dma_start3A_103 = tpu.memref_slice %arg6[%mul3A_102] : memref<10496xf32, #tpu.memory_space<vmem>> -> memref<128xf32, #tpu.memory_space<vmem>>
      %dma_start3A_104 = tpu.memref_slice %arg5[%mul3A_102] : memref<10496xi32, #tpu.memory_space<vmem>> -> memref<128xi32, #tpu.memory_space<vmem>>
      %dma_start3A_105 = arith.constant 0 : i32
      %dma_start3A_106 = tpu.memref_slice %arg8[%dma_start3A_105] : memref<10240xf32, #tpu.memory_space<vmem_shared>> -> memref<10240xf32, #tpu.memory_space<vmem_shared>>
      tpu.enqueue_indirect_dma source(%dma_start3A_103 : memref<128xf32, #tpu.memory_space<vmem>>) target(%dma_start3A_106 : memref<10240xf32, #tpu.memory_space<vmem_shared>>) offsets(%dma_start3A_104 : memref<128xi32, #tpu.memory_space<vmem>>) semaphore(%arg11 : memref<!tpu.dma_semaphore, #tpu.memory_space<semaphore_mem>>) {add = true}
      %dma_wait3A_107 = tpu.memref_slice %arg6[%mul3A_102] : memref<10496xf32, #tpu.memory_space<vmem>> -> memref<128xf32, #tpu.memory_space<vmem>>
      %dma_wait3A_108 = tpu.memref_slice %arg5[%mul3A_102] : memref<10496xi32, #tpu.memory_space<vmem>> -> memref<128xi32, #tpu.memory_space<vmem>>
      %dma_wait3A_109 = arith.constant 0 : i32
      %dma_wait3A_110 = tpu.memref_slice %arg8[%dma_wait3A_109] : memref<10240xf32, #tpu.memory_space<vmem_shared>> -> memref<10240xf32, #tpu.memory_space<vmem_shared>>
      tpu.wait_indirect_dma semaphore(%arg11 : memref<!tpu.dma_semaphore, #tpu.memory_space<semaphore_mem>>) src(%dma_wait3A_107 : memref<128xf32, #tpu.memory_space<vmem>>) dst(%dma_wait3A_110 : memref<10240xf32, #tpu.memory_space<vmem_shared>>)
    }
    %scan3A_63 = arith.constant 82 : i32
    %barrier3A_64 = arith.constant 0 : index
    tpu.barrier barrier_id(%barrier3A_64)
    %add3A_65 = arith.constant 0 : i32
    %add3A_66 = arith.addi %mul3A_2, %add3A_65 : i32
    %mul3A_67 = arith.constant 10240 : i32
    %mul3A_68 = arith.muli %arg0, %mul3A_67 : i32
    %add3A_69 = arith.addi %mul3A_68, %mul3A_2 : i32
    %add3A_70 = arith.constant 0 : i32
    %add3A_71 = arith.addi %add3A_69, %add3A_70 : i32
    "tpu.region"() ({
      %run_scoped3A = tpu.sem_alloc : memref<!tpu.dma_semaphore, #tpu.memory_space<semaphore_mem>>
      %dma_start3A_100 = tpu.memref_slice %arg4[%add3A_71] : memref<20480xf32, #tpu.memory_space<hbm>> -> memref<128xf32, #tpu.memory_space<hbm>>
      %dma_start3A_101 = tpu.memref_slice %arg8[%add3A_66] : memref<10240xf32, #tpu.memory_space<vmem_shared>> -> memref<128xf32, #tpu.memory_space<vmem_shared>>
      tpu.enqueue_dma source(%dma_start3A_101 : memref<128xf32, #tpu.memory_space<vmem_shared>>) target(%dma_start3A_100 : memref<128xf32, #tpu.memory_space<hbm>>) target_semaphore(%run_scoped3A : memref<!tpu.dma_semaphore, #tpu.memory_space<semaphore_mem>>)
      %dma_wait3A_102 = tpu.memref_slice %arg4[%add3A_71] : memref<20480xf32, #tpu.memory_space<hbm>> -> memref<128xf32, #tpu.memory_space<hbm>>
      %dma_wait3A_103 = tpu.memref_slice %arg8[%add3A_66] : memref<10240xf32, #tpu.memory_space<vmem_shared>> -> memref<128xf32, #tpu.memory_space<vmem_shared>>
      tpu.wait_dma2 semaphore(%run_scoped3A : memref<!tpu.dma_semaphore, #tpu.memory_space<semaphore_mem>>) src(%dma_wait3A_103 : memref<128xf32, #tpu.memory_space<vmem_shared>>) dst(%dma_wait3A_102 : memref<128xf32, #tpu.memory_space<hbm>>)
      tpu.yield
    }) : () -> ()
    %add3A_72 = arith.constant 128 : i32
    %add3A_73 = arith.addi %mul3A_2, %add3A_72 : i32
    %mul3A_74 = arith.constant 10240 : i32
    %mul3A_75 = arith.muli %arg0, %mul3A_74 : i32
    %add3A_76 = arith.addi %mul3A_75, %mul3A_2 : i32
    %add3A_77 = arith.constant 128 : i32
    %add3A_78 = arith.addi %add3A_76, %add3A_77 : i32
    "tpu.region"() ({
      %run_scoped3A = tpu.sem_alloc : memref<!tpu.dma_semaphore, #tpu.memory_space<semaphore_mem>>
      %dma_start3A_100 = tpu.memref_slice %arg4[%add3A_78] : memref<20480xf32, #tpu.memory_space<hbm>> -> memref<128xf32, #tpu.memory_space<hbm>>
      %dma_start3A_101 = tpu.memref_slice %arg8[%add3A_73] : memref<10240xf32, #tpu.memory_space<vmem_shared>> -> memref<128xf32, #tpu.memory_space<vmem_shared>>
      tpu.enqueue_dma source(%dma_start3A_101 : memref<128xf32, #tpu.memory_space<vmem_shared>>) target(%dma_start3A_100 : memref<128xf32, #tpu.memory_space<hbm>>) target_semaphore(%run_scoped3A : memref<!tpu.dma_semaphore, #tpu.memory_space<semaphore_mem>>)
      %dma_wait3A_102 = tpu.memref_slice %arg4[%add3A_78] : memref<20480xf32, #tpu.memory_space<hbm>> -> memref<128xf32, #tpu.memory_space<hbm>>
      %dma_wait3A_103 = tpu.memref_slice %arg8[%add3A_73] : memref<10240xf32, #tpu.memory_space<vmem_shared>> -> memref<128xf32, #tpu.memory_space<vmem_shared>>
      tpu.wait_dma2 semaphore(%run_scoped3A : memref<!tpu.dma_semaphore, #tpu.memory_space<semaphore_mem>>) src(%dma_wait3A_103 : memref<128xf32, #tpu.memory_space<vmem_shared>>) dst(%dma_wait3A_102 : memref<128xf32, #tpu.memory_space<hbm>>)
      tpu.yield
    }) : () -> ()
    %add3A_79 = arith.constant 256 : i32
    %add3A_80 = arith.addi %mul3A_2, %add3A_79 : i32
    %mul3A_81 = arith.constant 10240 : i32
    %mul3A_82 = arith.muli %arg0, %mul3A_81 : i32
    %add3A_83 = arith.addi %mul3A_82, %mul3A_2 : i32
    %add3A_84 = arith.constant 256 : i32
    %add3A_85 = arith.addi %add3A_83, %add3A_84 : i32
    "tpu.region"() ({
      %run_scoped3A = tpu.sem_alloc : memref<!tpu.dma_semaphore, #tpu.memory_space<semaphore_mem>>
      %dma_start3A_100 = tpu.memref_slice %arg4[%add3A_85] : memref<20480xf32, #tpu.memory_space<hbm>> -> memref<128xf32, #tpu.memory_space<hbm>>
      %dma_start3A_101 = tpu.memref_slice %arg8[%add3A_80] : memref<10240xf32, #tpu.memory_space<vmem_shared>> -> memref<128xf32, #tpu.memory_space<vmem_shared>>
      tpu.enqueue_dma source(%dma_start3A_101 : memref<128xf32, #tpu.memory_space<vmem_shared>>) target(%dma_start3A_100 : memref<128xf32, #tpu.memory_space<hbm>>) target_semaphore(%run_scoped3A : memref<!tpu.dma_semaphore, #tpu.memory_space<semaphore_mem>>)
      %dma_wait3A_102 = tpu.memref_slice %arg4[%add3A_85] : memref<20480xf32, #tpu.memory_space<hbm>> -> memref<128xf32, #tpu.memory_space<hbm>>
      %dma_wait3A_103 = tpu.memref_slice %arg8[%add3A_80] : memref<10240xf32, #tpu.memory_space<vmem_shared>> -> memref<128xf32, #tpu.memory_space<vmem_shared>>
      tpu.wait_dma2 semaphore(%run_scoped3A : memref<!tpu.dma_semaphore, #tpu.memory_space<semaphore_mem>>) src(%dma_wait3A_103 : memref<128xf32, #tpu.memory_space<vmem_shared>>) dst(%dma_wait3A_102 : memref<128xf32, #tpu.memory_space<hbm>>)
      tpu.yield
    }) : () -> ()
    %add3A_86 = arith.constant 384 : i32
    %add3A_87 = arith.addi %mul3A_2, %add3A_86 : i32
    %mul3A_88 = arith.constant 10240 : i32
    %mul3A_89 = arith.muli %arg0, %mul3A_88 : i32
    %add3A_90 = arith.addi %mul3A_89, %mul3A_2 : i32
    %add3A_91 = arith.constant 384 : i32
    %add3A_92 = arith.addi %add3A_90, %add3A_91 : i32
    "tpu.region"() ({
      %run_scoped3A = tpu.sem_alloc : memref<!tpu.dma_semaphore, #tpu.memory_space<semaphore_mem>>
      %dma_start3A_100 = tpu.memref_slice %arg4[%add3A_92] : memref<20480xf32, #tpu.memory_space<hbm>> -> memref<128xf32, #tpu.memory_space<hbm>>
      %dma_start3A_101 = tpu.memref_slice %arg8[%add3A_87] : memref<10240xf32, #tpu.memory_space<vmem_shared>> -> memref<128xf32, #tpu.memory_space<vmem_shared>>
      tpu.enqueue_dma source(%dma_start3A_101 : memref<128xf32, #tpu.memory_space<vmem_shared>>) target(%dma_start3A_100 : memref<128xf32, #tpu.memory_space<hbm>>) target_semaphore(%run_scoped3A : memref<!tpu.dma_semaphore, #tpu.memory_space<semaphore_mem>>)
      %dma_wait3A_102 = tpu.memref_slice %arg4[%add3A_92] : memref<20480xf32, #tpu.memory_space<hbm>> -> memref<128xf32, #tpu.memory_space<hbm>>
      %dma_wait3A_103 = tpu.memref_slice %arg8[%add3A_87] : memref<10240xf32, #tpu.memory_space<vmem_shared>> -> memref<128xf32, #tpu.memory_space<vmem_shared>>
      tpu.wait_dma2 semaphore(%run_scoped3A : memref<!tpu.dma_semaphore, #tpu.memory_space<semaphore_mem>>) src(%dma_wait3A_103 : memref<128xf32, #tpu.memory_space<vmem_shared>>) dst(%dma_wait3A_102 : memref<128xf32, #tpu.memory_space<hbm>>)
      tpu.yield
    }) : () -> ()
    %add3A_93 = arith.constant 512 : i32
    %add3A_94 = arith.addi %mul3A_2, %add3A_93 : i32
    %mul3A_95 = arith.constant 10240 : i32
    %mul3A_96 = arith.muli %arg0, %mul3A_95 : i32
    %add3A_97 = arith.addi %mul3A_96, %mul3A_2 : i32
    %add3A_98 = arith.constant 512 : i32
    %add3A_99 = arith.addi %add3A_97, %add3A_98 : i32
    "tpu.region"() ({
      %run_scoped3A = tpu.sem_alloc : memref<!tpu.dma_semaphore, #tpu.memory_space<semaphore_mem>>
      %dma_start3A_100 = tpu.memref_slice %arg4[%add3A_99] : memref<20480xf32, #tpu.memory_space<hbm>> -> memref<128xf32, #tpu.memory_space<hbm>>
      %dma_start3A_101 = tpu.memref_slice %arg8[%add3A_94] : memref<10240xf32, #tpu.memory_space<vmem_shared>> -> memref<128xf32, #tpu.memory_space<vmem_shared>>
      tpu.enqueue_dma source(%dma_start3A_101 : memref<128xf32, #tpu.memory_space<vmem_shared>>) target(%dma_start3A_100 : memref<128xf32, #tpu.memory_space<hbm>>) target_semaphore(%run_scoped3A : memref<!tpu.dma_semaphore, #tpu.memory_space<semaphore_mem>>)
      %dma_wait3A_102 = tpu.memref_slice %arg4[%add3A_99] : memref<20480xf32, #tpu.memory_space<hbm>> -> memref<128xf32, #tpu.memory_space<hbm>>
      %dma_wait3A_103 = tpu.memref_slice %arg8[%add3A_94] : memref<10240xf32, #tpu.memory_space<vmem_shared>> -> memref<128xf32, #tpu.memory_space<vmem_shared>>
      tpu.wait_dma2 semaphore(%run_scoped3A : memref<!tpu.dma_semaphore, #tpu.memory_space<semaphore_mem>>) src(%dma_wait3A_103 : memref<128xf32, #tpu.memory_space<vmem_shared>>) dst(%dma_wait3A_102 : memref<128xf32, #tpu.memory_space<hbm>>)
      tpu.yield
    }) : () -> ()
    return
  }
}

#map = affine_map<(d0, d1) -> (0, 0)>
#map1 = affine_map<(d0, d1) -> (0)>
module attributes {stable_mosaic.version = 14 : i64} {
  func.func @_seg_body(%arg0: i32, %arg1: i32, %arg2: memref<336128x128xf32, #tpu.memory_space<hbm>>, %arg3: memref<336128xi32, #tpu.memory_space<hbm>>, %arg4: memref<20480x128xf32, #tpu.memory_space<hbm>>, %arg5: memref<10496xi32, #tpu.memory_space<vmem>>, %arg6: memref<128x128xf32, #tpu.memory_space<vmem>>, %arg7: memref<128x128xf32, #tpu.memory_space<vmem>>, %arg8: memref<10240x128xf32, #tpu.memory_space<vmem_shared>>, %arg9: memref<!tpu.dma_semaphore, #tpu.memory_space<semaphore_mem>>, %arg10: memref<!tpu.dma_semaphore, #tpu.memory_space<semaphore_mem>>, %arg11: memref<!tpu.dma_semaphore, #tpu.memory_space<semaphore_mem>>, %arg12: memref<!tpu.dma_semaphore, #tpu.memory_space<semaphore_mem>>) attributes {dimension_semantics = [#tpu.dimension_semantics<core_parallel>, #tpu.dimension_semantics<subcore_parallel>], iteration_bounds = array<i64: 2, 16>, scalar_prefetch = 0 : i64, scratch_operands = 8 : i64, tpu.core_type = #tpu.core_type<sc_vector_subcore>, window_params = [{transform_indices = #map}, {transform_indices = #map1}, {transform_indices = #map}]} {
    %mul3A = arith.constant 16 : i32
    %mul3A_0 = arith.muli %arg0, %mul3A : i32
    %add3A = arith.addi %mul3A_0, %arg1 : i32
    %mul3A_1 = arith.constant 640 : i32
    %mul3A_2 = arith.muli %arg1, %mul3A_1 : i32
    %mul3A_3 = arith.constant 10496 : i32
    %mul3A_4 = arith.muli %add3A, %mul3A_3 : i32
    %dma_start3A = tpu.memref_slice %arg3[%mul3A_4] : memref<336128xi32, #tpu.memory_space<hbm>> -> memref<10496xi32, #tpu.memory_space<hbm>>
    %dma_start3A_5 = tpu.memref_slice %arg3[%mul3A_4] : memref<336128xi32, #tpu.memory_space<hbm>> -> memref<10496xi32, #tpu.memory_space<hbm>>
    tpu.enqueue_dma source(%dma_start3A_5 : memref<10496xi32, #tpu.memory_space<hbm>>) target(%arg5 : memref<10496xi32, #tpu.memory_space<vmem>>) target_semaphore(%arg9 : memref<!tpu.dma_semaphore, #tpu.memory_space<semaphore_mem>>)
    %broadcast_in_dim3A = arith.constant 0.000000e+00 : f32
    %broadcast_in_dim3A_6 = vector.broadcast %broadcast_in_dim3A : f32 to vector<16xf32>
    %scan3A = arith.constant 0 : i32
    %scan3A_7 = arith.constant 0 : i32
    %scan3A_8 = arith.constant 128 : i32
    %scan3A_9 = arith.addi %scan3A_7, %scan3A_8 : i32
    %scan3A_10 = arith.constant 1 : i32
    scf.for %scan3A_99 = %scan3A_7 to %scan3A_9 step %scan3A_10  : i32 {
      %swap3A = arith.index_cast %scan3A_99 : i32 to index
      %swap3A_100 = arith.constant 0 : index
      %swap3A_101 = tpu.vector_load %arg6[%swap3A, %swap3A_100] {strides = array<i32>} : memref<128x128xf32, #tpu.memory_space<vmem>>, vector<1x16xf32>,
      %swap3A_102 = vector.shape_cast %swap3A_101 : vector<1x16xf32> to vector<16xf32>
      %swap3A_103 = vector.shape_cast %broadcast_in_dim3A_6 : vector<16xf32> to vector<1x16xf32>
      tpu.vector_store %arg6[%swap3A, %swap3A_100], %swap3A_103 {strides = array<i32>} : memref<128x128xf32, #tpu.memory_space<vmem>>, vector<1x16xf32>,
      %swap3A_104 = arith.index_cast %scan3A_99 : i32 to index
      %swap3A_105 = arith.constant 16 : index
      %swap3A_106 = tpu.vector_load %arg6[%swap3A_104, %swap3A_105] {strides = array<i32>} : memref<128x128xf32, #tpu.memory_space<vmem>>, vector<1x16xf32>,
      %swap3A_107 = vector.shape_cast %swap3A_106 : vector<1x16xf32> to vector<16xf32>
      %swap3A_108 = vector.shape_cast %broadcast_in_dim3A_6 : vector<16xf32> to vector<1x16xf32>
      tpu.vector_store %arg6[%swap3A_104, %swap3A_105], %swap3A_108 {strides = array<i32>} : memref<128x128xf32, #tpu.memory_space<vmem>>, vector<1x16xf32>,
      %swap3A_109 = arith.index_cast %scan3A_99 : i32 to index
      %swap3A_110 = arith.constant 32 : index
      %swap3A_111 = tpu.vector_load %arg6[%swap3A_109, %swap3A_110] {strides = array<i32>} : memref<128x128xf32, #tpu.memory_space<vmem>>, vector<1x16xf32>,
      %swap3A_112 = vector.shape_cast %swap3A_111 : vector<1x16xf32> to vector<16xf32>
      %swap3A_113 = vector.shape_cast %broadcast_in_dim3A_6 : vector<16xf32> to vector<1x16xf32>
      tpu.vector_store %arg6[%swap3A_109, %swap3A_110], %swap3A_113 {strides = array<i32>} : memref<128x128xf32, #tpu.memory_space<vmem>>, vector<1x16xf32>,
      %swap3A_114 = arith.index_cast %scan3A_99 : i32 to index
      %swap3A_115 = arith.constant 48 : index
      %swap3A_116 = tpu.vector_load %arg6[%swap3A_114, %swap3A_115] {strides = array<i32>} : memref<128x128xf32, #tpu.memory_space<vmem>>, vector<1x16xf32>,
      %swap3A_117 = vector.shape_cast %swap3A_116 : vector<1x16xf32> to vector<16xf32>
      %swap3A_118 = vector.shape_cast %broadcast_in_dim3A_6 : vector<16xf32> to vector<1x16xf32>
      tpu.vector_store %arg6[%swap3A_114, %swap3A_115], %swap3A_118 {strides = array<i32>} : memref<128x128xf32, #tpu.memory_space<vmem>>, vector<1x16xf32>,
      %swap3A_119 = arith.index_cast %scan3A_99 : i32 to index
      %swap3A_120 = arith.constant 64 : index
      %swap3A_121 = tpu.vector_load %arg6[%swap3A_119, %swap3A_120] {strides = array<i32>} : memref<128x128xf32, #tpu.memory_space<vmem>>, vector<1x16xf32>,
      %swap3A_122 = vector.shape_cast %swap3A_121 : vector<1x16xf32> to vector<16xf32>
      %swap3A_123 = vector.shape_cast %broadcast_in_dim3A_6 : vector<16xf32> to vector<1x16xf32>
      tpu.vector_store %arg6[%swap3A_119, %swap3A_120], %swap3A_123 {strides = array<i32>} : memref<128x128xf32, #tpu.memory_space<vmem>>, vector<1x16xf32>,
      %swap3A_124 = arith.index_cast %scan3A_99 : i32 to index
      %swap3A_125 = arith.constant 80 : index
      %swap3A_126 = tpu.vector_load %arg6[%swap3A_124, %swap3A_125] {strides = array<i32>} : memref<128x128xf32, #tpu.memory_space<vmem>>, vector<1x16xf32>,
      %swap3A_127 = vector.shape_cast %swap3A_126 : vector<1x16xf32> to vector<16xf32>
      %swap3A_128 = vector.shape_cast %broadcast_in_dim3A_6 : vector<16xf32> to vector<1x16xf32>
      tpu.vector_store %arg6[%swap3A_124, %swap3A_125], %swap3A_128 {strides = array<i32>} : memref<128x128xf32, #tpu.memory_space<vmem>>, vector<1x16xf32>,
      %swap3A_129 = arith.index_cast %scan3A_99 : i32 to index
      %swap3A_130 = arith.constant 96 : index
      %swap3A_131 = tpu.vector_load %arg6[%swap3A_129, %swap3A_130] {strides = array<i32>} : memref<128x128xf32, #tpu.memory_space<vmem>>, vector<1x16xf32>,
      %swap3A_132 = vector.shape_cast %swap3A_131 : vector<1x16xf32> to vector<16xf32>
      %swap3A_133 = vector.shape_cast %broadcast_in_dim3A_6 : vector<16xf32> to vector<1x16xf32>
      tpu.vector_store %arg6[%swap3A_129, %swap3A_130], %swap3A_133 {strides = array<i32>} : memref<128x128xf32, #tpu.memory_space<vmem>>, vector<1x16xf32>,
      %swap3A_134 = arith.index_cast %scan3A_99 : i32 to index
      %swap3A_135 = arith.constant 112 : index
      %swap3A_136 = tpu.vector_load %arg6[%swap3A_134, %swap3A_135] {strides = array<i32>} : memref<128x128xf32, #tpu.memory_space<vmem>>, vector<1x16xf32>,
      %swap3A_137 = vector.shape_cast %swap3A_136 : vector<1x16xf32> to vector<16xf32>
      %swap3A_138 = vector.shape_cast %broadcast_in_dim3A_6 : vector<16xf32> to vector<1x16xf32>
      tpu.vector_store %arg6[%swap3A_134, %swap3A_135], %swap3A_138 {strides = array<i32>} : memref<128x128xf32, #tpu.memory_space<vmem>>, vector<1x16xf32>,
    }
    %scan3A_11 = arith.constant 128 : i32
    %add3A_12 = arith.constant 0 : i32
    %add3A_13 = arith.addi %mul3A_2, %add3A_12 : i32
    "tpu.region"() ({
      %run_scoped3A = tpu.sem_alloc : memref<!tpu.dma_semaphore, #tpu.memory_space<semaphore_mem>>
      %dma_start3A_99 = arith.constant 0 : i32
      %dma_start3A_100 = tpu.memref_slice %arg8[%add3A_13, %dma_start3A_99] : memref<10240x128xf32, #tpu.memory_space<vmem_shared>> -> memref<128x128xf32, #tpu.memory_space<vmem_shared>>
      %dma_start3A_101 = arith.constant 0 : i32
      %dma_start3A_102 = tpu.memref_slice %arg8[%add3A_13, %dma_start3A_101] : memref<10240x128xf32, #tpu.memory_space<vmem_shared>> -> memref<128x128xf32, #tpu.memory_space<vmem_shared>>
      tpu.enqueue_dma source(%arg6 : memref<128x128xf32, #tpu.memory_space<vmem>>) target(%dma_start3A_102 : memref<128x128xf32, #tpu.memory_space<vmem_shared>>) target_semaphore(%run_scoped3A : memref<!tpu.dma_semaphore, #tpu.memory_space<semaphore_mem>>)
      %dma_wait3A_103 = arith.constant 0 : i32
      %dma_wait3A_104 = tpu.memref_slice %arg8[%add3A_13, %dma_wait3A_103] : memref<10240x128xf32, #tpu.memory_space<vmem_shared>> -> memref<128x128xf32, #tpu.memory_space<vmem_shared>>
      %dma_wait3A_105 = arith.constant 0 : i32
      %dma_wait3A_106 = tpu.memref_slice %arg8[%add3A_13, %dma_wait3A_105] : memref<10240x128xf32, #tpu.memory_space<vmem_shared>> -> memref<128x128xf32, #tpu.memory_space<vmem_shared>>
      tpu.wait_dma2 semaphore(%run_scoped3A : memref<!tpu.dma_semaphore, #tpu.memory_space<semaphore_mem>>) src(%arg6 : memref<128x128xf32, #tpu.memory_space<vmem>>) dst(%dma_wait3A_106 : memref<128x128xf32, #tpu.memory_space<vmem_shared>>)
      tpu.yield
    }) : () -> ()
    %add3A_14 = arith.constant 128 : i32
    %add3A_15 = arith.addi %mul3A_2, %add3A_14 : i32
    "tpu.region"() ({
      %run_scoped3A = tpu.sem_alloc : memref<!tpu.dma_semaphore, #tpu.memory_space<semaphore_mem>>
      %dma_start3A_99 = arith.constant 0 : i32
      %dma_start3A_100 = tpu.memref_slice %arg8[%add3A_15, %dma_start3A_99] : memref<10240x128xf32, #tpu.memory_space<vmem_shared>> -> memref<128x128xf32, #tpu.memory_space<vmem_shared>>
      %dma_start3A_101 = arith.constant 0 : i32
      %dma_start3A_102 = tpu.memref_slice %arg8[%add3A_15, %dma_start3A_101] : memref<10240x128xf32, #tpu.memory_space<vmem_shared>> -> memref<128x128xf32, #tpu.memory_space<vmem_shared>>
      tpu.enqueue_dma source(%arg6 : memref<128x128xf32, #tpu.memory_space<vmem>>) target(%dma_start3A_102 : memref<128x128xf32, #tpu.memory_space<vmem_shared>>) target_semaphore(%run_scoped3A : memref<!tpu.dma_semaphore, #tpu.memory_space<semaphore_mem>>)
      %dma_wait3A_103 = arith.constant 0 : i32
      %dma_wait3A_104 = tpu.memref_slice %arg8[%add3A_15, %dma_wait3A_103] : memref<10240x128xf32, #tpu.memory_space<vmem_shared>> -> memref<128x128xf32, #tpu.memory_space<vmem_shared>>
      %dma_wait3A_105 = arith.constant 0 : i32
      %dma_wait3A_106 = tpu.memref_slice %arg8[%add3A_15, %dma_wait3A_105] : memref<10240x128xf32, #tpu.memory_space<vmem_shared>> -> memref<128x128xf32, #tpu.memory_space<vmem_shared>>
      tpu.wait_dma2 semaphore(%run_scoped3A : memref<!tpu.dma_semaphore, #tpu.memory_space<semaphore_mem>>) src(%arg6 : memref<128x128xf32, #tpu.memory_space<vmem>>) dst(%dma_wait3A_106 : memref<128x128xf32, #tpu.memory_space<vmem_shared>>)
      tpu.yield
    }) : () -> ()
    %add3A_16 = arith.constant 256 : i32
    %add3A_17 = arith.addi %mul3A_2, %add3A_16 : i32
    "tpu.region"() ({
      %run_scoped3A = tpu.sem_alloc : memref<!tpu.dma_semaphore, #tpu.memory_space<semaphore_mem>>
      %dma_start3A_99 = arith.constant 0 : i32
      %dma_start3A_100 = tpu.memref_slice %arg8[%add3A_17, %dma_start3A_99] : memref<10240x128xf32, #tpu.memory_space<vmem_shared>> -> memref<128x128xf32, #tpu.memory_space<vmem_shared>>
      %dma_start3A_101 = arith.constant 0 : i32
      %dma_start3A_102 = tpu.memref_slice %arg8[%add3A_17, %dma_start3A_101] : memref<10240x128xf32, #tpu.memory_space<vmem_shared>> -> memref<128x128xf32, #tpu.memory_space<vmem_shared>>
      tpu.enqueue_dma source(%arg6 : memref<128x128xf32, #tpu.memory_space<vmem>>) target(%dma_start3A_102 : memref<128x128xf32, #tpu.memory_space<vmem_shared>>) target_semaphore(%run_scoped3A : memref<!tpu.dma_semaphore, #tpu.memory_space<semaphore_mem>>)
      %dma_wait3A_103 = arith.constant 0 : i32
      %dma_wait3A_104 = tpu.memref_slice %arg8[%add3A_17, %dma_wait3A_103] : memref<10240x128xf32, #tpu.memory_space<vmem_shared>> -> memref<128x128xf32, #tpu.memory_space<vmem_shared>>
      %dma_wait3A_105 = arith.constant 0 : i32
      %dma_wait3A_106 = tpu.memref_slice %arg8[%add3A_17, %dma_wait3A_105] : memref<10240x128xf32, #tpu.memory_space<vmem_shared>> -> memref<128x128xf32, #tpu.memory_space<vmem_shared>>
      tpu.wait_dma2 semaphore(%run_scoped3A : memref<!tpu.dma_semaphore, #tpu.memory_space<semaphore_mem>>) src(%arg6 : memref<128x128xf32, #tpu.memory_space<vmem>>) dst(%dma_wait3A_106 : memref<128x128xf32, #tpu.memory_space<vmem_shared>>)
      tpu.yield
    }) : () -> ()
    %add3A_18 = arith.constant 384 : i32
    %add3A_19 = arith.addi %mul3A_2, %add3A_18 : i32
    "tpu.region"() ({
      %run_scoped3A = tpu.sem_alloc : memref<!tpu.dma_semaphore, #tpu.memory_space<semaphore_mem>>
      %dma_start3A_99 = arith.constant 0 : i32
      %dma_start3A_100 = tpu.memref_slice %arg8[%add3A_19, %dma_start3A_99] : memref<10240x128xf32, #tpu.memory_space<vmem_shared>> -> memref<128x128xf32, #tpu.memory_space<vmem_shared>>
      %dma_start3A_101 = arith.constant 0 : i32
      %dma_start3A_102 = tpu.memref_slice %arg8[%add3A_19, %dma_start3A_101] : memref<10240x128xf32, #tpu.memory_space<vmem_shared>> -> memref<128x128xf32, #tpu.memory_space<vmem_shared>>
      tpu.enqueue_dma source(%arg6 : memref<128x128xf32, #tpu.memory_space<vmem>>) target(%dma_start3A_102 : memref<128x128xf32, #tpu.memory_space<vmem_shared>>) target_semaphore(%run_scoped3A : memref<!tpu.dma_semaphore, #tpu.memory_space<semaphore_mem>>)
      %dma_wait3A_103 = arith.constant 0 : i32
      %dma_wait3A_104 = tpu.memref_slice %arg8[%add3A_19, %dma_wait3A_103] : memref<10240x128xf32, #tpu.memory_space<vmem_shared>> -> memref<128x128xf32, #tpu.memory_space<vmem_shared>>
      %dma_wait3A_105 = arith.constant 0 : i32
      %dma_wait3A_106 = tpu.memref_slice %arg8[%add3A_19, %dma_wait3A_105] : memref<10240x128xf32, #tpu.memory_space<vmem_shared>> -> memref<128x128xf32, #tpu.memory_space<vmem_shared>>
      tpu.wait_dma2 semaphore(%run_scoped3A : memref<!tpu.dma_semaphore, #tpu.memory_space<semaphore_mem>>) src(%arg6 : memref<128x128xf32, #tpu.memory_space<vmem>>) dst(%dma_wait3A_106 : memref<128x128xf32, #tpu.memory_space<vmem_shared>>)
      tpu.yield
    }) : () -> ()
    %add3A_20 = arith.constant 512 : i32
    %add3A_21 = arith.addi %mul3A_2, %add3A_20 : i32
    "tpu.region"() ({
      %run_scoped3A = tpu.sem_alloc : memref<!tpu.dma_semaphore, #tpu.memory_space<semaphore_mem>>
      %dma_start3A_99 = arith.constant 0 : i32
      %dma_start3A_100 = tpu.memref_slice %arg8[%add3A_21, %dma_start3A_99] : memref<10240x128xf32, #tpu.memory_space<vmem_shared>> -> memref<128x128xf32, #tpu.memory_space<vmem_shared>>
      %dma_start3A_101 = arith.constant 0 : i32
      %dma_start3A_102 = tpu.memref_slice %arg8[%add3A_21, %dma_start3A_101] : memref<10240x128xf32, #tpu.memory_space<vmem_shared>> -> memref<128x128xf32, #tpu.memory_space<vmem_shared>>
      tpu.enqueue_dma source(%arg6 : memref<128x128xf32, #tpu.memory_space<vmem>>) target(%dma_start3A_102 : memref<128x128xf32, #tpu.memory_space<vmem_shared>>) target_semaphore(%run_scoped3A : memref<!tpu.dma_semaphore, #tpu.memory_space<semaphore_mem>>)
      %dma_wait3A_103 = arith.constant 0 : i32
      %dma_wait3A_104 = tpu.memref_slice %arg8[%add3A_21, %dma_wait3A_103] : memref<10240x128xf32, #tpu.memory_space<vmem_shared>> -> memref<128x128xf32, #tpu.memory_space<vmem_shared>>
      %dma_wait3A_105 = arith.constant 0 : i32
      %dma_wait3A_106 = tpu.memref_slice %arg8[%add3A_21, %dma_wait3A_105] : memref<10240x128xf32, #tpu.memory_space<vmem_shared>> -> memref<128x128xf32, #tpu.memory_space<vmem_shared>>
      tpu.wait_dma2 semaphore(%run_scoped3A : memref<!tpu.dma_semaphore, #tpu.memory_space<semaphore_mem>>) src(%arg6 : memref<128x128xf32, #tpu.memory_space<vmem>>) dst(%dma_wait3A_106 : memref<128x128xf32, #tpu.memory_space<vmem_shared>>)
      tpu.yield
    }) : () -> ()
    %barrier3A = arith.constant 0 : index
    tpu.barrier barrier_id(%barrier3A)
    %mul3A_22 = arith.constant 10496 : i32
    %mul3A_23 = arith.muli %add3A, %mul3A_22 : i32
    %dma_wait3A = tpu.memref_slice %arg3[%mul3A_23] : memref<336128xi32, #tpu.memory_space<hbm>> -> memref<10496xi32, #tpu.memory_space<hbm>>
    %dma_wait3A_24 = tpu.memref_slice %arg3[%mul3A_23] : memref<336128xi32, #tpu.memory_space<hbm>> -> memref<10496xi32, #tpu.memory_space<hbm>>
    tpu.wait_dma2 semaphore(%arg9 : memref<!tpu.dma_semaphore, #tpu.memory_space<semaphore_mem>>) src(%dma_wait3A_24 : memref<10496xi32, #tpu.memory_space<hbm>>) dst(%arg5 : memref<10496xi32, #tpu.memory_space<vmem>>)
    %mul3A_25 = arith.constant 10496 : i32
    %mul3A_26 = arith.muli %add3A, %mul3A_25 : i32
    %add3A_27 = arith.constant 0 : i32
    %add3A_28 = arith.addi %mul3A_26, %add3A_27 : i32
    %dma_start3A_29 = arith.constant 0 : i32
    %dma_start3A_30 = tpu.memref_slice %arg2[%add3A_28, %dma_start3A_29] : memref<336128x128xf32, #tpu.memory_space<hbm>> -> memref<128x128xf32, #tpu.memory_space<hbm>>
    %dma_start3A_31 = arith.constant 0 : i32
    %dma_start3A_32 = tpu.memref_slice %arg2[%add3A_28, %dma_start3A_31] : memref<336128x128xf32, #tpu.memory_space<hbm>> -> memref<128x128xf32, #tpu.memory_space<hbm>>
    tpu.enqueue_dma source(%dma_start3A_32 : memref<128x128xf32, #tpu.memory_space<hbm>>) target(%arg6 : memref<128x128xf32, #tpu.memory_space<vmem>>) target_semaphore(%arg10 : memref<!tpu.dma_semaphore, #tpu.memory_space<semaphore_mem>>)
    %mul3A_33 = arith.constant 10496 : i32
    %mul3A_34 = arith.muli %add3A, %mul3A_33 : i32
    %add3A_35 = arith.constant 128 : i32
    %add3A_36 = arith.addi %mul3A_34, %add3A_35 : i32
    %dma_start3A_37 = arith.constant 0 : i32
    %dma_start3A_38 = tpu.memref_slice %arg2[%add3A_36, %dma_start3A_37] : memref<336128x128xf32, #tpu.memory_space<hbm>> -> memref<128x128xf32, #tpu.memory_space<hbm>>
    %dma_start3A_39 = arith.constant 0 : i32
    %dma_start3A_40 = tpu.memref_slice %arg2[%add3A_36, %dma_start3A_39] : memref<336128x128xf32, #tpu.memory_space<hbm>> -> memref<128x128xf32, #tpu.memory_space<hbm>>
    tpu.enqueue_dma source(%dma_start3A_40 : memref<128x128xf32, #tpu.memory_space<hbm>>) target(%arg7 : memref<128x128xf32, #tpu.memory_space<vmem>>) target_semaphore(%arg11 : memref<!tpu.dma_semaphore, #tpu.memory_space<semaphore_mem>>)
    %scan3A_41 = arith.constant 0 : i32
    %scan3A_42 = arith.constant 0 : i32
    %scan3A_43 = arith.constant 41 : i32
    %scan3A_44 = arith.addi %scan3A_42, %scan3A_43 : i32
    %scan3A_45 = arith.constant 1 : i32
    scf.for %scan3A_99 = %scan3A_42 to %scan3A_44 step %scan3A_45  : i32 {
      %mul3A_100 = arith.constant 2 : i32
      %mul3A_101 = arith.muli %mul3A_100, %scan3A_99 : i32
      %mul3A_102 = arith.constant 10496 : i32
      %mul3A_103 = arith.muli %add3A, %mul3A_102 : i32
      %mul3A_104 = arith.constant 128 : i32
      %mul3A_105 = arith.muli %mul3A_101, %mul3A_104 : i32
      %add3A_106 = arith.addi %mul3A_103, %mul3A_105 : i32
      %dma_wait3A_107 = arith.constant 0 : i32
      %dma_wait3A_108 = tpu.memref_slice %arg2[%add3A_106, %dma_wait3A_107] : memref<336128x128xf32, #tpu.memory_space<hbm>> -> memref<128x128xf32, #tpu.memory_space<hbm>>
      %dma_wait3A_109 = arith.constant 0 : i32
      %dma_wait3A_110 = tpu.memref_slice %arg2[%add3A_106, %dma_wait3A_109] : memref<336128x128xf32, #tpu.memory_space<hbm>> -> memref<128x128xf32, #tpu.memory_space<hbm>>
      tpu.wait_dma2 semaphore(%arg10 : memref<!tpu.dma_semaphore, #tpu.memory_space<semaphore_mem>>) src(%dma_wait3A_110 : memref<128x128xf32, #tpu.memory_space<hbm>>) dst(%arg6 : memref<128x128xf32, #tpu.memory_space<vmem>>)
      %mul3A_111 = arith.constant 128 : i32
      %mul3A_112 = arith.muli %mul3A_101, %mul3A_111 : i32
      %dma_start3A_113 = tpu.memref_slice %arg5[%mul3A_112] : memref<10496xi32, #tpu.memory_space<vmem>> -> memref<128xi32, #tpu.memory_space<vmem>>
      %dma_start3A_114 = arith.constant 0 : i32
      %dma_start3A_115 = arith.constant 0 : i32
      %dma_start3A_116 = tpu.memref_slice %arg8[%dma_start3A_114, %dma_start3A_115] : memref<10240x128xf32, #tpu.memory_space<vmem_shared>> -> memref<10240x128xf32, #tpu.memory_space<vmem_shared>>
      tpu.enqueue_indirect_dma source(%arg6 : memref<128x128xf32, #tpu.memory_space<vmem>>) target(%dma_start3A_116 : memref<10240x128xf32, #tpu.memory_space<vmem_shared>>) offsets(%dma_start3A_113 : memref<128xi32, #tpu.memory_space<vmem>>) semaphore(%arg12 : memref<!tpu.dma_semaphore, #tpu.memory_space<semaphore_mem>>) {add = true}
      %dma_wait3A_117 = tpu.memref_slice %arg5[%mul3A_112] : memref<10496xi32, #tpu.memory_space<vmem>> -> memref<128xi32, #tpu.memory_space<vmem>>
      %dma_wait3A_118 = arith.constant 0 : i32
      %dma_wait3A_119 = arith.constant 0 : i32
      %dma_wait3A_120 = tpu.memref_slice %arg8[%dma_wait3A_118, %dma_wait3A_119] : memref<10240x128xf32, #tpu.memory_space<vmem_shared>> -> memref<10240x128xf32, #tpu.memory_space<vmem_shared>>
      tpu.wait_indirect_dma semaphore(%arg12 : memref<!tpu.dma_semaphore, #tpu.memory_space<semaphore_mem>>) src(%arg6 : memref<128x128xf32, #tpu.memory_space<vmem>>) dst(%dma_wait3A_120 : memref<10240x128xf32, #tpu.memory_space<vmem_shared>>)
      %add3A_121 = arith.constant 2 : i32
      %add3A_122 = arith.addi %mul3A_101, %add3A_121 : i32
      %mul3A_123 = arith.constant 10496 : i32
      %mul3A_124 = arith.muli %add3A, %mul3A_123 : i32
      %mul3A_125 = arith.constant 128 : i32
      %mul3A_126 = arith.muli %add3A_122, %mul3A_125 : i32
      %add3A_127 = arith.addi %mul3A_124, %mul3A_126 : i32
      %dma_start3A_128 = arith.constant 0 : i32
      %dma_start3A_129 = tpu.memref_slice %arg2[%add3A_127, %dma_start3A_128] : memref<336128x128xf32, #tpu.memory_space<hbm>> -> memref<128x128xf32, #tpu.memory_space<hbm>>
      %dma_start3A_130 = arith.constant 0 : i32
      %dma_start3A_131 = tpu.memref_slice %arg2[%add3A_127, %dma_start3A_130] : memref<336128x128xf32, #tpu.memory_space<hbm>> -> memref<128x128xf32, #tpu.memory_space<hbm>>
      tpu.enqueue_dma source(%dma_start3A_131 : memref<128x128xf32, #tpu.memory_space<hbm>>) target(%arg6 : memref<128x128xf32, #tpu.memory_space<vmem>>) target_semaphore(%arg10 : memref<!tpu.dma_semaphore, #tpu.memory_space<semaphore_mem>>)
      %add3A_132 = arith.constant 1 : i32
      %add3A_133 = arith.addi %mul3A_101, %add3A_132 : i32
      %mul3A_134 = arith.constant 10496 : i32
      %mul3A_135 = arith.muli %add3A, %mul3A_134 : i32
      %mul3A_136 = arith.constant 128 : i32
      %mul3A_137 = arith.muli %add3A_133, %mul3A_136 : i32
      %add3A_138 = arith.addi %mul3A_135, %mul3A_137 : i32
      %dma_wait3A_139 = arith.constant 0 : i32
      %dma_wait3A_140 = tpu.memref_slice %arg2[%add3A_138, %dma_wait3A_139] : memref<336128x128xf32, #tpu.memory_space<hbm>> -> memref<128x128xf32, #tpu.memory_space<hbm>>
      %dma_wait3A_141 = arith.constant 0 : i32
      %dma_wait3A_142 = tpu.memref_slice %arg2[%add3A_138, %dma_wait3A_141] : memref<336128x128xf32, #tpu.memory_space<hbm>> -> memref<128x128xf32, #tpu.memory_space<hbm>>
      tpu.wait_dma2 semaphore(%arg11 : memref<!tpu.dma_semaphore, #tpu.memory_space<semaphore_mem>>) src(%dma_wait3A_142 : memref<128x128xf32, #tpu.memory_space<hbm>>) dst(%arg7 : memref<128x128xf32, #tpu.memory_space<vmem>>)
      %add3A_143 = arith.constant 1 : i32
      %add3A_144 = arith.addi %mul3A_101, %add3A_143 : i32
      %mul3A_145 = arith.constant 128 : i32
      %mul3A_146 = arith.muli %add3A_144, %mul3A_145 : i32
      %dma_start3A_147 = tpu.memref_slice %arg5[%mul3A_146] : memref<10496xi32, #tpu.memory_space<vmem>> -> memref<128xi32, #tpu.memory_space<vmem>>
      %dma_start3A_148 = arith.constant 0 : i32
      %dma_start3A_149 = arith.constant 0 : i32
      %dma_start3A_150 = tpu.memref_slice %arg8[%dma_start3A_148, %dma_start3A_149] : memref<10240x128xf32, #tpu.memory_space<vmem_shared>> -> memref<10240x128xf32, #tpu.memory_space<vmem_shared>>
      tpu.enqueue_indirect_dma source(%arg7 : memref<128x128xf32, #tpu.memory_space<vmem>>) target(%dma_start3A_150 : memref<10240x128xf32, #tpu.memory_space<vmem_shared>>) offsets(%dma_start3A_147 : memref<128xi32, #tpu.memory_space<vmem>>) semaphore(%arg12 : memref<!tpu.dma_semaphore, #tpu.memory_space<semaphore_mem>>) {add = true}
      %dma_wait3A_151 = tpu.memref_slice %arg5[%mul3A_146] : memref<10496xi32, #tpu.memory_space<vmem>> -> memref<128xi32, #tpu.memory_space<vmem>>
      %dma_wait3A_152 = arith.constant 0 : i32
      %dma_wait3A_153 = arith.constant 0 : i32
      %dma_wait3A_154 = tpu.memref_slice %arg8[%dma_wait3A_152, %dma_wait3A_153] : memref<10240x128xf32, #tpu.memory_space<vmem_shared>> -> memref<10240x128xf32, #tpu.memory_space<vmem_shared>>
      tpu.wait_indirect_dma semaphore(%arg12 : memref<!tpu.dma_semaphore, #tpu.memory_space<semaphore_mem>>) src(%arg7 : memref<128x128xf32, #tpu.memory_space<vmem>>) dst(%dma_wait3A_154 : memref<10240x128xf32, #tpu.memory_space<vmem_shared>>)
      %add3A_155 = arith.constant 3 : i32
      %add3A_156 = arith.addi %mul3A_101, %add3A_155 : i32
      %mul3A_157 = arith.constant 10496 : i32
      %mul3A_158 = arith.muli %add3A, %mul3A_157 : i32
      %mul3A_159 = arith.constant 128 : i32
      %mul3A_160 = arith.muli %add3A_156, %mul3A_159 : i32
      %add3A_161 = arith.addi %mul3A_158, %mul3A_160 : i32
      %dma_start3A_162 = arith.constant 0 : i32
      %dma_start3A_163 = tpu.memref_slice %arg2[%add3A_161, %dma_start3A_162] : memref<336128x128xf32, #tpu.memory_space<hbm>> -> memref<128x128xf32, #tpu.memory_space<hbm>>
      %dma_start3A_164 = arith.constant 0 : i32
      %dma_start3A_165 = tpu.memref_slice %arg2[%add3A_161, %dma_start3A_164] : memref<336128x128xf32, #tpu.memory_space<hbm>> -> memref<128x128xf32, #tpu.memory_space<hbm>>
      tpu.enqueue_dma source(%dma_start3A_165 : memref<128x128xf32, #tpu.memory_space<hbm>>) target(%arg7 : memref<128x128xf32, #tpu.memory_space<vmem>>) target_semaphore(%arg11 : memref<!tpu.dma_semaphore, #tpu.memory_space<semaphore_mem>>)
    }
    %scan3A_46 = arith.constant 41 : i32
    %mul3A_47 = arith.constant 10496 : i32
    %mul3A_48 = arith.muli %add3A, %mul3A_47 : i32
    %add3A_49 = arith.constant 10496 : i32
    %add3A_50 = arith.addi %mul3A_48, %add3A_49 : i32
    %dma_wait3A_51 = arith.constant 0 : i32
    %dma_wait3A_52 = tpu.memref_slice %arg2[%add3A_50, %dma_wait3A_51] : memref<336128x128xf32, #tpu.memory_space<hbm>> -> memref<128x128xf32, #tpu.memory_space<hbm>>
    %dma_wait3A_53 = arith.constant 0 : i32
    %dma_wait3A_54 = tpu.memref_slice %arg2[%add3A_50, %dma_wait3A_53] : memref<336128x128xf32, #tpu.memory_space<hbm>> -> memref<128x128xf32, #tpu.memory_space<hbm>>
    tpu.wait_dma2 semaphore(%arg10 : memref<!tpu.dma_semaphore, #tpu.memory_space<semaphore_mem>>) src(%dma_wait3A_54 : memref<128x128xf32, #tpu.memory_space<hbm>>) dst(%arg6 : memref<128x128xf32, #tpu.memory_space<vmem>>)
    %mul3A_55 = arith.constant 10496 : i32
    %mul3A_56 = arith.muli %add3A, %mul3A_55 : i32
    %add3A_57 = arith.constant 10624 : i32
    %add3A_58 = arith.addi %mul3A_56, %add3A_57 : i32
    %dma_wait3A_59 = arith.constant 0 : i32
    %dma_wait3A_60 = tpu.memref_slice %arg2[%add3A_58, %dma_wait3A_59] : memref<336128x128xf32, #tpu.memory_space<hbm>> -> memref<128x128xf32, #tpu.memory_space<hbm>>
    %dma_wait3A_61 = arith.constant 0 : i32
    %dma_wait3A_62 = tpu.memref_slice %arg2[%add3A_58, %dma_wait3A_61] : memref<336128x128xf32, #tpu.memory_space<hbm>> -> memref<128x128xf32, #tpu.memory_space<hbm>>
    tpu.wait_dma2 semaphore(%arg11 : memref<!tpu.dma_semaphore, #tpu.memory_space<semaphore_mem>>) src(%dma_wait3A_62 : memref<128x128xf32, #tpu.memory_space<hbm>>) dst(%arg7 : memref<128x128xf32, #tpu.memory_space<vmem>>)
    %barrier3A_63 = arith.constant 0 : index
    tpu.barrier barrier_id(%barrier3A_63)
    %add3A_64 = arith.constant 0 : i32
    %add3A_65 = arith.addi %mul3A_2, %add3A_64 : i32
    %mul3A_66 = arith.constant 10240 : i32
    %mul3A_67 = arith.muli %arg0, %mul3A_66 : i32
    %add3A_68 = arith.addi %mul3A_67, %mul3A_2 : i32
    %add3A_69 = arith.constant 0 : i32
    %add3A_70 = arith.addi %add3A_68, %add3A_69 : i32
    "tpu.region"() ({
      %run_scoped3A = tpu.sem_alloc : memref<!tpu.dma_semaphore, #tpu.memory_space<semaphore_mem>>
      %dma_start3A_99 = arith.constant 0 : i32
      %dma_start3A_100 = tpu.memref_slice %arg4[%add3A_70, %dma_start3A_99] : memref<20480x128xf32, #tpu.memory_space<hbm>> -> memref<128x128xf32, #tpu.memory_space<hbm>>
      %dma_start3A_101 = arith.constant 0 : i32
      %dma_start3A_102 = tpu.memref_slice %arg8[%add3A_65, %dma_start3A_101] : memref<10240x128xf32, #tpu.memory_space<vmem_shared>> -> memref<128x128xf32, #tpu.memory_space<vmem_shared>>
      tpu.enqueue_dma source(%dma_start3A_102 : memref<128x128xf32, #tpu.memory_space<vmem_shared>>) target(%dma_start3A_100 : memref<128x128xf32, #tpu.memory_space<hbm>>) target_semaphore(%run_scoped3A : memref<!tpu.dma_semaphore, #tpu.memory_space<semaphore_mem>>)
      %dma_wait3A_103 = arith.constant 0 : i32
      %dma_wait3A_104 = tpu.memref_slice %arg4[%add3A_70, %dma_wait3A_103] : memref<20480x128xf32, #tpu.memory_space<hbm>> -> memref<128x128xf32, #tpu.memory_space<hbm>>
      %dma_wait3A_105 = arith.constant 0 : i32
      %dma_wait3A_106 = tpu.memref_slice %arg8[%add3A_65, %dma_wait3A_105] : memref<10240x128xf32, #tpu.memory_space<vmem_shared>> -> memref<128x128xf32, #tpu.memory_space<vmem_shared>>
      tpu.wait_dma2 semaphore(%run_scoped3A : memref<!tpu.dma_semaphore, #tpu.memory_space<semaphore_mem>>) src(%dma_wait3A_106 : memref<128x128xf32, #tpu.memory_space<vmem_shared>>) dst(%dma_wait3A_104 : memref<128x128xf32, #tpu.memory_space<hbm>>)
      tpu.yield
    }) : () -> ()
    %add3A_71 = arith.constant 128 : i32
    %add3A_72 = arith.addi %mul3A_2, %add3A_71 : i32
    %mul3A_73 = arith.constant 10240 : i32
    %mul3A_74 = arith.muli %arg0, %mul3A_73 : i32
    %add3A_75 = arith.addi %mul3A_74, %mul3A_2 : i32
    %add3A_76 = arith.constant 128 : i32
    %add3A_77 = arith.addi %add3A_75, %add3A_76 : i32
    "tpu.region"() ({
      %run_scoped3A = tpu.sem_alloc : memref<!tpu.dma_semaphore, #tpu.memory_space<semaphore_mem>>
      %dma_start3A_99 = arith.constant 0 : i32
      %dma_start3A_100 = tpu.memref_slice %arg4[%add3A_77, %dma_start3A_99] : memref<20480x128xf32, #tpu.memory_space<hbm>> -> memref<128x128xf32, #tpu.memory_space<hbm>>
      %dma_start3A_101 = arith.constant 0 : i32
      %dma_start3A_102 = tpu.memref_slice %arg8[%add3A_72, %dma_start3A_101] : memref<10240x128xf32, #tpu.memory_space<vmem_shared>> -> memref<128x128xf32, #tpu.memory_space<vmem_shared>>
      tpu.enqueue_dma source(%dma_start3A_102 : memref<128x128xf32, #tpu.memory_space<vmem_shared>>) target(%dma_start3A_100 : memref<128x128xf32, #tpu.memory_space<hbm>>) target_semaphore(%run_scoped3A : memref<!tpu.dma_semaphore, #tpu.memory_space<semaphore_mem>>)
      %dma_wait3A_103 = arith.constant 0 : i32
      %dma_wait3A_104 = tpu.memref_slice %arg4[%add3A_77, %dma_wait3A_103] : memref<20480x128xf32, #tpu.memory_space<hbm>> -> memref<128x128xf32, #tpu.memory_space<hbm>>
      %dma_wait3A_105 = arith.constant 0 : i32
      %dma_wait3A_106 = tpu.memref_slice %arg8[%add3A_72, %dma_wait3A_105] : memref<10240x128xf32, #tpu.memory_space<vmem_shared>> -> memref<128x128xf32, #tpu.memory_space<vmem_shared>>
      tpu.wait_dma2 semaphore(%run_scoped3A : memref<!tpu.dma_semaphore, #tpu.memory_space<semaphore_mem>>) src(%dma_wait3A_106 : memref<128x128xf32, #tpu.memory_space<vmem_shared>>) dst(%dma_wait3A_104 : memref<128x128xf32, #tpu.memory_space<hbm>>)
      tpu.yield
    }) : () -> ()
    %add3A_78 = arith.constant 256 : i32
    %add3A_79 = arith.addi %mul3A_2, %add3A_78 : i32
    %mul3A_80 = arith.constant 10240 : i32
    %mul3A_81 = arith.muli %arg0, %mul3A_80 : i32
    %add3A_82 = arith.addi %mul3A_81, %mul3A_2 : i32
    %add3A_83 = arith.constant 256 : i32
    %add3A_84 = arith.addi %add3A_82, %add3A_83 : i32
    "tpu.region"() ({
      %run_scoped3A = tpu.sem_alloc : memref<!tpu.dma_semaphore, #tpu.memory_space<semaphore_mem>>
      %dma_start3A_99 = arith.constant 0 : i32
      %dma_start3A_100 = tpu.memref_slice %arg4[%add3A_84, %dma_start3A_99] : memref<20480x128xf32, #tpu.memory_space<hbm>> -> memref<128x128xf32, #tpu.memory_space<hbm>>
      %dma_start3A_101 = arith.constant 0 : i32
      %dma_start3A_102 = tpu.memref_slice %arg8[%add3A_79, %dma_start3A_101] : memref<10240x128xf32, #tpu.memory_space<vmem_shared>> -> memref<128x128xf32, #tpu.memory_space<vmem_shared>>
      tpu.enqueue_dma source(%dma_start3A_102 : memref<128x128xf32, #tpu.memory_space<vmem_shared>>) target(%dma_start3A_100 : memref<128x128xf32, #tpu.memory_space<hbm>>) target_semaphore(%run_scoped3A : memref<!tpu.dma_semaphore, #tpu.memory_space<semaphore_mem>>)
      %dma_wait3A_103 = arith.constant 0 : i32
      %dma_wait3A_104 = tpu.memref_slice %arg4[%add3A_84, %dma_wait3A_103] : memref<20480x128xf32, #tpu.memory_space<hbm>> -> memref<128x128xf32, #tpu.memory_space<hbm>>
      %dma_wait3A_105 = arith.constant 0 : i32
      %dma_wait3A_106 = tpu.memref_slice %arg8[%add3A_79, %dma_wait3A_105] : memref<10240x128xf32, #tpu.memory_space<vmem_shared>> -> memref<128x128xf32, #tpu.memory_space<vmem_shared>>
      tpu.wait_dma2 semaphore(%run_scoped3A : memref<!tpu.dma_semaphore, #tpu.memory_space<semaphore_mem>>) src(%dma_wait3A_106 : memref<128x128xf32, #tpu.memory_space<vmem_shared>>) dst(%dma_wait3A_104 : memref<128x128xf32, #tpu.memory_space<hbm>>)
      tpu.yield
    }) : () -> ()
    %add3A_85 = arith.constant 384 : i32
    %add3A_86 = arith.addi %mul3A_2, %add3A_85 : i32
    %mul3A_87 = arith.constant 10240 : i32
    %mul3A_88 = arith.muli %arg0, %mul3A_87 : i32
    %add3A_89 = arith.addi %mul3A_88, %mul3A_2 : i32
    %add3A_90 = arith.constant 384 : i32
    %add3A_91 = arith.addi %add3A_89, %add3A_90 : i32
    "tpu.region"() ({
      %run_scoped3A = tpu.sem_alloc : memref<!tpu.dma_semaphore, #tpu.memory_space<semaphore_mem>>
      %dma_start3A_99 = arith.constant 0 : i32
      %dma_start3A_100 = tpu.memref_slice %arg4[%add3A_91, %dma_start3A_99] : memref<20480x128xf32, #tpu.memory_space<hbm>> -> memref<128x128xf32, #tpu.memory_space<hbm>>
      %dma_start3A_101 = arith.constant 0 : i32
      %dma_start3A_102 = tpu.memref_slice %arg8[%add3A_86, %dma_start3A_101] : memref<10240x128xf32, #tpu.memory_space<vmem_shared>> -> memref<128x128xf32, #tpu.memory_space<vmem_shared>>
      tpu.enqueue_dma source(%dma_start3A_102 : memref<128x128xf32, #tpu.memory_space<vmem_shared>>) target(%dma_start3A_100 : memref<128x128xf32, #tpu.memory_space<hbm>>) target_semaphore(%run_scoped3A : memref<!tpu.dma_semaphore, #tpu.memory_space<semaphore_mem>>)
      %dma_wait3A_103 = arith.constant 0 : i32
      %dma_wait3A_104 = tpu.memref_slice %arg4[%add3A_91, %dma_wait3A_103] : memref<20480x128xf32, #tpu.memory_space<hbm>> -> memref<128x128xf32, #tpu.memory_space<hbm>>
      %dma_wait3A_105 = arith.constant 0 : i32
      %dma_wait3A_106 = tpu.memref_slice %arg8[%add3A_86, %dma_wait3A_105] : memref<10240x128xf32, #tpu.memory_space<vmem_shared>> -> memref<128x128xf32, #tpu.memory_space<vmem_shared>>
      tpu.wait_dma2 semaphore(%run_scoped3A : memref<!tpu.dma_semaphore, #tpu.memory_space<semaphore_mem>>) src(%dma_wait3A_106 : memref<128x128xf32, #tpu.memory_space<vmem_shared>>) dst(%dma_wait3A_104 : memref<128x128xf32, #tpu.memory_space<hbm>>)
      tpu.yield
    }) : () -> ()
    %add3A_92 = arith.constant 512 : i32
    %add3A_93 = arith.addi %mul3A_2, %add3A_92 : i32
    %mul3A_94 = arith.constant 10240 : i32
    %mul3A_95 = arith.muli %arg0, %mul3A_94 : i32
    %add3A_96 = arith.addi %mul3A_95, %mul3A_2 : i32
    %add3A_97 = arith.constant 512 : i32
    %add3A_98 = arith.addi %add3A_96, %add3A_97 : i32
    "tpu.region"() ({
      %run_scoped3A = tpu.sem_alloc : memref<!tpu.dma_semaphore, #tpu.memory_space<semaphore_mem>>
      %dma_start3A_99 = arith.constant 0 : i32
      %dma_start3A_100 = tpu.memref_slice %arg4[%add3A_98, %dma_start3A_99] : memref<20480x128xf32, #tpu.memory_space<hbm>> -> memref<128x128xf32, #tpu.memory_space<hbm>>
      %dma_start3A_101 = arith.constant 0 : i32
      %dma_start3A_102 = tpu.memref_slice %arg8[%add3A_93, %dma_start3A_101] : memref<10240x128xf32, #tpu.memory_space<vmem_shared>> -> memref<128x128xf32, #tpu.memory_space<vmem_shared>>
      tpu.enqueue_dma source(%dma_start3A_102 : memref<128x128xf32, #tpu.memory_space<vmem_shared>>) target(%dma_start3A_100 : memref<128x128xf32, #tpu.memory_space<hbm>>) target_semaphore(%run_scoped3A : memref<!tpu.dma_semaphore, #tpu.memory_space<semaphore_mem>>)
      %dma_wait3A_103 = arith.constant 0 : i32
      %dma_wait3A_104 = tpu.memref_slice %arg4[%add3A_98, %dma_wait3A_103] : memref<20480x128xf32, #tpu.memory_space<hbm>> -> memref<128x128xf32, #tpu.memory_space<hbm>>
      %dma_wait3A_105 = arith.constant 0 : i32
      %dma_wait3A_106 = tpu.memref_slice %arg8[%add3A_93, %dma_wait3A_105] : memref<10240x128xf32, #tpu.memory_space<vmem_shared>> -> memref<128x128xf32, #tpu.memory_space<vmem_shared>>
      tpu.wait_dma2 semaphore(%run_scoped3A : memref<!tpu.dma_semaphore, #tpu.memory_space<semaphore_mem>>) src(%dma_wait3A_106 : memref<128x128xf32, #tpu.memory_space<vmem_shared>>) dst(%dma_wait3A_104 : memref<128x128xf32, #tpu.memory_space<hbm>>)
      tpu.yield
    }) : () -> ()
    return
  }
}

#map = affine_map<(d0, d1) -> (0, 0)>
#map1 = affine_map<(d0, d1) -> (0)>
module attributes {stable_mosaic.version = 14 : i64} {
  func.func @_seg_body(%arg0: i32, %arg1: i32, %arg2: memref<336128x128xf32, #tpu.memory_space<hbm>>, %arg3: memref<336128xi32, #tpu.memory_space<hbm>>, %arg4: memref<20480x128xf32, #tpu.memory_space<hbm>>, %arg5: memref<10496xi32, #tpu.memory_space<vmem>>, %arg6: memref<128x128xf32, #tpu.memory_space<vmem>>, %arg7: memref<128x128xf32, #tpu.memory_space<vmem>>, %arg8: memref<10240x128xf32, #tpu.memory_space<vmem_shared>>, %arg9: memref<!tpu.dma_semaphore, #tpu.memory_space<semaphore_mem>>, %arg10: memref<!tpu.dma_semaphore, #tpu.memory_space<semaphore_mem>>, %arg11: memref<!tpu.dma_semaphore, #tpu.memory_space<semaphore_mem>>, %arg12: memref<!tpu.dma_semaphore, #tpu.memory_space<semaphore_mem>>) attributes {dimension_semantics = [#tpu.dimension_semantics<core_parallel>, #tpu.dimension_semantics<subcore_parallel>], iteration_bounds = array<i64: 2, 16>, scalar_prefetch = 0 : i64, scratch_operands = 8 : i64, tpu.core_type = #tpu.core_type<sc_vector_subcore>, window_params = [{transform_indices = #map}, {transform_indices = #map1}, {transform_indices = #map}]} {
    %mul3A = arith.constant 16 : i32
    %mul3A_0 = arith.muli %arg0, %mul3A : i32
    %add3A = arith.addi %mul3A_0, %arg1 : i32
    %mul3A_1 = arith.constant 640 : i32
    %mul3A_2 = arith.muli %arg1, %mul3A_1 : i32
    %mul3A_3 = arith.constant 10496 : i32
    %mul3A_4 = arith.muli %add3A, %mul3A_3 : i32
    %dma_start3A = tpu.memref_slice %arg3[%mul3A_4] : memref<336128xi32, #tpu.memory_space<hbm>> -> memref<10496xi32, #tpu.memory_space<hbm>>
    %dma_start3A_5 = tpu.memref_slice %arg3[%mul3A_4] : memref<336128xi32, #tpu.memory_space<hbm>> -> memref<10496xi32, #tpu.memory_space<hbm>>
    tpu.enqueue_dma source(%dma_start3A_5 : memref<10496xi32, #tpu.memory_space<hbm>>) target(%arg5 : memref<10496xi32, #tpu.memory_space<vmem>>) target_semaphore(%arg9 : memref<!tpu.dma_semaphore, #tpu.memory_space<semaphore_mem>>)
    %broadcast_in_dim3A = arith.constant 0.000000e+00 : f32
    %broadcast_in_dim3A_6 = vector.broadcast %broadcast_in_dim3A : f32 to vector<16xf32>
    %scan3A = arith.constant 0 : i32
    %scan3A_7 = arith.constant 0 : i32
    %scan3A_8 = arith.constant 128 : i32
    %scan3A_9 = arith.addi %scan3A_7, %scan3A_8 : i32
    %scan3A_10 = arith.constant 1 : i32
    scf.for %scan3A_99 = %scan3A_7 to %scan3A_9 step %scan3A_10  : i32 {
      %swap3A = arith.index_cast %scan3A_99 : i32 to index
      %swap3A_100 = arith.constant 0 : index
      %swap3A_101 = tpu.vector_load %arg6[%swap3A, %swap3A_100] {strides = array<i32>} : memref<128x128xf32, #tpu.memory_space<vmem>>, vector<1x16xf32>,
      %swap3A_102 = vector.shape_cast %swap3A_101 : vector<1x16xf32> to vector<16xf32>
      %swap3A_103 = vector.shape_cast %broadcast_in_dim3A_6 : vector<16xf32> to vector<1x16xf32>
      tpu.vector_store %arg6[%swap3A, %swap3A_100], %swap3A_103 {strides = array<i32>} : memref<128x128xf32, #tpu.memory_space<vmem>>, vector<1x16xf32>,
      %swap3A_104 = arith.index_cast %scan3A_99 : i32 to index
      %swap3A_105 = arith.constant 16 : index
      %swap3A_106 = tpu.vector_load %arg6[%swap3A_104, %swap3A_105] {strides = array<i32>} : memref<128x128xf32, #tpu.memory_space<vmem>>, vector<1x16xf32>,
      %swap3A_107 = vector.shape_cast %swap3A_106 : vector<1x16xf32> to vector<16xf32>
      %swap3A_108 = vector.shape_cast %broadcast_in_dim3A_6 : vector<16xf32> to vector<1x16xf32>
      tpu.vector_store %arg6[%swap3A_104, %swap3A_105], %swap3A_108 {strides = array<i32>} : memref<128x128xf32, #tpu.memory_space<vmem>>, vector<1x16xf32>,
      %swap3A_109 = arith.index_cast %scan3A_99 : i32 to index
      %swap3A_110 = arith.constant 32 : index
      %swap3A_111 = tpu.vector_load %arg6[%swap3A_109, %swap3A_110] {strides = array<i32>} : memref<128x128xf32, #tpu.memory_space<vmem>>, vector<1x16xf32>,
      %swap3A_112 = vector.shape_cast %swap3A_111 : vector<1x16xf32> to vector<16xf32>
      %swap3A_113 = vector.shape_cast %broadcast_in_dim3A_6 : vector<16xf32> to vector<1x16xf32>
      tpu.vector_store %arg6[%swap3A_109, %swap3A_110], %swap3A_113 {strides = array<i32>} : memref<128x128xf32, #tpu.memory_space<vmem>>, vector<1x16xf32>,
      %swap3A_114 = arith.index_cast %scan3A_99 : i32 to index
      %swap3A_115 = arith.constant 48 : index
      %swap3A_116 = tpu.vector_load %arg6[%swap3A_114, %swap3A_115] {strides = array<i32>} : memref<128x128xf32, #tpu.memory_space<vmem>>, vector<1x16xf32>,
      %swap3A_117 = vector.shape_cast %swap3A_116 : vector<1x16xf32> to vector<16xf32>
      %swap3A_118 = vector.shape_cast %broadcast_in_dim3A_6 : vector<16xf32> to vector<1x16xf32>
      tpu.vector_store %arg6[%swap3A_114, %swap3A_115], %swap3A_118 {strides = array<i32>} : memref<128x128xf32, #tpu.memory_space<vmem>>, vector<1x16xf32>,
      %swap3A_119 = arith.index_cast %scan3A_99 : i32 to index
      %swap3A_120 = arith.constant 64 : index
      %swap3A_121 = tpu.vector_load %arg6[%swap3A_119, %swap3A_120] {strides = array<i32>} : memref<128x128xf32, #tpu.memory_space<vmem>>, vector<1x16xf32>,
      %swap3A_122 = vector.shape_cast %swap3A_121 : vector<1x16xf32> to vector<16xf32>
      %swap3A_123 = vector.shape_cast %broadcast_in_dim3A_6 : vector<16xf32> to vector<1x16xf32>
      tpu.vector_store %arg6[%swap3A_119, %swap3A_120], %swap3A_123 {strides = array<i32>} : memref<128x128xf32, #tpu.memory_space<vmem>>, vector<1x16xf32>,
      %swap3A_124 = arith.index_cast %scan3A_99 : i32 to index
      %swap3A_125 = arith.constant 80 : index
      %swap3A_126 = tpu.vector_load %arg6[%swap3A_124, %swap3A_125] {strides = array<i32>} : memref<128x128xf32, #tpu.memory_space<vmem>>, vector<1x16xf32>,
      %swap3A_127 = vector.shape_cast %swap3A_126 : vector<1x16xf32> to vector<16xf32>
      %swap3A_128 = vector.shape_cast %broadcast_in_dim3A_6 : vector<16xf32> to vector<1x16xf32>
      tpu.vector_store %arg6[%swap3A_124, %swap3A_125], %swap3A_128 {strides = array<i32>} : memref<128x128xf32, #tpu.memory_space<vmem>>, vector<1x16xf32>,
      %swap3A_129 = arith.index_cast %scan3A_99 : i32 to index
      %swap3A_130 = arith.constant 96 : index
      %swap3A_131 = tpu.vector_load %arg6[%swap3A_129, %swap3A_130] {strides = array<i32>} : memref<128x128xf32, #tpu.memory_space<vmem>>, vector<1x16xf32>,
      %swap3A_132 = vector.shape_cast %swap3A_131 : vector<1x16xf32> to vector<16xf32>
      %swap3A_133 = vector.shape_cast %broadcast_in_dim3A_6 : vector<16xf32> to vector<1x16xf32>
      tpu.vector_store %arg6[%swap3A_129, %swap3A_130], %swap3A_133 {strides = array<i32>} : memref<128x128xf32, #tpu.memory_space<vmem>>, vector<1x16xf32>,
      %swap3A_134 = arith.index_cast %scan3A_99 : i32 to index
      %swap3A_135 = arith.constant 112 : index
      %swap3A_136 = tpu.vector_load %arg6[%swap3A_134, %swap3A_135] {strides = array<i32>} : memref<128x128xf32, #tpu.memory_space<vmem>>, vector<1x16xf32>,
      %swap3A_137 = vector.shape_cast %swap3A_136 : vector<1x16xf32> to vector<16xf32>
      %swap3A_138 = vector.shape_cast %broadcast_in_dim3A_6 : vector<16xf32> to vector<1x16xf32>
      tpu.vector_store %arg6[%swap3A_134, %swap3A_135], %swap3A_138 {strides = array<i32>} : memref<128x128xf32, #tpu.memory_space<vmem>>, vector<1x16xf32>,
    }
    %scan3A_11 = arith.constant 128 : i32
    %add3A_12 = arith.constant 0 : i32
    %add3A_13 = arith.addi %mul3A_2, %add3A_12 : i32
    "tpu.region"() ({
      %run_scoped3A = tpu.sem_alloc : memref<!tpu.dma_semaphore, #tpu.memory_space<semaphore_mem>>
      %dma_start3A_99 = arith.constant 0 : i32
      %dma_start3A_100 = tpu.memref_slice %arg8[%add3A_13, %dma_start3A_99] : memref<10240x128xf32, #tpu.memory_space<vmem_shared>> -> memref<128x128xf32, #tpu.memory_space<vmem_shared>>
      %dma_start3A_101 = arith.constant 0 : i32
      %dma_start3A_102 = tpu.memref_slice %arg8[%add3A_13, %dma_start3A_101] : memref<10240x128xf32, #tpu.memory_space<vmem_shared>> -> memref<128x128xf32, #tpu.memory_space<vmem_shared>>
      tpu.enqueue_dma source(%arg6 : memref<128x128xf32, #tpu.memory_space<vmem>>) target(%dma_start3A_102 : memref<128x128xf32, #tpu.memory_space<vmem_shared>>) target_semaphore(%run_scoped3A : memref<!tpu.dma_semaphore, #tpu.memory_space<semaphore_mem>>)
      %dma_wait3A_103 = arith.constant 0 : i32
      %dma_wait3A_104 = tpu.memref_slice %arg8[%add3A_13, %dma_wait3A_103] : memref<10240x128xf32, #tpu.memory_space<vmem_shared>> -> memref<128x128xf32, #tpu.memory_space<vmem_shared>>
      %dma_wait3A_105 = arith.constant 0 : i32
      %dma_wait3A_106 = tpu.memref_slice %arg8[%add3A_13, %dma_wait3A_105] : memref<10240x128xf32, #tpu.memory_space<vmem_shared>> -> memref<128x128xf32, #tpu.memory_space<vmem_shared>>
      tpu.wait_dma2 semaphore(%run_scoped3A : memref<!tpu.dma_semaphore, #tpu.memory_space<semaphore_mem>>) src(%arg6 : memref<128x128xf32, #tpu.memory_space<vmem>>) dst(%dma_wait3A_106 : memref<128x128xf32, #tpu.memory_space<vmem_shared>>)
      tpu.yield
    }) : () -> ()
    %add3A_14 = arith.constant 128 : i32
    %add3A_15 = arith.addi %mul3A_2, %add3A_14 : i32
    "tpu.region"() ({
      %run_scoped3A = tpu.sem_alloc : memref<!tpu.dma_semaphore, #tpu.memory_space<semaphore_mem>>
      %dma_start3A_99 = arith.constant 0 : i32
      %dma_start3A_100 = tpu.memref_slice %arg8[%add3A_15, %dma_start3A_99] : memref<10240x128xf32, #tpu.memory_space<vmem_shared>> -> memref<128x128xf32, #tpu.memory_space<vmem_shared>>
      %dma_start3A_101 = arith.constant 0 : i32
      %dma_start3A_102 = tpu.memref_slice %arg8[%add3A_15, %dma_start3A_101] : memref<10240x128xf32, #tpu.memory_space<vmem_shared>> -> memref<128x128xf32, #tpu.memory_space<vmem_shared>>
      tpu.enqueue_dma source(%arg6 : memref<128x128xf32, #tpu.memory_space<vmem>>) target(%dma_start3A_102 : memref<128x128xf32, #tpu.memory_space<vmem_shared>>) target_semaphore(%run_scoped3A : memref<!tpu.dma_semaphore, #tpu.memory_space<semaphore_mem>>)
      %dma_wait3A_103 = arith.constant 0 : i32
      %dma_wait3A_104 = tpu.memref_slice %arg8[%add3A_15, %dma_wait3A_103] : memref<10240x128xf32, #tpu.memory_space<vmem_shared>> -> memref<128x128xf32, #tpu.memory_space<vmem_shared>>
      %dma_wait3A_105 = arith.constant 0 : i32
      %dma_wait3A_106 = tpu.memref_slice %arg8[%add3A_15, %dma_wait3A_105] : memref<10240x128xf32, #tpu.memory_space<vmem_shared>> -> memref<128x128xf32, #tpu.memory_space<vmem_shared>>
      tpu.wait_dma2 semaphore(%run_scoped3A : memref<!tpu.dma_semaphore, #tpu.memory_space<semaphore_mem>>) src(%arg6 : memref<128x128xf32, #tpu.memory_space<vmem>>) dst(%dma_wait3A_106 : memref<128x128xf32, #tpu.memory_space<vmem_shared>>)
      tpu.yield
    }) : () -> ()
    %add3A_16 = arith.constant 256 : i32
    %add3A_17 = arith.addi %mul3A_2, %add3A_16 : i32
    "tpu.region"() ({
      %run_scoped3A = tpu.sem_alloc : memref<!tpu.dma_semaphore, #tpu.memory_space<semaphore_mem>>
      %dma_start3A_99 = arith.constant 0 : i32
      %dma_start3A_100 = tpu.memref_slice %arg8[%add3A_17, %dma_start3A_99] : memref<10240x128xf32, #tpu.memory_space<vmem_shared>> -> memref<128x128xf32, #tpu.memory_space<vmem_shared>>
      %dma_start3A_101 = arith.constant 0 : i32
      %dma_start3A_102 = tpu.memref_slice %arg8[%add3A_17, %dma_start3A_101] : memref<10240x128xf32, #tpu.memory_space<vmem_shared>> -> memref<128x128xf32, #tpu.memory_space<vmem_shared>>
      tpu.enqueue_dma source(%arg6 : memref<128x128xf32, #tpu.memory_space<vmem>>) target(%dma_start3A_102 : memref<128x128xf32, #tpu.memory_space<vmem_shared>>) target_semaphore(%run_scoped3A : memref<!tpu.dma_semaphore, #tpu.memory_space<semaphore_mem>>)
      %dma_wait3A_103 = arith.constant 0 : i32
      %dma_wait3A_104 = tpu.memref_slice %arg8[%add3A_17, %dma_wait3A_103] : memref<10240x128xf32, #tpu.memory_space<vmem_shared>> -> memref<128x128xf32, #tpu.memory_space<vmem_shared>>
      %dma_wait3A_105 = arith.constant 0 : i32
      %dma_wait3A_106 = tpu.memref_slice %arg8[%add3A_17, %dma_wait3A_105] : memref<10240x128xf32, #tpu.memory_space<vmem_shared>> -> memref<128x128xf32, #tpu.memory_space<vmem_shared>>
      tpu.wait_dma2 semaphore(%run_scoped3A : memref<!tpu.dma_semaphore, #tpu.memory_space<semaphore_mem>>) src(%arg6 : memref<128x128xf32, #tpu.memory_space<vmem>>) dst(%dma_wait3A_106 : memref<128x128xf32, #tpu.memory_space<vmem_shared>>)
      tpu.yield
    }) : () -> ()
    %add3A_18 = arith.constant 384 : i32
    %add3A_19 = arith.addi %mul3A_2, %add3A_18 : i32
    "tpu.region"() ({
      %run_scoped3A = tpu.sem_alloc : memref<!tpu.dma_semaphore, #tpu.memory_space<semaphore_mem>>
      %dma_start3A_99 = arith.constant 0 : i32
      %dma_start3A_100 = tpu.memref_slice %arg8[%add3A_19, %dma_start3A_99] : memref<10240x128xf32, #tpu.memory_space<vmem_shared>> -> memref<128x128xf32, #tpu.memory_space<vmem_shared>>
      %dma_start3A_101 = arith.constant 0 : i32
      %dma_start3A_102 = tpu.memref_slice %arg8[%add3A_19, %dma_start3A_101] : memref<10240x128xf32, #tpu.memory_space<vmem_shared>> -> memref<128x128xf32, #tpu.memory_space<vmem_shared>>
      tpu.enqueue_dma source(%arg6 : memref<128x128xf32, #tpu.memory_space<vmem>>) target(%dma_start3A_102 : memref<128x128xf32, #tpu.memory_space<vmem_shared>>) target_semaphore(%run_scoped3A : memref<!tpu.dma_semaphore, #tpu.memory_space<semaphore_mem>>)
      %dma_wait3A_103 = arith.constant 0 : i32
      %dma_wait3A_104 = tpu.memref_slice %arg8[%add3A_19, %dma_wait3A_103] : memref<10240x128xf32, #tpu.memory_space<vmem_shared>> -> memref<128x128xf32, #tpu.memory_space<vmem_shared>>
      %dma_wait3A_105 = arith.constant 0 : i32
      %dma_wait3A_106 = tpu.memref_slice %arg8[%add3A_19, %dma_wait3A_105] : memref<10240x128xf32, #tpu.memory_space<vmem_shared>> -> memref<128x128xf32, #tpu.memory_space<vmem_shared>>
      tpu.wait_dma2 semaphore(%run_scoped3A : memref<!tpu.dma_semaphore, #tpu.memory_space<semaphore_mem>>) src(%arg6 : memref<128x128xf32, #tpu.memory_space<vmem>>) dst(%dma_wait3A_106 : memref<128x128xf32, #tpu.memory_space<vmem_shared>>)
      tpu.yield
    }) : () -> ()
    %add3A_20 = arith.constant 512 : i32
    %add3A_21 = arith.addi %mul3A_2, %add3A_20 : i32
    "tpu.region"() ({
      %run_scoped3A = tpu.sem_alloc : memref<!tpu.dma_semaphore, #tpu.memory_space<semaphore_mem>>
      %dma_start3A_99 = arith.constant 0 : i32
      %dma_start3A_100 = tpu.memref_slice %arg8[%add3A_21, %dma_start3A_99] : memref<10240x128xf32, #tpu.memory_space<vmem_shared>> -> memref<128x128xf32, #tpu.memory_space<vmem_shared>>
      %dma_start3A_101 = arith.constant 0 : i32
      %dma_start3A_102 = tpu.memref_slice %arg8[%add3A_21, %dma_start3A_101] : memref<10240x128xf32, #tpu.memory_space<vmem_shared>> -> memref<128x128xf32, #tpu.memory_space<vmem_shared>>
      tpu.enqueue_dma source(%arg6 : memref<128x128xf32, #tpu.memory_space<vmem>>) target(%dma_start3A_102 : memref<128x128xf32, #tpu.memory_space<vmem_shared>>) target_semaphore(%run_scoped3A : memref<!tpu.dma_semaphore, #tpu.memory_space<semaphore_mem>>)
      %dma_wait3A_103 = arith.constant 0 : i32
      %dma_wait3A_104 = tpu.memref_slice %arg8[%add3A_21, %dma_wait3A_103] : memref<10240x128xf32, #tpu.memory_space<vmem_shared>> -> memref<128x128xf32, #tpu.memory_space<vmem_shared>>
      %dma_wait3A_105 = arith.constant 0 : i32
      %dma_wait3A_106 = tpu.memref_slice %arg8[%add3A_21, %dma_wait3A_105] : memref<10240x128xf32, #tpu.memory_space<vmem_shared>> -> memref<128x128xf32, #tpu.memory_space<vmem_shared>>
      tpu.wait_dma2 semaphore(%run_scoped3A : memref<!tpu.dma_semaphore, #tpu.memory_space<semaphore_mem>>) src(%arg6 : memref<128x128xf32, #tpu.memory_space<vmem>>) dst(%dma_wait3A_106 : memref<128x128xf32, #tpu.memory_space<vmem_shared>>)
      tpu.yield
    }) : () -> ()
    %barrier3A = arith.constant 0 : index
    tpu.barrier barrier_id(%barrier3A)
    %mul3A_22 = arith.constant 10496 : i32
    %mul3A_23 = arith.muli %add3A, %mul3A_22 : i32
    %dma_wait3A = tpu.memref_slice %arg3[%mul3A_23] : memref<336128xi32, #tpu.memory_space<hbm>> -> memref<10496xi32, #tpu.memory_space<hbm>>
    %dma_wait3A_24 = tpu.memref_slice %arg3[%mul3A_23] : memref<336128xi32, #tpu.memory_space<hbm>> -> memref<10496xi32, #tpu.memory_space<hbm>>
    tpu.wait_dma2 semaphore(%arg9 : memref<!tpu.dma_semaphore, #tpu.memory_space<semaphore_mem>>) src(%dma_wait3A_24 : memref<10496xi32, #tpu.memory_space<hbm>>) dst(%arg5 : memref<10496xi32, #tpu.memory_space<vmem>>)
    %mul3A_25 = arith.constant 10496 : i32
    %mul3A_26 = arith.muli %add3A, %mul3A_25 : i32
    %add3A_27 = arith.constant 0 : i32
    %add3A_28 = arith.addi %mul3A_26, %add3A_27 : i32
    %dma_start3A_29 = arith.constant 0 : i32
    %dma_start3A_30 = tpu.memref_slice %arg2[%add3A_28, %dma_start3A_29] : memref<336128x128xf32, #tpu.memory_space<hbm>> -> memref<128x128xf32, #tpu.memory_space<hbm>>
    %dma_start3A_31 = arith.constant 0 : i32
    %dma_start3A_32 = tpu.memref_slice %arg2[%add3A_28, %dma_start3A_31] : memref<336128x128xf32, #tpu.memory_space<hbm>> -> memref<128x128xf32, #tpu.memory_space<hbm>>
    tpu.enqueue_dma source(%dma_start3A_32 : memref<128x128xf32, #tpu.memory_space<hbm>>) target(%arg6 : memref<128x128xf32, #tpu.memory_space<vmem>>) target_semaphore(%arg10 : memref<!tpu.dma_semaphore, #tpu.memory_space<semaphore_mem>>)
    %mul3A_33 = arith.constant 10496 : i32
    %mul3A_34 = arith.muli %add3A, %mul3A_33 : i32
    %add3A_35 = arith.constant 128 : i32
    %add3A_36 = arith.addi %mul3A_34, %add3A_35 : i32
    %dma_start3A_37 = arith.constant 0 : i32
    %dma_start3A_38 = tpu.memref_slice %arg2[%add3A_36, %dma_start3A_37] : memref<336128x128xf32, #tpu.memory_space<hbm>> -> memref<128x128xf32, #tpu.memory_space<hbm>>
    %dma_start3A_39 = arith.constant 0 : i32
    %dma_start3A_40 = tpu.memref_slice %arg2[%add3A_36, %dma_start3A_39] : memref<336128x128xf32, #tpu.memory_space<hbm>> -> memref<128x128xf32, #tpu.memory_space<hbm>>
    tpu.enqueue_dma source(%dma_start3A_40 : memref<128x128xf32, #tpu.memory_space<hbm>>) target(%arg7 : memref<128x128xf32, #tpu.memory_space<vmem>>) target_semaphore(%arg11 : memref<!tpu.dma_semaphore, #tpu.memory_space<semaphore_mem>>)
    %scan3A_41 = arith.constant 0 : i32
    %scan3A_42 = arith.constant 0 : i32
    %scan3A_43 = arith.constant 41 : i32
    %scan3A_44 = arith.addi %scan3A_42, %scan3A_43 : i32
    %scan3A_45 = arith.constant 1 : i32
    scf.for %scan3A_99 = %scan3A_42 to %scan3A_44 step %scan3A_45  : i32 {
      %mul3A_100 = arith.constant 2 : i32
      %mul3A_101 = arith.muli %mul3A_100, %scan3A_99 : i32
      %mul3A_102 = arith.constant 10496 : i32
      %mul3A_103 = arith.muli %add3A, %mul3A_102 : i32
      %mul3A_104 = arith.constant 128 : i32
      %mul3A_105 = arith.muli %mul3A_101, %mul3A_104 : i32
      %add3A_106 = arith.addi %mul3A_103, %mul3A_105 : i32
      %dma_wait3A_107 = arith.constant 0 : i32
      %dma_wait3A_108 = tpu.memref_slice %arg2[%add3A_106, %dma_wait3A_107] : memref<336128x128xf32, #tpu.memory_space<hbm>> -> memref<128x128xf32, #tpu.memory_space<hbm>>
      %dma_wait3A_109 = arith.constant 0 : i32
      %dma_wait3A_110 = tpu.memref_slice %arg2[%add3A_106, %dma_wait3A_109] : memref<336128x128xf32, #tpu.memory_space<hbm>> -> memref<128x128xf32, #tpu.memory_space<hbm>>
      tpu.wait_dma2 semaphore(%arg10 : memref<!tpu.dma_semaphore, #tpu.memory_space<semaphore_mem>>) src(%dma_wait3A_110 : memref<128x128xf32, #tpu.memory_space<hbm>>) dst(%arg6 : memref<128x128xf32, #tpu.memory_space<vmem>>)
      %mul3A_111 = arith.constant 128 : i32
      %mul3A_112 = arith.muli %mul3A_101, %mul3A_111 : i32
      %dma_start3A_113 = tpu.memref_slice %arg5[%mul3A_112] : memref<10496xi32, #tpu.memory_space<vmem>> -> memref<128xi32, #tpu.memory_space<vmem>>
      %dma_start3A_114 = arith.constant 0 : i32
      %dma_start3A_115 = arith.constant 0 : i32
      %dma_start3A_116 = tpu.memref_slice %arg8[%dma_start3A_114, %dma_start3A_115] : memref<10240x128xf32, #tpu.memory_space<vmem_shared>> -> memref<10240x128xf32, #tpu.memory_space<vmem_shared>>
      tpu.enqueue_indirect_dma source(%arg6 : memref<128x128xf32, #tpu.memory_space<vmem>>) target(%dma_start3A_116 : memref<10240x128xf32, #tpu.memory_space<vmem_shared>>) offsets(%dma_start3A_113 : memref<128xi32, #tpu.memory_space<vmem>>) semaphore(%arg12 : memref<!tpu.dma_semaphore, #tpu.memory_space<semaphore_mem>>) {add = true}
      %dma_wait3A_117 = tpu.memref_slice %arg5[%mul3A_112] : memref<10496xi32, #tpu.memory_space<vmem>> -> memref<128xi32, #tpu.memory_space<vmem>>
      %dma_wait3A_118 = arith.constant 0 : i32
      %dma_wait3A_119 = arith.constant 0 : i32
      %dma_wait3A_120 = tpu.memref_slice %arg8[%dma_wait3A_118, %dma_wait3A_119] : memref<10240x128xf32, #tpu.memory_space<vmem_shared>> -> memref<10240x128xf32, #tpu.memory_space<vmem_shared>>
      tpu.wait_indirect_dma semaphore(%arg12 : memref<!tpu.dma_semaphore, #tpu.memory_space<semaphore_mem>>) src(%arg6 : memref<128x128xf32, #tpu.memory_space<vmem>>) dst(%dma_wait3A_120 : memref<10240x128xf32, #tpu.memory_space<vmem_shared>>)
      %add3A_121 = arith.constant 2 : i32
      %add3A_122 = arith.addi %mul3A_101, %add3A_121 : i32
      %mul3A_123 = arith.constant 10496 : i32
      %mul3A_124 = arith.muli %add3A, %mul3A_123 : i32
      %mul3A_125 = arith.constant 128 : i32
      %mul3A_126 = arith.muli %add3A_122, %mul3A_125 : i32
      %add3A_127 = arith.addi %mul3A_124, %mul3A_126 : i32
      %dma_start3A_128 = arith.constant 0 : i32
      %dma_start3A_129 = tpu.memref_slice %arg2[%add3A_127, %dma_start3A_128] : memref<336128x128xf32, #tpu.memory_space<hbm>> -> memref<128x128xf32, #tpu.memory_space<hbm>>
      %dma_start3A_130 = arith.constant 0 : i32
      %dma_start3A_131 = tpu.memref_slice %arg2[%add3A_127, %dma_start3A_130] : memref<336128x128xf32, #tpu.memory_space<hbm>> -> memref<128x128xf32, #tpu.memory_space<hbm>>
      tpu.enqueue_dma source(%dma_start3A_131 : memref<128x128xf32, #tpu.memory_space<hbm>>) target(%arg6 : memref<128x128xf32, #tpu.memory_space<vmem>>) target_semaphore(%arg10 : memref<!tpu.dma_semaphore, #tpu.memory_space<semaphore_mem>>)
      %add3A_132 = arith.constant 1 : i32
      %add3A_133 = arith.addi %mul3A_101, %add3A_132 : i32
      %mul3A_134 = arith.constant 10496 : i32
      %mul3A_135 = arith.muli %add3A, %mul3A_134 : i32
      %mul3A_136 = arith.constant 128 : i32
      %mul3A_137 = arith.muli %add3A_133, %mul3A_136 : i32
      %add3A_138 = arith.addi %mul3A_135, %mul3A_137 : i32
      %dma_wait3A_139 = arith.constant 0 : i32
      %dma_wait3A_140 = tpu.memref_slice %arg2[%add3A_138, %dma_wait3A_139] : memref<336128x128xf32, #tpu.memory_space<hbm>> -> memref<128x128xf32, #tpu.memory_space<hbm>>
      %dma_wait3A_141 = arith.constant 0 : i32
      %dma_wait3A_142 = tpu.memref_slice %arg2[%add3A_138, %dma_wait3A_141] : memref<336128x128xf32, #tpu.memory_space<hbm>> -> memref<128x128xf32, #tpu.memory_space<hbm>>
      tpu.wait_dma2 semaphore(%arg11 : memref<!tpu.dma_semaphore, #tpu.memory_space<semaphore_mem>>) src(%dma_wait3A_142 : memref<128x128xf32, #tpu.memory_space<hbm>>) dst(%arg7 : memref<128x128xf32, #tpu.memory_space<vmem>>)
      %add3A_143 = arith.constant 1 : i32
      %add3A_144 = arith.addi %mul3A_101, %add3A_143 : i32
      %mul3A_145 = arith.constant 128 : i32
      %mul3A_146 = arith.muli %add3A_144, %mul3A_145 : i32
      %dma_start3A_147 = tpu.memref_slice %arg5[%mul3A_146] : memref<10496xi32, #tpu.memory_space<vmem>> -> memref<128xi32, #tpu.memory_space<vmem>>
      %dma_start3A_148 = arith.constant 0 : i32
      %dma_start3A_149 = arith.constant 0 : i32
      %dma_start3A_150 = tpu.memref_slice %arg8[%dma_start3A_148, %dma_start3A_149] : memref<10240x128xf32, #tpu.memory_space<vmem_shared>> -> memref<10240x128xf32, #tpu.memory_space<vmem_shared>>
      tpu.enqueue_indirect_dma source(%arg7 : memref<128x128xf32, #tpu.memory_space<vmem>>) target(%dma_start3A_150 : memref<10240x128xf32, #tpu.memory_space<vmem_shared>>) offsets(%dma_start3A_147 : memref<128xi32, #tpu.memory_space<vmem>>) semaphore(%arg12 : memref<!tpu.dma_semaphore, #tpu.memory_space<semaphore_mem>>) {add = true}
      %dma_wait3A_151 = tpu.memref_slice %arg5[%mul3A_146] : memref<10496xi32, #tpu.memory_space<vmem>> -> memref<128xi32, #tpu.memory_space<vmem>>
      %dma_wait3A_152 = arith.constant 0 : i32
      %dma_wait3A_153 = arith.constant 0 : i32
      %dma_wait3A_154 = tpu.memref_slice %arg8[%dma_wait3A_152, %dma_wait3A_153] : memref<10240x128xf32, #tpu.memory_space<vmem_shared>> -> memref<10240x128xf32, #tpu.memory_space<vmem_shared>>
      tpu.wait_indirect_dma semaphore(%arg12 : memref<!tpu.dma_semaphore, #tpu.memory_space<semaphore_mem>>) src(%arg7 : memref<128x128xf32, #tpu.memory_space<vmem>>) dst(%dma_wait3A_154 : memref<10240x128xf32, #tpu.memory_space<vmem_shared>>)
      %add3A_155 = arith.constant 3 : i32
      %add3A_156 = arith.addi %mul3A_101, %add3A_155 : i32
      %mul3A_157 = arith.constant 10496 : i32
      %mul3A_158 = arith.muli %add3A, %mul3A_157 : i32
      %mul3A_159 = arith.constant 128 : i32
      %mul3A_160 = arith.muli %add3A_156, %mul3A_159 : i32
      %add3A_161 = arith.addi %mul3A_158, %mul3A_160 : i32
      %dma_start3A_162 = arith.constant 0 : i32
      %dma_start3A_163 = tpu.memref_slice %arg2[%add3A_161, %dma_start3A_162] : memref<336128x128xf32, #tpu.memory_space<hbm>> -> memref<128x128xf32, #tpu.memory_space<hbm>>
      %dma_start3A_164 = arith.constant 0 : i32
      %dma_start3A_165 = tpu.memref_slice %arg2[%add3A_161, %dma_start3A_164] : memref<336128x128xf32, #tpu.memory_space<hbm>> -> memref<128x128xf32, #tpu.memory_space<hbm>>
      tpu.enqueue_dma source(%dma_start3A_165 : memref<128x128xf32, #tpu.memory_space<hbm>>) target(%arg7 : memref<128x128xf32, #tpu.memory_space<vmem>>) target_semaphore(%arg11 : memref<!tpu.dma_semaphore, #tpu.memory_space<semaphore_mem>>)
    }
    %scan3A_46 = arith.constant 41 : i32
    %mul3A_47 = arith.constant 10496 : i32
    %mul3A_48 = arith.muli %add3A, %mul3A_47 : i32
    %add3A_49 = arith.constant 10496 : i32
    %add3A_50 = arith.addi %mul3A_48, %add3A_49 : i32
    %dma_wait3A_51 = arith.constant 0 : i32
    %dma_wait3A_52 = tpu.memref_slice %arg2[%add3A_50, %dma_wait3A_51] : memref<336128x128xf32, #tpu.memory_space<hbm>> -> memref<128x128xf32, #tpu.memory_space<hbm>>
    %dma_wait3A_53 = arith.constant 0 : i32
    %dma_wait3A_54 = tpu.memref_slice %arg2[%add3A_50, %dma_wait3A_53] : memref<336128x128xf32, #tpu.memory_space<hbm>> -> memref<128x128xf32, #tpu.memory_space<hbm>>
    tpu.wait_dma2 semaphore(%arg10 : memref<!tpu.dma_semaphore, #tpu.memory_space<semaphore_mem>>) src(%dma_wait3A_54 : memref<128x128xf32, #tpu.memory_space<hbm>>) dst(%arg6 : memref<128x128xf32, #tpu.memory_space<vmem>>)
    %mul3A_55 = arith.constant 10496 : i32
    %mul3A_56 = arith.muli %add3A, %mul3A_55 : i32
    %add3A_57 = arith.constant 10624 : i32
    %add3A_58 = arith.addi %mul3A_56, %add3A_57 : i32
    %dma_wait3A_59 = arith.constant 0 : i32
    %dma_wait3A_60 = tpu.memref_slice %arg2[%add3A_58, %dma_wait3A_59] : memref<336128x128xf32, #tpu.memory_space<hbm>> -> memref<128x128xf32, #tpu.memory_space<hbm>>
    %dma_wait3A_61 = arith.constant 0 : i32
    %dma_wait3A_62 = tpu.memref_slice %arg2[%add3A_58, %dma_wait3A_61] : memref<336128x128xf32, #tpu.memory_space<hbm>> -> memref<128x128xf32, #tpu.memory_space<hbm>>
    tpu.wait_dma2 semaphore(%arg11 : memref<!tpu.dma_semaphore, #tpu.memory_space<semaphore_mem>>) src(%dma_wait3A_62 : memref<128x128xf32, #tpu.memory_space<hbm>>) dst(%arg7 : memref<128x128xf32, #tpu.memory_space<vmem>>)
    %barrier3A_63 = arith.constant 0 : index
    tpu.barrier barrier_id(%barrier3A_63)
    %add3A_64 = arith.constant 0 : i32
    %add3A_65 = arith.addi %mul3A_2, %add3A_64 : i32
    %mul3A_66 = arith.constant 10240 : i32
    %mul3A_67 = arith.muli %arg0, %mul3A_66 : i32
    %add3A_68 = arith.addi %mul3A_67, %mul3A_2 : i32
    %add3A_69 = arith.constant 0 : i32
    %add3A_70 = arith.addi %add3A_68, %add3A_69 : i32
    "tpu.region"() ({
      %run_scoped3A = tpu.sem_alloc : memref<!tpu.dma_semaphore, #tpu.memory_space<semaphore_mem>>
      %dma_start3A_99 = arith.constant 0 : i32
      %dma_start3A_100 = tpu.memref_slice %arg4[%add3A_70, %dma_start3A_99] : memref<20480x128xf32, #tpu.memory_space<hbm>> -> memref<128x128xf32, #tpu.memory_space<hbm>>
      %dma_start3A_101 = arith.constant 0 : i32
      %dma_start3A_102 = tpu.memref_slice %arg8[%add3A_65, %dma_start3A_101] : memref<10240x128xf32, #tpu.memory_space<vmem_shared>> -> memref<128x128xf32, #tpu.memory_space<vmem_shared>>
      tpu.enqueue_dma source(%dma_start3A_102 : memref<128x128xf32, #tpu.memory_space<vmem_shared>>) target(%dma_start3A_100 : memref<128x128xf32, #tpu.memory_space<hbm>>) target_semaphore(%run_scoped3A : memref<!tpu.dma_semaphore, #tpu.memory_space<semaphore_mem>>)
      %dma_wait3A_103 = arith.constant 0 : i32
      %dma_wait3A_104 = tpu.memref_slice %arg4[%add3A_70, %dma_wait3A_103] : memref<20480x128xf32, #tpu.memory_space<hbm>> -> memref<128x128xf32, #tpu.memory_space<hbm>>
      %dma_wait3A_105 = arith.constant 0 : i32
      %dma_wait3A_106 = tpu.memref_slice %arg8[%add3A_65, %dma_wait3A_105] : memref<10240x128xf32, #tpu.memory_space<vmem_shared>> -> memref<128x128xf32, #tpu.memory_space<vmem_shared>>
      tpu.wait_dma2 semaphore(%run_scoped3A : memref<!tpu.dma_semaphore, #tpu.memory_space<semaphore_mem>>) src(%dma_wait3A_106 : memref<128x128xf32, #tpu.memory_space<vmem_shared>>) dst(%dma_wait3A_104 : memref<128x128xf32, #tpu.memory_space<hbm>>)
      tpu.yield
    }) : () -> ()
    %add3A_71 = arith.constant 128 : i32
    %add3A_72 = arith.addi %mul3A_2, %add3A_71 : i32
    %mul3A_73 = arith.constant 10240 : i32
    %mul3A_74 = arith.muli %arg0, %mul3A_73 : i32
    %add3A_75 = arith.addi %mul3A_74, %mul3A_2 : i32
    %add3A_76 = arith.constant 128 : i32
    %add3A_77 = arith.addi %add3A_75, %add3A_76 : i32
    "tpu.region"() ({
      %run_scoped3A = tpu.sem_alloc : memref<!tpu.dma_semaphore, #tpu.memory_space<semaphore_mem>>
      %dma_start3A_99 = arith.constant 0 : i32
      %dma_start3A_100 = tpu.memref_slice %arg4[%add3A_77, %dma_start3A_99] : memref<20480x128xf32, #tpu.memory_space<hbm>> -> memref<128x128xf32, #tpu.memory_space<hbm>>
      %dma_start3A_101 = arith.constant 0 : i32
      %dma_start3A_102 = tpu.memref_slice %arg8[%add3A_72, %dma_start3A_101] : memref<10240x128xf32, #tpu.memory_space<vmem_shared>> -> memref<128x128xf32, #tpu.memory_space<vmem_shared>>
      tpu.enqueue_dma source(%dma_start3A_102 : memref<128x128xf32, #tpu.memory_space<vmem_shared>>) target(%dma_start3A_100 : memref<128x128xf32, #tpu.memory_space<hbm>>) target_semaphore(%run_scoped3A : memref<!tpu.dma_semaphore, #tpu.memory_space<semaphore_mem>>)
      %dma_wait3A_103 = arith.constant 0 : i32
      %dma_wait3A_104 = tpu.memref_slice %arg4[%add3A_77, %dma_wait3A_103] : memref<20480x128xf32, #tpu.memory_space<hbm>> -> memref<128x128xf32, #tpu.memory_space<hbm>>
      %dma_wait3A_105 = arith.constant 0 : i32
      %dma_wait3A_106 = tpu.memref_slice %arg8[%add3A_72, %dma_wait3A_105] : memref<10240x128xf32, #tpu.memory_space<vmem_shared>> -> memref<128x128xf32, #tpu.memory_space<vmem_shared>>
      tpu.wait_dma2 semaphore(%run_scoped3A : memref<!tpu.dma_semaphore, #tpu.memory_space<semaphore_mem>>) src(%dma_wait3A_106 : memref<128x128xf32, #tpu.memory_space<vmem_shared>>) dst(%dma_wait3A_104 : memref<128x128xf32, #tpu.memory_space<hbm>>)
      tpu.yield
    }) : () -> ()
    %add3A_78 = arith.constant 256 : i32
    %add3A_79 = arith.addi %mul3A_2, %add3A_78 : i32
    %mul3A_80 = arith.constant 10240 : i32
    %mul3A_81 = arith.muli %arg0, %mul3A_80 : i32
    %add3A_82 = arith.addi %mul3A_81, %mul3A_2 : i32
    %add3A_83 = arith.constant 256 : i32
    %add3A_84 = arith.addi %add3A_82, %add3A_83 : i32
    "tpu.region"() ({
      %run_scoped3A = tpu.sem_alloc : memref<!tpu.dma_semaphore, #tpu.memory_space<semaphore_mem>>
      %dma_start3A_99 = arith.constant 0 : i32
      %dma_start3A_100 = tpu.memref_slice %arg4[%add3A_84, %dma_start3A_99] : memref<20480x128xf32, #tpu.memory_space<hbm>> -> memref<128x128xf32, #tpu.memory_space<hbm>>
      %dma_start3A_101 = arith.constant 0 : i32
      %dma_start3A_102 = tpu.memref_slice %arg8[%add3A_79, %dma_start3A_101] : memref<10240x128xf32, #tpu.memory_space<vmem_shared>> -> memref<128x128xf32, #tpu.memory_space<vmem_shared>>
      tpu.enqueue_dma source(%dma_start3A_102 : memref<128x128xf32, #tpu.memory_space<vmem_shared>>) target(%dma_start3A_100 : memref<128x128xf32, #tpu.memory_space<hbm>>) target_semaphore(%run_scoped3A : memref<!tpu.dma_semaphore, #tpu.memory_space<semaphore_mem>>)
      %dma_wait3A_103 = arith.constant 0 : i32
      %dma_wait3A_104 = tpu.memref_slice %arg4[%add3A_84, %dma_wait3A_103] : memref<20480x128xf32, #tpu.memory_space<hbm>> -> memref<128x128xf32, #tpu.memory_space<hbm>>
      %dma_wait3A_105 = arith.constant 0 : i32
      %dma_wait3A_106 = tpu.memref_slice %arg8[%add3A_79, %dma_wait3A_105] : memref<10240x128xf32, #tpu.memory_space<vmem_shared>> -> memref<128x128xf32, #tpu.memory_space<vmem_shared>>
      tpu.wait_dma2 semaphore(%run_scoped3A : memref<!tpu.dma_semaphore, #tpu.memory_space<semaphore_mem>>) src(%dma_wait3A_106 : memref<128x128xf32, #tpu.memory_space<vmem_shared>>) dst(%dma_wait3A_104 : memref<128x128xf32, #tpu.memory_space<hbm>>)
      tpu.yield
    }) : () -> ()
    %add3A_85 = arith.constant 384 : i32
    %add3A_86 = arith.addi %mul3A_2, %add3A_85 : i32
    %mul3A_87 = arith.constant 10240 : i32
    %mul3A_88 = arith.muli %arg0, %mul3A_87 : i32
    %add3A_89 = arith.addi %mul3A_88, %mul3A_2 : i32
    %add3A_90 = arith.constant 384 : i32
    %add3A_91 = arith.addi %add3A_89, %add3A_90 : i32
    "tpu.region"() ({
      %run_scoped3A = tpu.sem_alloc : memref<!tpu.dma_semaphore, #tpu.memory_space<semaphore_mem>>
      %dma_start3A_99 = arith.constant 0 : i32
      %dma_start3A_100 = tpu.memref_slice %arg4[%add3A_91, %dma_start3A_99] : memref<20480x128xf32, #tpu.memory_space<hbm>> -> memref<128x128xf32, #tpu.memory_space<hbm>>
      %dma_start3A_101 = arith.constant 0 : i32
      %dma_start3A_102 = tpu.memref_slice %arg8[%add3A_86, %dma_start3A_101] : memref<10240x128xf32, #tpu.memory_space<vmem_shared>> -> memref<128x128xf32, #tpu.memory_space<vmem_shared>>
      tpu.enqueue_dma source(%dma_start3A_102 : memref<128x128xf32, #tpu.memory_space<vmem_shared>>) target(%dma_start3A_100 : memref<128x128xf32, #tpu.memory_space<hbm>>) target_semaphore(%run_scoped3A : memref<!tpu.dma_semaphore, #tpu.memory_space<semaphore_mem>>)
      %dma_wait3A_103 = arith.constant 0 : i32
      %dma_wait3A_104 = tpu.memref_slice %arg4[%add3A_91, %dma_wait3A_103] : memref<20480x128xf32, #tpu.memory_space<hbm>> -> memref<128x128xf32, #tpu.memory_space<hbm>>
      %dma_wait3A_105 = arith.constant 0 : i32
      %dma_wait3A_106 = tpu.memref_slice %arg8[%add3A_86, %dma_wait3A_105] : memref<10240x128xf32, #tpu.memory_space<vmem_shared>> -> memref<128x128xf32, #tpu.memory_space<vmem_shared>>
      tpu.wait_dma2 semaphore(%run_scoped3A : memref<!tpu.dma_semaphore, #tpu.memory_space<semaphore_mem>>) src(%dma_wait3A_106 : memref<128x128xf32, #tpu.memory_space<vmem_shared>>) dst(%dma_wait3A_104 : memref<128x128xf32, #tpu.memory_space<hbm>>)
      tpu.yield
    }) : () -> ()
    %add3A_92 = arith.constant 512 : i32
    %add3A_93 = arith.addi %mul3A_2, %add3A_92 : i32
    %mul3A_94 = arith.constant 10240 : i32
    %mul3A_95 = arith.muli %arg0, %mul3A_94 : i32
    %add3A_96 = arith.addi %mul3A_95, %mul3A_2 : i32
    %add3A_97 = arith.constant 512 : i32
    %add3A_98 = arith.addi %add3A_96, %add3A_97 : i32
    "tpu.region"() ({
      %run_scoped3A = tpu.sem_alloc : memref<!tpu.dma_semaphore, #tpu.memory_space<semaphore_mem>>
      %dma_start3A_99 = arith.constant 0 : i32
      %dma_start3A_100 = tpu.memref_slice %arg4[%add3A_98, %dma_start3A_99] : memref<20480x128xf32, #tpu.memory_space<hbm>> -> memref<128x128xf32, #tpu.memory_space<hbm>>
      %dma_start3A_101 = arith.constant 0 : i32
      %dma_start3A_102 = tpu.memref_slice %arg8[%add3A_93, %dma_start3A_101] : memref<10240x128xf32, #tpu.memory_space<vmem_shared>> -> memref<128x128xf32, #tpu.memory_space<vmem_shared>>
      tpu.enqueue_dma source(%dma_start3A_102 : memref<128x128xf32, #tpu.memory_space<vmem_shared>>) target(%dma_start3A_100 : memref<128x128xf32, #tpu.memory_space<hbm>>) target_semaphore(%run_scoped3A : memref<!tpu.dma_semaphore, #tpu.memory_space<semaphore_mem>>)
      %dma_wait3A_103 = arith.constant 0 : i32
      %dma_wait3A_104 = tpu.memref_slice %arg4[%add3A_98, %dma_wait3A_103] : memref<20480x128xf32, #tpu.memory_space<hbm>> -> memref<128x128xf32, #tpu.memory_space<hbm>>
      %dma_wait3A_105 = arith.constant 0 : i32
      %dma_wait3A_106 = tpu.memref_slice %arg8[%add3A_93, %dma_wait3A_105] : memref<10240x128xf32, #tpu.memory_space<vmem_shared>> -> memref<128x128xf32, #tpu.memory_space<vmem_shared>>
      tpu.wait_dma2 semaphore(%run_scoped3A : memref<!tpu.dma_semaphore, #tpu.memory_space<semaphore_mem>>) src(%dma_wait3A_106 : memref<128x128xf32, #tpu.memory_space<vmem_shared>>) dst(%dma_wait3A_104 : memref<128x128xf32, #tpu.memory_space<hbm>>)
      tpu.yield
    }) : () -> ()
    return
  }
}

module attributes {stable_mosaic.version = 14 : i64} {
  func.func @_tc1_body(%arg0: memref<10240x2xf32, #tpu.memory_space<vmem>>, %arg1: memref<10000x128xf32, #tpu.memory_space<vmem>>, %arg2: memref<128x64xf32, #tpu.memory_space<vmem>>, %arg3: memref<10240x1xf32, #tpu.memory_space<vmem>>, %arg4: memref<10000x128xf32, #tpu.memory_space<vmem>>) attributes {dimension_semantics = [], scalar_prefetch = 0 : i64, scratch_operands = 0 : i64, tpu.core_type = #tpu.core_type<tc>} {
    %get3A = arith.constant 0 : index
    %get3A_0 = arith.constant 0 : index
    %get3A_1 = vector.load %arg0[%get3A, %get3A_0] : memref<10240x2xf32, #tpu.memory_space<vmem>>, vector<10240x1xf32>
    %get3A_2 = arith.constant 0 : index
    %get3A_3 = arith.constant 1 : index
    %get3A_4 = vector.load %arg0[%get3A_2, %get3A_3] : memref<10240x2xf32, #tpu.memory_space<vmem>>, vector<10240x1xf32>
    %add3A = arith.addf %get3A_1, %get3A_4 : vector<10240x1xf32>
    %gt3A = arith.constant 0.000000e+00 : f32
    %gt3A_5 = vector.broadcast %gt3A : f32 to vector<10240x1xf32>
    %gt3A_6 = arith.cmpf ogt, %add3A, %gt3A_5 : vector<10240x1xf32>
    %rsqrt3A = math.rsqrt %add3A : vector<10240x1xf32>
    %jit3A = arith.constant 0.000000e+00 : f32
    %broadcast_in_dim3A = vector.broadcast %jit3A : f32 to vector<10240x1xf32>
    %select_n3A = arith.select %gt3A_6, %rsqrt3A, %broadcast_in_dim3A : vector<10240x1xi1>, vector<10240x1xf32>
    %swap3A = arith.constant 0 : index
    %swap3A_7 = arith.constant 0 : index
    %swap3A_8 = vector.load %arg3[%swap3A, %swap3A_7] : memref<10240x1xf32, #tpu.memory_space<vmem>>, vector<10240x1xf32>
    tpu.vector_store %arg3[%swap3A, %swap3A_7], %select_n3A {strides = array<i32>} : memref<10240x1xf32, #tpu.memory_space<vmem>>, vector<10240x1xf32>,
    %get3A_9 = arith.constant 0 : index
    %get3A_10 = arith.constant 0 : index
    %get3A_11 = vector.load %arg1[%get3A_9, %get3A_10] : memref<10000x128xf32, #tpu.memory_space<vmem>>, vector<10000x128xf32>
    %get3A_12 = arith.constant 0 : index
    %get3A_13 = arith.constant 0 : index
    %get3A_14 = vector.load %arg2[%get3A_12, %get3A_13] : memref<128x64xf32, #tpu.memory_space<vmem>>, vector<128x64xf32>
    %dot_general3A = arith.constant dense<0.000000e+00> : vector<10000x64xf32>
    %dot_general3A_15 = tpu.matmul %get3A_11, %get3A_14, %dot_general3A {dimension_numbers = #tpu.dot_dimension_numbers<[1], [0], [0], [1], [0, 0, 1, 1], [], []>, precision = #tpu.contract_precision<fp32>, transpose_lhs_hint = false} : vector<10000x128xf32>, vector<128x64xf32>, vector<10000x64xf32> -> vector<10000x64xf32>
    %slice3A = vector.extract_strided_slice %select_n3A {offsets = [0, 0], sizes = [10000, 1], strides = [1, 1]} : vector<10240x1xf32> to vector<10000x1xf32>
    %mul3A = vector.broadcast %slice3A : vector<10000x1xf32> to vector<10000x64xf32>
    %mul3A_16 = arith.mulf %mul3A, %dot_general3A_15 : vector<10000x64xf32>
    %swap3A_17 = arith.constant 0 : index
    %swap3A_18 = arith.constant 0 : index
    %swap3A_19 = vector.load %arg4[%swap3A_17, %swap3A_18] : memref<10000x128xf32, #tpu.memory_space<vmem>>, vector<10000x64xf32>
    tpu.vector_store %arg4[%swap3A_17, %swap3A_18], %mul3A_16 {strides = array<i32>} : memref<10000x128xf32, #tpu.memory_space<vmem>>, vector<10000x64xf32>,
    %broadcast_in_dim3A_20 = arith.constant 0.000000e+00 : f32
    %broadcast_in_dim3A_21 = vector.broadcast %broadcast_in_dim3A_20 : f32 to vector<10000x64xf32>
    %swap3A_22 = arith.constant 0 : index
    %swap3A_23 = arith.constant 64 : index
    %swap3A_24 = vector.load %arg4[%swap3A_22, %swap3A_23] : memref<10000x128xf32, #tpu.memory_space<vmem>>, vector<10000x64xf32>
    tpu.vector_store %arg4[%swap3A_22, %swap3A_23], %broadcast_in_dim3A_21 {strides = array<i32>} : memref<10000x128xf32, #tpu.memory_space<vmem>>, vector<10000x64xf32>,
    return
  }
}

module attributes {stable_mosaic.version = 14 : i64} {
  func.func @_tc_mid_body(%arg0: memref<2x10240x128xf32, #tpu.memory_space<vmem>>, %arg1: memref<10240x1xf32, #tpu.memory_space<vmem>>, %arg2: memref<1x64xf32, #tpu.memory_space<vmem>>, %arg3: memref<64x64xf32, #tpu.memory_space<vmem>>, %arg4: memref<10240x128xf32, #tpu.memory_space<vmem>>) attributes {dimension_semantics = [], scalar_prefetch = 0 : i64, scratch_operands = 0 : i64, tpu.core_type = #tpu.core_type<tc>} {
    %get3A = arith.constant 0 : index
    %get3A_0 = arith.constant 0 : index
    %get3A_1 = vector.load %arg1[%get3A, %get3A_0] : memref<10240x1xf32, #tpu.memory_space<vmem>>, vector<10240x1xf32>
    %get3A_2 = arith.constant 0 : index
    %get3A_3 = arith.constant 0 : index
    %get3A_4 = arith.constant 0 : index
    %get3A_5 = vector.load %arg0[%get3A_2, %get3A_3, %get3A_4] : memref<2x10240x128xf32, #tpu.memory_space<vmem>>, vector<1x10240x64xf32>
    %get3A_6 = vector.shape_cast %get3A_5 : vector<1x10240x64xf32> to vector<10240x64xf32>
    %get3A_7 = arith.constant 1 : index
    %get3A_8 = arith.constant 0 : index
    %get3A_9 = arith.constant 0 : index
    %get3A_10 = vector.load %arg0[%get3A_7, %get3A_8, %get3A_9] : memref<2x10240x128xf32, #tpu.memory_space<vmem>>, vector<1x10240x64xf32>
    %get3A_11 = vector.shape_cast %get3A_10 : vector<1x10240x64xf32> to vector<10240x64xf32>
    %add3A = arith.addf %get3A_6, %get3A_11 : vector<10240x64xf32>
    %mul3A = vector.broadcast %get3A_1 : vector<10240x1xf32> to vector<10240x64xf32>
    %mul3A_12 = arith.mulf %mul3A, %add3A : vector<10240x64xf32>
    %get3A_13 = arith.constant 0 : index
    %get3A_14 = arith.constant 0 : index
    %get3A_15 = vector.load %arg2[%get3A_13, %get3A_14] : memref<1x64xf32, #tpu.memory_space<vmem>>, vector<1x64xf32>
    %add3A_16 = vector.broadcast %get3A_15 : vector<1x64xf32> to vector<10240x64xf32>
    %add3A_17 = arith.addf %mul3A_12, %add3A_16 : vector<10240x64xf32>
    %max3A = arith.constant 0.000000e+00 : f32
    %max3A_18 = vector.broadcast %max3A : f32 to vector<10240x64xf32>
    %max3A_19 = arith.maximumf %add3A_17, %max3A_18 : vector<10240x64xf32>
    %get3A_20 = arith.constant 0 : index
    %get3A_21 = arith.constant 0 : index
    %get3A_22 = vector.load %arg3[%get3A_20, %get3A_21] : memref<64x64xf32, #tpu.memory_space<vmem>>, vector<64x64xf32>
    %dot_general3A = arith.constant dense<0.000000e+00> : vector<10240x64xf32>
    %dot_general3A_23 = tpu.matmul %max3A_19, %get3A_22, %dot_general3A {dimension_numbers = #tpu.dot_dimension_numbers<[1], [0], [0], [1], [0, 0, 1, 1], [], []>, precision = #tpu.contract_precision<fp32>, transpose_lhs_hint = false} : vector<10240x64xf32>, vector<64x64xf32>, vector<10240x64xf32> -> vector<10240x64xf32>
    %mul3A_24 = vector.broadcast %get3A_1 : vector<10240x1xf32> to vector<10240x64xf32>
    %mul3A_25 = arith.mulf %mul3A_24, %dot_general3A_23 : vector<10240x64xf32>
    %swap3A = arith.constant 0 : index
    %swap3A_26 = arith.constant 0 : index
    %swap3A_27 = vector.load %arg4[%swap3A, %swap3A_26] : memref<10240x128xf32, #tpu.memory_space<vmem>>, vector<10240x64xf32>
    tpu.vector_store %arg4[%swap3A, %swap3A_26], %mul3A_25 {strides = array<i32>} : memref<10240x128xf32, #tpu.memory_space<vmem>>, vector<10240x64xf32>,
    %broadcast_in_dim3A = arith.constant 0.000000e+00 : f32
    %broadcast_in_dim3A_28 = vector.broadcast %broadcast_in_dim3A : f32 to vector<10240x64xf32>
    %swap3A_29 = arith.constant 0 : index
    %swap3A_30 = arith.constant 64 : index
    %swap3A_31 = vector.load %arg4[%swap3A_29, %swap3A_30] : memref<10240x128xf32, #tpu.memory_space<vmem>>, vector<10240x64xf32>
    tpu.vector_store %arg4[%swap3A_29, %swap3A_30], %broadcast_in_dim3A_28 {strides = array<i32>} : memref<10240x128xf32, #tpu.memory_space<vmem>>, vector<10240x64xf32>,
    return
  }
}

module attributes {stable_mosaic.version = 14 : i64} {
  func.func @_tc_mid_body(%arg0: memref<2x10240x128xf32, #tpu.memory_space<vmem>>, %arg1: memref<10240x1xf32, #tpu.memory_space<vmem>>, %arg2: memref<1x64xf32, #tpu.memory_space<vmem>>, %arg3: memref<64x32xf32, #tpu.memory_space<vmem>>, %arg4: memref<10240x128xf32, #tpu.memory_space<vmem>>) attributes {dimension_semantics = [], scalar_prefetch = 0 : i64, scratch_operands = 0 : i64, tpu.core_type = #tpu.core_type<tc>} {
    %get3A = arith.constant 0 : index
    %get3A_0 = arith.constant 0 : index
    %get3A_1 = vector.load %arg1[%get3A, %get3A_0] : memref<10240x1xf32, #tpu.memory_space<vmem>>, vector<10240x1xf32>
    %get3A_2 = arith.constant 0 : index
    %get3A_3 = arith.constant 0 : index
    %get3A_4 = arith.constant 0 : index
    %get3A_5 = vector.load %arg0[%get3A_2, %get3A_3, %get3A_4] : memref<2x10240x128xf32, #tpu.memory_space<vmem>>, vector<1x10240x64xf32>
    %get3A_6 = vector.shape_cast %get3A_5 : vector<1x10240x64xf32> to vector<10240x64xf32>
    %get3A_7 = arith.constant 1 : index
    %get3A_8 = arith.constant 0 : index
    %get3A_9 = arith.constant 0 : index
    %get3A_10 = vector.load %arg0[%get3A_7, %get3A_8, %get3A_9] : memref<2x10240x128xf32, #tpu.memory_space<vmem>>, vector<1x10240x64xf32>
    %get3A_11 = vector.shape_cast %get3A_10 : vector<1x10240x64xf32> to vector<10240x64xf32>
    %add3A = arith.addf %get3A_6, %get3A_11 : vector<10240x64xf32>
    %mul3A = vector.broadcast %get3A_1 : vector<10240x1xf32> to vector<10240x64xf32>
    %mul3A_12 = arith.mulf %mul3A, %add3A : vector<10240x64xf32>
    %get3A_13 = arith.constant 0 : index
    %get3A_14 = arith.constant 0 : index
    %get3A_15 = vector.load %arg2[%get3A_13, %get3A_14] : memref<1x64xf32, #tpu.memory_space<vmem>>, vector<1x64xf32>
    %add3A_16 = vector.broadcast %get3A_15 : vector<1x64xf32> to vector<10240x64xf32>
    %add3A_17 = arith.addf %mul3A_12, %add3A_16 : vector<10240x64xf32>
    %max3A = arith.constant 0.000000e+00 : f32
    %max3A_18 = vector.broadcast %max3A : f32 to vector<10240x64xf32>
    %max3A_19 = arith.maximumf %add3A_17, %max3A_18 : vector<10240x64xf32>
    %get3A_20 = arith.constant 0 : index
    %get3A_21 = arith.constant 0 : index
    %get3A_22 = vector.load %arg3[%get3A_20, %get3A_21] : memref<64x32xf32, #tpu.memory_space<vmem>>, vector<64x32xf32>
    %dot_general3A = arith.constant dense<0.000000e+00> : vector<10240x32xf32>
    %dot_general3A_23 = tpu.matmul %max3A_19, %get3A_22, %dot_general3A {dimension_numbers = #tpu.dot_dimension_numbers<[1], [0], [0], [1], [0, 0, 1, 1], [], []>, precision = #tpu.contract_precision<fp32>, transpose_lhs_hint = false} : vector<10240x64xf32>, vector<64x32xf32>, vector<10240x32xf32> -> vector<10240x32xf32>
    %mul3A_24 = vector.broadcast %get3A_1 : vector<10240x1xf32> to vector<10240x32xf32>
    %mul3A_25 = arith.mulf %mul3A_24, %dot_general3A_23 : vector<10240x32xf32>
    %swap3A = arith.constant 0 : index
    %swap3A_26 = arith.constant 0 : index
    %swap3A_27 = vector.load %arg4[%swap3A, %swap3A_26] : memref<10240x128xf32, #tpu.memory_space<vmem>>, vector<10240x32xf32>
    tpu.vector_store %arg4[%swap3A, %swap3A_26], %mul3A_25 {strides = array<i32>} : memref<10240x128xf32, #tpu.memory_space<vmem>>, vector<10240x32xf32>,
    %broadcast_in_dim3A = arith.constant 0.000000e+00 : f32
    %broadcast_in_dim3A_28 = vector.broadcast %broadcast_in_dim3A : f32 to vector<10240x96xf32>
    %swap3A_29 = arith.constant 0 : index
    %swap3A_30 = arith.constant 32 : index
    %swap3A_31 = vector.load %arg4[%swap3A_29, %swap3A_30] : memref<10240x128xf32, #tpu.memory_space<vmem>>, vector<10240x96xf32>
    tpu.vector_store %arg4[%swap3A_29, %swap3A_30], %broadcast_in_dim3A_28 {strides = array<i32>} : memref<10240x128xf32, #tpu.memory_space<vmem>>, vector<10240x96xf32>,
    return
  }
}

module attributes {stable_mosaic.version = 14 : i64} {
  func.func @_tc_fin_body(%arg0: memref<2x10240x128xf32, #tpu.memory_space<vmem>>, %arg1: memref<10240x1xf32, #tpu.memory_space<vmem>>, %arg2: memref<1x32xf32, #tpu.memory_space<vmem>>, %arg3: memref<10000x32xf32, #tpu.memory_space<vmem>>, %arg4: memref<1x32xf32, #tpu.memory_space<vmem>>) attributes {dimension_semantics = [], scalar_prefetch = 0 : i64, scratch_operands = 0 : i64, tpu.core_type = #tpu.core_type<tc>} {
    %get3A = arith.constant 0 : index
    %get3A_0 = arith.constant 0 : index
    %get3A_1 = arith.constant 0 : index
    %get3A_2 = vector.load %arg0[%get3A, %get3A_0, %get3A_1] : memref<2x10240x128xf32, #tpu.memory_space<vmem>>, vector<1x10000x32xf32>
    %get3A_3 = vector.shape_cast %get3A_2 : vector<1x10000x32xf32> to vector<10000x32xf32>
    %get3A_4 = arith.constant 1 : index
    %get3A_5 = arith.constant 0 : index
    %get3A_6 = arith.constant 0 : index
    %get3A_7 = vector.load %arg0[%get3A_4, %get3A_5, %get3A_6] : memref<2x10240x128xf32, #tpu.memory_space<vmem>>, vector<1x10000x32xf32>
    %get3A_8 = vector.shape_cast %get3A_7 : vector<1x10000x32xf32> to vector<10000x32xf32>
    %add3A = arith.addf %get3A_3, %get3A_8 : vector<10000x32xf32>
    %get3A_9 = arith.constant 0 : index
    %get3A_10 = arith.constant 0 : index
    %get3A_11 = vector.load %arg1[%get3A_9, %get3A_10] : memref<10240x1xf32, #tpu.memory_space<vmem>>, vector<10000x1xf32>
    %mul3A = vector.broadcast %get3A_11 : vector<10000x1xf32> to vector<10000x32xf32>
    %mul3A_12 = arith.mulf %mul3A, %add3A : vector<10000x32xf32>
    %get3A_13 = arith.constant 0 : index
    %get3A_14 = arith.constant 0 : index
    %get3A_15 = vector.load %arg2[%get3A_13, %get3A_14] : memref<1x32xf32, #tpu.memory_space<vmem>>, vector<1x32xf32>
    %add3A_16 = vector.broadcast %get3A_15 : vector<1x32xf32> to vector<10000x32xf32>
    %add3A_17 = arith.addf %mul3A_12, %add3A_16 : vector<10000x32xf32>
    %swap3A = arith.constant 0 : index
    %swap3A_18 = arith.constant 0 : index
    %swap3A_19 = vector.load %arg3[%swap3A, %swap3A_18] : memref<10000x32xf32, #tpu.memory_space<vmem>>, vector<10000x32xf32>
    tpu.vector_store %arg3[%swap3A, %swap3A_18], %add3A_17 {strides = array<i32>} : memref<10000x32xf32, #tpu.memory_space<vmem>>, vector<10000x32xf32>,
    %reduce_sum3A = arith.constant dense<0.000000e+00> : vector<32xf32>
    %reduce_sum3A_20 = vector.multi_reduction <add>, %add3A_17, %reduce_sum3A [0] : vector<10000x32xf32> to vector<32xf32>
    %broadcast_in_dim3A = vector.shape_cast %reduce_sum3A_20 : vector<32xf32> to vector<1x32xf32>
    %div3A = arith.constant 1.000000e+04 : f32
    %div3A_21 = vector.broadcast %div3A : f32 to vector<1x32xf32>
    %div3A_22 = arith.divf %broadcast_in_dim3A, %div3A_21 : vector<1x32xf32>
    %swap3A_23 = arith.constant 0 : index
    %swap3A_24 = arith.constant 0 : index
    %swap3A_25 = vector.load %arg4[%swap3A_23, %swap3A_24] : memref<1x32xf32, #tpu.memory_space<vmem>>, vector<1x32xf32>
    tpu.vector_store %arg4[%swap3A_23, %swap3A_24], %div3A_22 {strides = array<i32>} : memref<1x32xf32, #tpu.memory_space<vmem>>, vector<1x32xf32>,
    return
  }
}

</mosaic_0001>

<sc_bundles>
// kernel: kernel.10.cloned.1.call-start
scs
__scs_entry_jumppad:
0x0: {  	(pc) =	sbr.rel $0x88, $3  }
0x1: {  	(tag) =	ssettag $0x0;
	lr =	simm.s32 $0x1  }
0x2: {  	[smem:$0x3F98] =	sst lr;
	_ =	strace $0xD0000000  }
0x3: {  	_ = 	snop  }
0x4: {  	_ = 	snop  }
0x5: {  	_ = 	snop  }
0x6: {  	_ = 	snop  }
0x7: {  	_ = 	snop  }
__scs_overlays_trampoline_lowered:
0x8: {  	[smem:$0x3FA7] =	sst s0  }
0x9: {  	[smem:$0x3FA8] =	sst s1  }
0xa: {  	[smem:$0x3FA9] =	sst s2  }
0xb: {  	[smem:$0x3FAA] =	sst s3  }
0xc: {  	[smem:$0x3FAB] =	sst s4  }
0xd: {  	[smem:$0x3FAC] =	sst s5  }
0xe: {  	[smem:$0x3FAD] =	sst s6  }
0xf: {  	[smem:$0x3FAE] =	sst s7  }
0x10: {  	[smem:$0x3FAF] =	sst s8  }
0x11: {  	[smem:$0x3FB0] =	sst s9;
	s0 =	simm.s32 @!p0 $0x0  }
0x12: {  	s1 =	sld [smem:$0x3F96];
	s0 =	simm.s32 @p0 $0x1  }
0x13: {  	[smem:$0x3FB1] =	sst s0;
	s0 =	simm.s32 @!p1 $0x0  }
0x14: {  	s2 =	sld [smem:$0x3F95];
	s0 =	simm.s32 @p1 $0x1  }
0x15: {  	[smem:$0x3FB2] =	sst s0;
	s0 =	simm.s32 @!p2 $0x0  }
0x16: {  	s3 =	sld [smem:$0x3FDB];
	s0 =	simm.s32 @p2 $0x1  }
0x17: {  	s4 =	simm.s32 $0x1BF5;
	[smem:$0x3FB4] =	sst s0  }
0x18: {  	s0 =	sld [smem:$0x3F97];
	_ =	swait.ge [sflag:s4], $0x0  }
0x19: {  	s7 =	sld [smem:$0x3F98]  }
0x1a: {  	s8 =	sadd.s32 $0xFFFFE003, lr  }
0x1b: {  	s9 =	sadd.s32 $0xFFFFFEF7, lr;
	s5 =	simm.s32 $0xFFFFFFFF;
	p2 =	slt.u32 s8, $0xFFFFF086  }
0x1c: {  	p1 =	slt.u32 s9, $0xF7A;
	s5 =	simm.s32 @!p2 $0x0  }
0x1d: {  	s5 =	simm.s32 @p1 $0x1;
	p0 =	seq.s32 s7, s2  }
0x1e: {  	s7 =	smul.u32 @!p0 $0xF7A, s2;
	p2 =	seq.s32 @!p0 s5, $0x0  }
0x1f: {  	s9 =	smul.u32 $0xF7A, s1;
	s8 =	simm.s32 @!p0 $0x1BF5;
	p2 =	por !p2, p0  }
0x20: {  	[sflag:s8] =	ssyncset.s32 @!p0 $0xFFFFF086;
	s6 =	sadd.s32 @!p0 s3, s7;
	s7 =	simm.s32 @!p0 $0x108  }
0x21: {  	s3 =	sadd.s32 s3, s9;
	s6 =	sadd.s32 @!p0 $0x88, s6;
	s7 =	simm.s32 @p2 $0x1082  }
0x22: {  	[simem:s7], [sflag:s8] =	dma.local @!p0 [hbm:s6], $0xF7A  }
0x23: {  	s9 =	sor.u32 $0xD0000000, s2;
	s6 =	simm.s32 $0x108;
	_ =	swait.ge @!p0 [sflag:s8], $0x0  }
0x24: {  	s3 =	sadd.s32 $0x88, s3;
	s6 =	simm.s32 @!p1 $0x1082;
	[sflag:s4] =	ssyncset.s32 $0xFFFFF086  }
0x25: {  	[simem:s6], [sflag:s4] =	dma.local [hbm:s3], $0xF7A  }
0x26: {  	[smem:$0x3F98] =	sst s1;
	(tag) =	ssettag s2;
	_ =	strace s9  }
0x27: {  	s1 =	sld [smem:$0x3FA8]  }
0x28: {  	s2 =	sld [smem:$0x3FA9]  }
0x29: {  	s4 =	sld [smem:$0x3FAB]  }
0x2a: {  	p0 =	seq.s32 s5, $0x0;
	s5 =	sld [smem:$0x3FAC]  }
0x2b: {  	s6 =	sld [smem:$0x3FAD]  }
0x2c: {  	s7 =	sld [smem:$0x3FAE]  }
0x2d: {  	s3 =	simm.s32 $0x108;
	s8 =	sld [smem:$0x3FAF]  }
0x2e: {  	s3 =	simm.s32 @!p0 $0x1082;
	s9 =	sld [smem:$0x3FB0]  }
0x2f: {  	lr =	sadd.s32 s0, s3;
	s0 =	sld [smem:$0x3FA7]  }
0x30: {  	s3 =	sld [smem:$0x3FAA]  }
0x31: {  	[smem:$0x3FB3] =	sst s10  }
0x32: {  	s10 =	sld [smem:$0x3FB1];
	_ =	sdelay $0x3  }
0x33: {  	p0 =	seq.s32 s10, $0x1;
	s10 =	sld [smem:$0x3FB3];
	_ =	sdelay $0x3  }
0x34: {  	[smem:$0x3FB3] =	sst s10  }
0x35: {  	s10 =	sld [smem:$0x3FB2];
	_ =	sdelay $0x3  }
0x36: {  	p1 =	seq.s32 s10, $0x1;
	s10 =	sld [smem:$0x3FB3];
	_ =	sdelay $0x3  }
0x37: {  	[smem:$0x3FB3] =	sst s10  }
0x38: {  	s10 =	sld [smem:$0x3FB4]  }
0x39: {  	_ = 	snop;
	(pc) =	sbr.ind lr, $3  }
0x3a: {  	_ = 	snop  }
0x3b: {  	_ = 	snop  }
0x3c: {  	p2 =	seq.s32 s10, $0x1;
	s10 =	sld [smem:$0x3FB3]  }
0x3d: {  	_ =	shalt  }
0x3e: {  	_ =	shalt  }
0x3f: {  	_ =	shalt  }
0x40: {  	_ =	shalt  }
0x41: {  	_ =	shalt  }
0x42: {  	_ =	shalt  }
0x43: {  	_ =	shalt  }
0x44: {  	_ =	shalt  }
0x45: {  	_ =	shalt  }
0x46: {  	_ =	shalt  }
0x47: {  	_ =	shalt  }
0x48: {  	_ =	shalt  }
0x49: {  	_ =	shalt  }
0x4a: {  	_ =	shalt  }
0x4b: {  	_ =	shalt  }
0x4c: {  	_ =	shalt  }
0x4d: {  	_ =	shalt  }
0x4e: {  	_ =	shalt  }
0x4f: {  	_ =	shalt  }
0x50: {  	_ =	shalt  }
0x51: {  	_ =	shalt  }
0x52: {  	_ =	shalt  }
0x53: {  	_ =	shalt  }
0x54: {  	_ =	shalt  }
0x55: {  	_ =	shalt  }
0x56: {  	_ =	shalt  }
0x57: {  	_ =	shalt  }
0x58: {  	_ =	shalt  }
0x59: {  	_ =	shalt  }
0x5a: {  	_ =	shalt  }
0x5b: {  	_ =	shalt  }
0x5c: {  	_ =	shalt  }
0x5d: {  	_ =	shalt  }
0x5e: {  	_ =	shalt  }
0x5f: {  	_ =	shalt  }
0x60: {  	_ =	shalt  }
0x61: {  	_ =	shalt  }
0x62: {  	_ =	shalt  }
0x63: {  	_ =	shalt  }
0x64: {  	_ =	shalt  }
0x65: {  	_ =	shalt  }
0x66: {  	_ =	shalt  }
0x67: {  	_ =	shalt  }
0x68: {  	_ =	shalt  }
0x69: {  	_ =	shalt  }
0x6a: {  	_ =	shalt  }
0x6b: {  	_ =	shalt  }
0x6c: {  	_ =	shalt  }
0x6d: {  	_ =	shalt  }
0x6e: {  	_ =	shalt  }
0x6f: {  	_ =	shalt  }
0x70: {  	_ =	shalt  }
0x71: {  	_ =	shalt  }
0x72: {  	_ =	shalt  }
0x73: {  	_ =	shalt  }
0x74: {  	_ =	shalt  }
0x75: {  	_ =	shalt  }
0x76: {  	_ =	shalt  }
0x77: {  	_ =	shalt  }
0x78: {  	_ =	shalt  }
0x79: {  	_ =	shalt  }
0x7a: {  	_ =	shalt  }
0x7b: {  	_ =	shalt  }
0x7c: {  	_ =	shalt  }
0x7d: {  	_ =	shalt  }
0x7e: {  	_ =	shalt  }
0x7f: {  	_ =	shalt  }
0x80: {  	_ =	shalt  }
0x81: {  	_ =	shalt  }
0x82: {  	_ =	shalt  }
0x83: {  	_ =	shalt  }
0x84: {  	_ =	shalt  }
0x85: {  	_ =	shalt  }
0x86: {  	_ =	shalt  }
0x87: {  	_ =	shalt  }
.Lfunc_end0:
.L_simem_size_0:
called_computation_lowered:
.L_overlay_start_0:
0x88: {  	s2 =	sld [smem:$0x3FD9]  }
0x89: {  	s3 =	sld [smem:$0x3FFE];
	_ =	sdelay $0x1  }
0x8a: {  	s1 =	srdreg.scid  }
0x8b: {  	s0 =	sand.u32 $0x1, s1  }
0x8c: {  	s16 =	sshll.u32 s0, $0xA;
	s2 =	sadd.s32 s3, s2  }
0x8d: {  	s2 =	sadd.s32 s2, s16  }
0x8e: {  	[smem:$0x3FBF] =	sst s2  }
0x8f: {  	_ = 	snop  }
0x90: {  	(tm) =	ssettm $0x1  }
0x91: {  	s17 =	sld [smem:$0x3FFB];
	_ =	sdelay $0x3  }
0x92: {  	_ =	strace s17  }
0x93: {  	s2 =	sld [smem:$0x3FFC];
	_ =	sdelay $0x3  }
0x94: {  	_ =	strace s2  }
0x95: {  	s2 =	sld [smem:$0x3FFD];
	_ =	sdelay $0x3  }
0x96: {  	_ =	strace s2  }
0x97: {  	_ =	strace $0x8FFFFFFF  }
0x98: {  	s18 =	sld [smem:$0x3FDB];
	_ =	sdelay $0x1  }
0x99: {  	s19 =	simm.s32 $_scs_section_size  }
0x9a: {  	s4 =	simm.s32 $_size__tile_overlayer_lowered;
	s5 =	simm.s32 $_tile_overlayer_lowered  }
0x9b: {  	s22 =	simm.s32 $0x1BFF;
	s21 =	sshll.u32 s5, $0x1;
	s2 =	sadd.s32 s19, s18  }
0x9c: {  	s6 =	simm.s32 $0x0;
	s20 =	sshll.u32 s4, $0x1;
	s4 =	sadd.s32 s21, s2  }
0x9d: {  	[timem:s6], [sflag:s22] =	dma.local [hbm:s4], s20  }
0x9e: {  	_ =	swait.ge [sflag:s22], s20  }
0x9f: {  	s3 =	ssub.s32 $0x0, s20;
	[sflag:s22] =	ssyncset.done $0x0  }
0xa0: {  	[sflag:s22] =	ssyncadd.s32 s3;
	_ =	sdelay $0x1  }
0xa1: {  	s23 =	simm.s32 $0x1B8B  }
0xa2: {  	_ =	swait.ge [sflag:s23], $0x1  }
0xa3: {  	[sflag:s23] =	ssyncset.done $0x0  }
0xa4: {  	s25 =	simm.s32 $0x1B8E;
	s24 =	sld [smem:$0x3FFE];
	[sflag:s23] =	ssyncadd.s32 $0xFFFFFFFF  }
0xa5: {  	s26 =	simm.s32 $execute0_lowered;
	[smem:$0x3FD2] =	sst s25  }
0xa6: {  	s4 =	sshll.u32 s26, $0x1;
	_ =	strace $0x80000046;
	[dreg:$0x1] =	wrdreg $0xFFFFFFFF  }
0xa7: {  	s28 =	simm.s32 $_size_execute0_lowered;
	s2 =	sadd.s32 s2, s4;
	[dreg:$0x0] =	wrdreg $0x0  }
0xa8: {  	s4 =	sshll.u32 s28, $0x1;
	[dreg:$0x2] =	wrdreg s2  }
0xa9: {  	[dreg:$0x3] =	wrdreg s4  }
0xaa: {  	[dreg:$0x4] =	wrdreg $0xC0  }
0xab: {  	_ =	task [dreg:s6], $0x5FFFF  }
0xac: {  	[dreg:$0x1] =	wrdreg $0xFFFFFFFF  }
0xad: {  	[dreg:$0x0] =	wrdreg $0x60  }
0xae: {  	[dreg:$0x2] =	wrdreg s24  }
0xaf: {  	[dreg:$0x3] =	wrdreg $0x52800  }
0xb0: {  	[dreg:$0x4] =	wrdreg $0x9  }
0xb1: {  	_ =	task.clear_ibuf [dreg:s6], $0x5FFFF;
	_ =	strace $0x90000046  }
0xb2: {  	s29 =	simm.s32 $0x9;
	_ =	strace $0x80000048  }
0xb3: {  	_ =	swait.ge [sflag:s29], $0x1  }
0xb4: {  	[sflag:s29] =	ssyncadd.s32 $0xFFFFFFFF  }
0xb5: {  	_ =	strace $0x90000048  }
0xb6: {  	_ =	sfence  }
0xb7: {  	s30 =	sld [smem:$0x0];
	_ =	sdelay $0x2  }
0xb8: {  	s31 =	sshll.u32 s1, $0xD;
	s1 =	sshrl.u32 s1, $0x2  }
0xb9: {  	s3 =	sand.u32 $0x4000, s31;
	s1 =	sadd.s32 s1, s30  }
0xba: {  	s0 =	sor.u32 s3, s0;
	s1 =	sshll.u32 s1, $0x11  }
0xbb: {  	s0 =	sor.u32 s1, s0  }
0xbc: {  	s0 =	sadd.s32 $0x8F2B, s0  }
0xbd: {  	[sflag:s0] =	ssyncadd.remote.s32 $0x1  }
0xbe: {  	_ =	sfence.sel $0xFFFF  }
0xbf: {  	[dreg:$0x0] =	wrdreg $0xFFFFFFFF;
	(pc) =	sbr.abs _section_cstart, $3  }
0xc0: {  	[dreg:$0x1] =	wrdreg $0xFFFFFFFF  }
0xc1: {  	_ =	task.clear_ibuf [dreg:s6], $0x2FFFF;
	_ =	strace $0x9FFFFFFF  }
0xc2: {  	(tm) =	ssettm $0x7FFFFFFF  }
0xc3: {  	_ =	shalt  }
tec
execute0_lowered:
.L_overlay_start_1:
0x0: {  	(tag) =	ssettag $0x1  }
0x1: {  	s4 =	rddreg [dreg:$0x0]  }
0x2: {  	s2 =	rddreg [dreg:$0x1];
	s3 =	srdreg.scid  }
0x3: {  	s1 =	stileid.u32;
	s0 =	rddreg [dreg:$0x2];
	s17 =	simm.s32 $0x2900  }
0x4: {  	s18 =	simm.s32 $0x5200;
	s19 =	simm.s32 $0x4;
	s20 =	simm.s32 $0x1  }
0x5: {  	s21 =	simm.s32 $0x2;
	s22 =	simm.s32 $0x80;
	s23 =	simm.s32 $0x3  }
0x6: {  	s24 =	simm.s32 $0x0;
	s5 =	sand.u32 $0x1, s3;
	s6 =	smul.u32 $0x280, s1  }
0x7: {  	s3 =	simm.s32 $0x0;
	s7 =	sshll.u32 s5, $0x4;
	s8 =	smul.u32 $0x2800, s5  }
0x8: {  	[smem:$0x7FF] =	sst s3;
	s5 =	ssub.s32 $0x2, s5;
	s7 =	sor.u32 s1, s7  }
0x9: {  	_ =	strace $0x80000047;
	s9 =	sshrl.u32 s5, $0x1;
	s7 =	smul.u32 $0x520, s7  }
0xa: {  	s8 =	sadd.s32 s6, s8;
	s16 =	ssub.s32 s5, s9;
	s6 =	sadd.s32 s6, s2  }
0xb: {  	s8 =	sshrl.u32 s8, $0x3;
	s9 =	sadd.s32 $0x180, s6;
	s10 =	sadd.s32 $0x200, s6  }
0xc: {  	s16 =	smax.u32 s16, $0x1;
	s7 =	sadd.s32 s7, s4;
	s15 =	sadd.s32 s8, s4  }
0xd: {  	s8 =	sadd.s32 $0x100, s6;
	s4 =	sadd.s32 $0x3E00, s7;
	s5 =	sadd.s32 $0xE400, s7  }
0xe: {  	s7 =	sadd.s32 $0x80, s6;
	s11 =	sadd.s32 $0x18A00, s15;
	s12 =	sadd.s32 $0x18A10, s15  }
0xf: {  	v0 =	vimm.f32 $0.0e+00;
	s13 =	sadd.s32 $0x18A20, s15;
	s14 =	sadd.s32 $0x18A30, s15;
	s15 =	sadd.s32 $0x18A40, s15  }
.LBB2_1:
0x10: {  	[tilespmem:s3], [sflag:$0x1] =	stream.linear.gather [hbm4b:s4+s3], $0x2900, $0x38;
	[tilespmem:$0x5500] =	vst v63  }
0x11: {  	_ = 	snop  }
0x12: {  	[tilespmem:s17], [sflag:$0x2] =	stream.linear.gather [hbm4b:s5+s3], $0x2900, $0x38;
	[tilespmem:$0x5500] =	vst v63  }
0x13: {  	[tilespmem:$0x5200] =	vst v0  }
0x14: {  	[tilespmem:$0x5210] =	vst v0  }
0x15: {  	[tilespmem:$0x5220] =	vst v0  }
0x16: {  	[tilespmem:$0x5230] =	vst v0  }
0x17: {  	[tilespmem:$0x5240] =	vst v0  }
0x18: {  	[tilespmem:$0x5250] =	vst v0  }
0x19: {  	[tilespmem:$0x5260] =	vst v0  }
0x1a: {  	[tilespmem:$0x5270] =	vst v0  }
0x1b: {  	[spmem:s6] =	stream.linear.scatter [tilespmem:s18], [sflag:$0x4], $0x80, $0x38;
	[tilespmem:$0x5500] =	vst v63  }
0x1c: {  	_ =	swait.ge [sflag:s19], $0x80  }
0x1d: {  	[sflag:s19] =	ssyncset.done $0x0  }
0x1e: {  	[sflag:s19] =	ssyncadd.s32 $0xFFFFFF80  }
0x1f: {  	[spmem:s7] =	stream.linear.scatter [tilespmem:s18], [sflag:$0x4], $0x80, $0x38;
	[tilespmem:$0x5500] =	vst v63  }
0x20: {  	_ =	swait.ge [sflag:s19], $0x80  }
0x21: {  	[sflag:s19] =	ssyncset.done $0x0  }
0x22: {  	[sflag:s19] =	ssyncadd.s32 $0xFFFFFF80  }
0x23: {  	[spmem:s8] =	stream.linear.scatter [tilespmem:s18], [sflag:$0x4], $0x80, $0x38;
	[tilespmem:$0x5500] =	vst v63  }
0x24: {  	_ =	swait.ge [sflag:s19], $0x80  }
0x25: {  	[sflag:s19] =	ssyncset.done $0x0  }
0x26: {  	[sflag:s19] =	ssyncadd.s32 $0xFFFFFF80  }
0x27: {  	[spmem:s9] =	stream.linear.scatter [tilespmem:s18], [sflag:$0x4], $0x80, $0x38;
	[tilespmem:$0x5500] =	vst v63  }
0x28: {  	_ =	swait.ge [sflag:s19], $0x80  }
0x29: {  	[sflag:s19] =	ssyncset.done $0x0  }
0x2a: {  	[sflag:s19] =	ssyncadd.s32 $0xFFFFFF80  }
0x2b: {  	[spmem:s10] =	stream.linear.scatter [tilespmem:s18], [sflag:$0x4], $0x80, $0x38;
	[tilespmem:$0x5500] =	vst v63  }
0x2c: {  	_ =	swait.ge [sflag:s19], $0x80  }
0x2d: {  	[sflag:s19] =	ssyncset.done $0x0  }
0x2e: {  	[sflag:s19] =	ssyncadd.s32 $0xFFFFFF80  }
0x2f: {  	[bflag:$0x0] =	sbarrier.arrive $0xFFFF  }
0x30: {  	_ =	swait.ge [sflag:s20], $0x2900  }
0x31: {  	[sflag:s20] =	ssyncset.done $0x0  }
0x32: {  	[sflag:s20] =	ssyncadd.s32 $0xFFFFD700  }
0x33: {  	_ =	swait.ge [sflag:s21], $0x2900  }
0x34: {  	[sflag:s21] =	ssyncset.done $0x0  }
0x35: {  	s25 =	simm.s32 $0x0;
	s26 =	simm.s32 $0x2900;
	[sflag:s21] =	ssyncadd.s32 $0xFFFFD700  }
0x36: {  	[spmem:s2] =	stream.indirect.scatter.add.f32 [tilespmem:s26], [sflag:$0x3], $0x1, s25, s22, $0xb8;
	[tilespmem:$0x5500] =	vst v63  }
0x37: {  	s25 =	simm.s32 $0x200;
	_ =	swait.ge [sflag:s23], $0x80  }
.LBB2_2:
0x38: {  	s26 =	sshra.s32 s25, $0x2;
	[sflag:s23] =	ssyncset.done $0x0;
	p0 =	sne.s32 s25, $0xA200  }
.Ltmp0:
0x39: {  	s28 =	sadd.s32 $0x2900, s26;
	[sflag:s23] =	ssyncadd.s32 $0xFFFFFF80;
	(pc) =	sbr.rel @p0 .LBB2_2-.Ltmp0, $3  }
0x3a: {  	[spmem:s2] =	stream.indirect.scatter.add.f32 [tilespmem:s28], [sflag:$0x3], $0x1, s26, s22, $0xb8;
	[tilespmem:$0x5500] =	vst v63  }
0x3b: {  	s25 =	sadd.s32 $0x200, s25;
	_ =	sdelay $0x1  }
0x3c: {  	_ =	swait.ge [sflag:s23], $0x80  }
0x3d: {  	[sflag:s23] =	ssyncset.done $0x0  }
0x3e: {  	s25 =	sshll.u32 s1, $0x6;
	[sflag:s23] =	ssyncadd.s32 $0xFFFFFF80  }
0x3f: {  	s26 =	sshrl.u32 s6, $0x3;
	s25 =	sor.u32 $0x1C04, s25;
	[bflag:$0x0] =	sbarrier.arrive $0xFFFF  }
0x40: {  	[hbm:s11], [sflag:s25] =	dma.local [spmem:s26], $0x10  }
0x41: {  	_ =	swait.ge [sflag:s19], $0x10  }
0x42: {  	[sflag:s19] =	ssyncset.done $0x0  }
0x43: {  	s28 =	sshrl.u32 s7, $0x3;
	[sflag:s19] =	ssyncadd.s32 $0xFFFFFFF0  }
0x44: {  	[hbm:s12], [sflag:s25] =	dma.local [spmem:s28], $0x10  }
0x45: {  	_ =	swait.ge [sflag:s19], $0x10  }
0x46: {  	[sflag:s19] =	ssyncset.done $0x0  }
0x47: {  	s29 =	sshrl.u32 s8, $0x3;
	[sflag:s19] =	ssyncadd.s32 $0xFFFFFFF0  }
0x48: {  	[hbm:s13], [sflag:s25] =	dma.local [spmem:s29], $0x10  }
0x49: {  	_ =	swait.ge [sflag:s19], $0x10  }
0x4a: {  	[sflag:s19] =	ssyncset.done $0x0  }
0x4b: {  	s30 =	sshrl.u32 s9, $0x3;
	[sflag:s19] =	ssyncadd.s32 $0xFFFFFFF0  }
0x4c: {  	[hbm:s14], [sflag:s25] =	dma.local [spmem:s30], $0x10  }
0x4d: {  	s24 =	sadd.s32 $0x1, s24;
	_ =	swait.ge [sflag:s19], $0x10  }
0x4e: {  	p0 =	sne.s32 s24, s16;
	[sflag:s19] =	ssyncset.done $0x0  }
.Ltmp1:
0x4f: {  	s31 =	sshrl.u32 s10, $0x3;
	[sflag:s19] =	ssyncadd.s32 $0xFFFFFFF0;
	(pc) =	sbr.rel @p0 .LBB2_1-.Ltmp1, $4  }
0x50: {  	[hbm:s15], [sflag:s25] =	dma.local [spmem:s31], $0x10  }
0x51: {  	_ =	swait.ge [sflag:s19], $0x10  }
0x52: {  	[sflag:s19] =	ssyncset.done $0x0  }
0x53: {  	[sflag:s19] =	ssyncadd.s32 $0xFFFFFFF0  }
0x54: {  	_ =	sfence.sel $0x180000  }
0x55: {  	[bflag:$0x0] =	sbarrier.arrive $0xFFFF  }
0x56: {  	p0 =	sne.s32 s1, $0x0;
	_ =	strace $0x90000047  }
0x57: {  	s0 =	sadd.s32 @!p0 $0x100000, s0;
	[bflag:$0x2] =	sbarrier.arrive $0xFFFF  }
0x58: {  	[sflag:s0] =	ssyncadd.tile.s32 @!p0 $0x1;
	_ =	shalt  }
.Lfunc_end2:
_tile_overlayer_lowered:
.L_overlay_start_2:
0x59: {  	(tag) =	ssettag $0x2  }
0x5a: {  	s0 =	rddreg [dreg:$0x0];
	s2 =	stileid.u32  }
0x5b: {  	s1 =	rddreg [dreg:$0x1];
	p0 =	sne.s32 s2, $0x0  }
0x5c: {  	s3 =	rddreg [dreg:$0x2];
	[bflag:$0x3] =	sbarrier.arrive $0xFFFF;
	s2 =	simm.s32 @!p0 $0x1C04  }
0x5d: {  	[timem:s3], [sflag:s2] =	dma.local @!p0 [hbm:s0], s1  }
0x5e: {  	s0 =	simm.s32 @!p0 $0x4  }
0x5f: {  	_ =	swait.ge @!p0 [sflag:s0], s1  }
0x60: {  	s1 =	ssub.s32 @!p0 $0x0, s1;
	[sflag:s0] =	ssyncset.done @!p0 $0x0  }
0x61: {  	[sflag:s0] =	ssyncadd.s32 @!p0 s1  }
0x62: {  	[bflag:$0x3] =	sbarrier.arrive $0xFFFF  }
0x63: {  	_ =	shalt  }

// kernel: kernel.13.cloned.1.call-start
scs
__scs_entry_jumppad:
0x0: {  	(pc) =	sbr.rel $0x88, $3  }
0x1: {  	(tag) =	ssettag $0x0;
	lr =	simm.s32 $0x1  }
0x2: {  	[smem:$0x3F98] =	sst lr;
	_ =	strace $0xD0000000  }
0x3: {  	_ = 	snop  }
0x4: {  	_ = 	snop  }
0x5: {  	_ = 	snop  }
0x6: {  	_ = 	snop  }
0x7: {  	_ = 	snop  }
__scs_overlays_trampoline_lowered:
0x8: {  	[smem:$0x3FA7] =	sst s0  }
0x9: {  	[smem:$0x3FA8] =	sst s1  }
0xa: {  	[smem:$0x3FA9] =	sst s2  }
0xb: {  	[smem:$0x3FAA] =	sst s3  }
0xc: {  	[smem:$0x3FAB] =	sst s4  }
0xd: {  	[smem:$0x3FAC] =	sst s5  }
0xe: {  	[smem:$0x3FAD] =	sst s6  }
0xf: {  	[smem:$0x3FAE] =	sst s7  }
0x10: {  	[smem:$0x3FAF] =	sst s8  }
0x11: {  	[smem:$0x3FB0] =	sst s9;
	s0 =	simm.s32 @!p0 $0x0  }
0x12: {  	s1 =	sld [smem:$0x3F96];
	s0 =	simm.s32 @p0 $0x1  }
0x13: {  	[smem:$0x3FB1] =	sst s0;
	s0 =	simm.s32 @!p1 $0x0  }
0x14: {  	s2 =	sld [smem:$0x3F95];
	s0 =	simm.s32 @p1 $0x1  }
0x15: {  	[smem:$0x3FB2] =	sst s0;
	s0 =	simm.s32 @!p2 $0x0  }
0x16: {  	s3 =	sld [smem:$0x3FDB];
	s0 =	simm.s32 @p2 $0x1  }
0x17: {  	s4 =	simm.s32 $0x1BF5;
	[smem:$0x3FB4] =	sst s0  }
0x18: {  	s0 =	sld [smem:$0x3F97];
	_ =	swait.ge [sflag:s4], $0x0  }
0x19: {  	s7 =	sld [smem:$0x3F98]  }
0x1a: {  	s8 =	sadd.s32 $0xFFFFE003, lr  }
0x1b: {  	s9 =	sadd.s32 $0xFFFFFEF7, lr;
	s5 =	simm.s32 $0xFFFFFFFF;
	p2 =	slt.u32 s8, $0xFFFFF086  }
0x1c: {  	p1 =	slt.u32 s9, $0xF7A;
	s5 =	simm.s32 @!p2 $0x0  }
0x1d: {  	s5 =	simm.s32 @p1 $0x1;
	p0 =	seq.s32 s7, s2  }
0x1e: {  	s7 =	smul.u32 @!p0 $0xF7A, s2;
	p2 =	seq.s32 @!p0 s5, $0x0  }
0x1f: {  	s9 =	smul.u32 $0xF7A, s1;
	s8 =	simm.s32 @!p0 $0x1BF5;
	p2 =	por !p2, p0  }
0x20: {  	[sflag:s8] =	ssyncset.s32 @!p0 $0xFFFFF086;
	s6 =	sadd.s32 @!p0 s3, s7;
	s7 =	simm.s32 @!p0 $0x108  }
0x21: {  	s3 =	sadd.s32 s3, s9;
	s6 =	sadd.s32 @!p0 $0x88, s6;
	s7 =	simm.s32 @p2 $0x1082  }
0x22: {  	[simem:s7], [sflag:s8] =	dma.local @!p0 [hbm:s6], $0xF7A  }
0x23: {  	s9 =	sor.u32 $0xD0000000, s2;
	s6 =	simm.s32 $0x108;
	_ =	swait.ge @!p0 [sflag:s8], $0x0  }
0x24: {  	s3 =	sadd.s32 $0x88, s3;
	s6 =	simm.s32 @!p1 $0x1082;
	[sflag:s4] =	ssyncset.s32 $0xFFFFF086  }
0x25: {  	[simem:s6], [sflag:s4] =	dma.local [hbm:s3], $0xF7A  }
0x26: {  	[smem:$0x3F98] =	sst s1;
	(tag) =	ssettag s2;
	_ =	strace s9  }
0x27: {  	s1 =	sld [smem:$0x3FA8]  }
0x28: {  	s2 =	sld [smem:$0x3FA9]  }
0x29: {  	s4 =	sld [smem:$0x3FAB]  }
0x2a: {  	p0 =	seq.s32 s5, $0x0;
	s5 =	sld [smem:$0x3FAC]  }
0x2b: {  	s6 =	sld [smem:$0x3FAD]  }
0x2c: {  	s7 =	sld [smem:$0x3FAE]  }
0x2d: {  	s3 =	simm.s32 $0x108;
	s8 =	sld [smem:$0x3FAF]  }
0x2e: {  	s3 =	simm.s32 @!p0 $0x1082;
	s9 =	sld [smem:$0x3FB0]  }
0x2f: {  	lr =	sadd.s32 s0, s3;
	s0 =	sld [smem:$0x3FA7]  }
0x30: {  	s3 =	sld [smem:$0x3FAA]  }
0x31: {  	[smem:$0x3FB3] =	sst s10  }
0x32: {  	s10 =	sld [smem:$0x3FB1];
	_ =	sdelay $0x3  }
0x33: {  	p0 =	seq.s32 s10, $0x1;
	s10 =	sld [smem:$0x3FB3];
	_ =	sdelay $0x3  }
0x34: {  	[smem:$0x3FB3] =	sst s10  }
0x35: {  	s10 =	sld [smem:$0x3FB2];
	_ =	sdelay $0x3  }
0x36: {  	p1 =	seq.s32 s10, $0x1;
	s10 =	sld [smem:$0x3FB3];
	_ =	sdelay $0x3  }
0x37: {  	[smem:$0x3FB3] =	sst s10  }
0x38: {  	s10 =	sld [smem:$0x3FB4]  }
0x39: {  	_ = 	snop;
	(pc) =	sbr.ind lr, $3  }
0x3a: {  	_ = 	snop  }
0x3b: {  	_ = 	snop  }
0x3c: {  	p2 =	seq.s32 s10, $0x1;
	s10 =	sld [smem:$0x3FB3]  }
0x3d: {  	_ =	shalt  }
0x3e: {  	_ =	shalt  }
0x3f: {  	_ =	shalt  }
0x40: {  	_ =	shalt  }
0x41: {  	_ =	shalt  }
0x42: {  	_ =	shalt  }
0x43: {  	_ =	shalt  }
0x44: {  	_ =	shalt  }
0x45: {  	_ =	shalt  }
0x46: {  	_ =	shalt  }
0x47: {  	_ =	shalt  }
0x48: {  	_ =	shalt  }
0x49: {  	_ =	shalt  }
0x4a: {  	_ =	shalt  }
0x4b: {  	_ =	shalt  }
0x4c: {  	_ =	shalt  }
0x4d: {  	_ =	shalt  }
0x4e: {  	_ =	shalt  }
0x4f: {  	_ =	shalt  }
0x50: {  	_ =	shalt  }
0x51: {  	_ =	shalt  }
0x52: {  	_ =	shalt  }
0x53: {  	_ =	shalt  }
0x54: {  	_ =	shalt  }
0x55: {  	_ =	shalt  }
0x56: {  	_ =	shalt  }
0x57: {  	_ =	shalt  }
0x58: {  	_ =	shalt  }
0x59: {  	_ =	shalt  }
0x5a: {  	_ =	shalt  }
0x5b: {  	_ =	shalt  }
0x5c: {  	_ =	shalt  }
0x5d: {  	_ =	shalt  }
0x5e: {  	_ =	shalt  }
0x5f: {  	_ =	shalt  }
0x60: {  	_ =	shalt  }
0x61: {  	_ =	shalt  }
0x62: {  	_ =	shalt  }
0x63: {  	_ =	shalt  }
0x64: {  	_ =	shalt  }
0x65: {  	_ =	shalt  }
0x66: {  	_ =	shalt  }
0x67: {  	_ =	shalt  }
0x68: {  	_ =	shalt  }
0x69: {  	_ =	shalt  }
0x6a: {  	_ =	shalt  }
0x6b: {  	_ =	shalt  }
0x6c: {  	_ =	shalt  }
0x6d: {  	_ =	shalt  }
0x6e: {  	_ =	shalt  }
0x6f: {  	_ =	shalt  }
0x70: {  	_ =	shalt  }
0x71: {  	_ =	shalt  }
0x72: {  	_ =	shalt  }
0x73: {  	_ =	shalt  }
0x74: {  	_ =	shalt  }
0x75: {  	_ =	shalt  }
0x76: {  	_ =	shalt  }
0x77: {  	_ =	shalt  }
0x78: {  	_ =	shalt  }
0x79: {  	_ =	shalt  }
0x7a: {  	_ =	shalt  }
0x7b: {  	_ =	shalt  }
0x7c: {  	_ =	shalt  }
0x7d: {  	_ =	shalt  }
0x7e: {  	_ =	shalt  }
0x7f: {  	_ =	shalt  }
0x80: {  	_ =	shalt  }
0x81: {  	_ =	shalt  }
0x82: {  	_ =	shalt  }
0x83: {  	_ =	shalt  }
0x84: {  	_ =	shalt  }
0x85: {  	_ =	shalt  }
0x86: {  	_ =	shalt  }
0x87: {  	_ =	shalt  }
.Lfunc_end0:
.L_simem_size_0:
called_computation.1_lowered:
.L_overlay_start_0:
0x88: {  	s2 =	sld [smem:$0x3FD9]  }
0x89: {  	s3 =	sld [smem:$0x3FFE];
	_ =	sdelay $0x1  }
0x8a: {  	s1 =	srdreg.scid  }
0x8b: {  	s0 =	sand.u32 $0x1, s1  }
0x8c: {  	s16 =	sshll.u32 s0, $0xA;
	s2 =	sadd.s32 s3, s2  }
0x8d: {  	s2 =	sadd.s32 s2, s16  }
0x8e: {  	[smem:$0x3FBF] =	sst s2  }
0x8f: {  	_ = 	snop  }
0x90: {  	(tm) =	ssettm $0x1  }
0x91: {  	s17 =	sld [smem:$0x3FFB];
	_ =	sdelay $0x3  }
0x92: {  	_ =	strace s17  }
0x93: {  	s2 =	sld [smem:$0x3FFC];
	_ =	sdelay $0x3  }
0x94: {  	_ =	strace s2  }
0x95: {  	s2 =	sld [smem:$0x3FFD];
	_ =	sdelay $0x3  }
0x96: {  	_ =	strace s2  }
0x97: {  	_ =	strace $0x8FFFFFFF  }
0x98: {  	s18 =	sld [smem:$0x3FDB];
	_ =	sdelay $0x1  }
0x99: {  	s19 =	simm.s32 $_scs_section_size  }
0x9a: {  	s4 =	simm.s32 $_size__tile_overlayer_lowered;
	s5 =	simm.s32 $_tile_overlayer_lowered  }
0x9b: {  	s22 =	simm.s32 $0x1BFF;
	s21 =	sshll.u32 s5, $0x1;
	s2 =	sadd.s32 s19, s18  }
0x9c: {  	s6 =	simm.s32 $0x0;
	s20 =	sshll.u32 s4, $0x1;
	s4 =	sadd.s32 s21, s2  }
0x9d: {  	[timem:s6], [sflag:s22] =	dma.local [hbm:s4], s20  }
0x9e: {  	_ =	swait.ge [sflag:s22], s20  }
0x9f: {  	s3 =	ssub.s32 $0x0, s20;
	[sflag:s22] =	ssyncset.done $0x0  }
0xa0: {  	[sflag:s22] =	ssyncadd.s32 s3;
	_ =	sdelay $0x1  }
0xa1: {  	s23 =	simm.s32 $0x1B8B  }
0xa2: {  	_ =	swait.ge [sflag:s23], $0x1  }
0xa3: {  	[sflag:s23] =	ssyncset.done $0x0  }
0xa4: {  	s25 =	simm.s32 $0x1B8E;
	s24 =	sld [smem:$0x3FFE];
	[sflag:s23] =	ssyncadd.s32 $0xFFFFFFFF  }
0xa5: {  	s26 =	simm.s32 $execute0_lowered;
	[smem:$0x3FD2] =	sst s25  }
0xa6: {  	s4 =	sshll.u32 s26, $0x1;
	_ =	strace $0x80000049;
	[dreg:$0x1] =	wrdreg $0xFFFFFFFF  }
0xa7: {  	s28 =	simm.s32 $_size_execute0_lowered;
	s2 =	sadd.s32 s2, s4;
	[dreg:$0x0] =	wrdreg $0x0  }
0xa8: {  	s4 =	sshll.u32 s28, $0x1;
	[dreg:$0x2] =	wrdreg s2  }
0xa9: {  	[dreg:$0x3] =	wrdreg s4  }
0xaa: {  	[dreg:$0x4] =	wrdreg $0xC0  }
0xab: {  	_ =	task [dreg:s6], $0x5FFFF  }
0xac: {  	[dreg:$0x1] =	wrdreg $0xFFFFFFFF  }
0xad: {  	[dreg:$0x0] =	wrdreg $0x60  }
0xae: {  	[dreg:$0x2] =	wrdreg s24  }
0xaf: {  	[dreg:$0x3] =	wrdreg $0xA9000  }
0xb0: {  	[dreg:$0x4] =	wrdreg $0x9  }
0xb1: {  	_ =	task.clear_ibuf [dreg:s6], $0x5FFFF;
	_ =	strace $0x90000049  }
0xb2: {  	s29 =	simm.s32 $0x9;
	_ =	strace $0x8000004B  }
0xb3: {  	_ =	swait.ge [sflag:s29], $0x1  }
0xb4: {  	[sflag:s29] =	ssyncadd.s32 $0xFFFFFFFF  }
0xb5: {  	_ =	strace $0x9000004B  }
0xb6: {  	_ =	sfence  }
0xb7: {  	s30 =	sld [smem:$0x0];
	_ =	sdelay $0x2  }
0xb8: {  	s31 =	sshll.u32 s1, $0xD;
	s1 =	sshrl.u32 s1, $0x2  }
0xb9: {  	s3 =	sand.u32 $0x4000, s31;
	s1 =	sadd.s32 s1, s30  }
0xba: {  	s0 =	sor.u32 s3, s0;
	s1 =	sshll.u32 s1, $0x11  }
0xbb: {  	s0 =	sor.u32 s1, s0  }
0xbc: {  	s0 =	sadd.s32 $0x8F2B, s0  }
0xbd: {  	[sflag:s0] =	ssyncadd.remote.s32 $0x1  }
0xbe: {  	_ =	sfence.sel $0xFFFF  }
0xbf: {  	[dreg:$0x0] =	wrdreg $0xFFFFFFFF;
	(pc) =	sbr.abs _section_cstart, $3  }
0xc0: {  	[dreg:$0x1] =	wrdreg $0xFFFFFFFF  }
0xc1: {  	_ =	task.clear_ibuf [dreg:s6], $0x2FFFF;
	_ =	strace $0x9FFFFFFF  }
0xc2: {  	(tm) =	ssettm $0x7FFFFFFF  }
0xc3: {  	_ =	shalt  }
tec
execute0_lowered:
.L_overlay_start_1:
0x0: {  	(tag) =	ssettag $0x1  }
0x1: {  	s0 =	srdreg.scid;
	s4 =	rddreg [dreg:$0x0]  }
0x2: {  	s25 =	stileid.u32;
	s2 =	rddreg [dreg:$0x1];
	s3 =	simm.s32 $0x0  }
0x3: {  	s20 =	simm.s32 $0x5;
	s21 =	simm.s32 $0x1;
	s22 =	simm.s32 $0x6900  }
0x4: {  	s23 =	simm.s32 $0x2;
	s24 =	simm.s32 $0x80;
	s7 =	smul.u32 $0x280, s25  }
0x5: {  	s28 =	simm.s32 $0x0;
	s10 =	sand.u32 $0x1, s0;
	s26 =	smul.u32 $0x50000, s25  }
0x6: {  	[smem:$0x7FF] =	sst s3;
	s14 =	sadd.s32 $0x55A200, s4;
	s18 =	smul.u32 $0x29000, s25  }
0x7: {  	s1 =	sshll.u32 s10, $0x4;
	s8 =	smul.u32 $0x2800, s10;
	_ =	strace $0x8000004A  }
0x8: {  	s9 =	ssub.s32 $0x2, s10;
	s15 =	smul.u32 $0x290000, s10;
	s5 =	sor.u32 s25, s1  }
0x9: {  	s29 =	sshrl.u32 s9, $0x1;
	s30 =	sshrl.u32 s26, $0x2;
	s25 =	simm.s32 $0x4  }
0xa: {  	s26 =	simm.s32 $0x3;
	s6 =	smul.u32 $0x2900, s5;
	s7 =	sadd.s32 s7, s8  }
0xb: {  	s17 =	ssub.s32 s9, s29;
	s31 =	smul.u32 $0x29000, s5;
	s19 =	sadd.s32 s15, s14  }
0xc: {  	s7 =	sshll.u32 s7, $0x4;
	s18 =	sadd.s32 s18, s19;
	s17 =	smax.u32 s17, $0x1  }
0xd: {  	s19 =	simm.s32 $0x2900;
	s6 =	sshrl.u32 s6, $0x3;
	s16 =	sadd.s32 s7, s4  }
0xe: {  	s9 =	sadd.s32 s14, s31;
	s18 =	sadd.s32 $0x1800, s18;
	s6 =	sadd.s32 s6, s4  }
0xf: {  	s4 =	sadd.s32 s30, s2;
	s11 =	sadd.s32 $0x800, s9;
	s12 =	sadd.s32 $0x51000, s16  }
0x10: {  	s13 =	sadd.s32 $0x51800, s16;
	s14 =	sadd.s32 $0x52000, s16;
	s15 =	sadd.s32 $0x52800, s16  }
0x11: {  	s16 =	sadd.s32 $0x53000, s16;
	s5 =	sadd.s32 $0x3E00, s6;
	s6 =	sadd.s32 $0x4000, s4  }
0x12: {  	v0 =	vimm.f32 $0.0e+00;
	s7 =	sadd.s32 $0x8000, s4;
	s8 =	sadd.s32 $0xC000, s4;
	s10 =	sadd.s32 $0x10000, s4  }
.LBB2_1:
0x13: {  	[tilespmem:s3], [sflag:$0x1] =	stream.linear.gather [hbm4b:s5+s3], $0x2900, $0x38;
	[tilespmem:$0x1E900] =	vst v63  }
0x14: {  	s29 =	simm.s32 $0x0;
	s30 =	simm.s32 $0x200  }
.LBB2_2:
0x15: {  	p0 =	sne.s32 s30, $0xFE00;
	[tilespmem:s29+$0x2970] =	vst v0  }
0x16: {  	[tilespmem:s29+$0x2900] =	vst v0  }
0x17: {  	[tilespmem:s29+$0x2910] =	vst v0  }
.Ltmp0:
0x18: {  	[tilespmem:s29+$0x2920] =	vst v0;
	(pc) =	sbr.rel @p0 .LBB2_2-.Ltmp0, $4  }
0x19: {  	[tilespmem:s29+$0x2930] =	vst v0  }
0x1a: {  	[tilespmem:s29+$0x2940] =	vst v0  }
0x1b: {  	[tilespmem:s29+$0x2950] =	vst v0  }
0x1c: {  	[tilespmem:s29+$0x2960] =	vst v0;
	s29 =	sshra.s32 s30, $0x2;
	s30 =	sadd.s32 $0x200, s30  }
0x1d: {  	[tilespmem:s29+$0x2970] =	vst v0  }
0x1e: {  	[tilespmem:s29+$0x2900] =	vst v0  }
0x1f: {  	[tilespmem:s29+$0x2910] =	vst v0  }
0x20: {  	[tilespmem:s29+$0x2920] =	vst v0  }
0x21: {  	[tilespmem:s29+$0x2930] =	vst v0  }
0x22: {  	[tilespmem:s29+$0x2940] =	vst v0  }
0x23: {  	[tilespmem:s29+$0x2950] =	vst v0  }
0x24: {  	[tilespmem:s29+$0x2960] =	vst v0  }
0x25: {  	[spmem:s4] =	stream.linear.scatter [tilespmem:s19], [sflag:$0x5], $0x4000, $0x38;
	[tilespmem:$0x1E900] =	vst v63  }
0x26: {  	_ =	swait.ge [sflag:s20], $0x4000  }
0x27: {  	[sflag:s20] =	ssyncset.done $0x0  }
0x28: {  	[sflag:s20] =	ssyncadd.s32 $0xFFFFC000  }
0x29: {  	[spmem:s6] =	stream.linear.scatter [tilespmem:s19], [sflag:$0x5], $0x4000, $0x38;
	[tilespmem:$0x1E900] =	vst v63  }
0x2a: {  	_ =	swait.ge [sflag:s20], $0x4000  }
0x2b: {  	[sflag:s20] =	ssyncset.done $0x0  }
0x2c: {  	[sflag:s20] =	ssyncadd.s32 $0xFFFFC000  }
0x2d: {  	[spmem:s7] =	stream.linear.scatter [tilespmem:s19], [sflag:$0x5], $0x4000, $0x38;
	[tilespmem:$0x1E900] =	vst v63  }
0x2e: {  	_ =	swait.ge [sflag:s20], $0x4000  }
0x2f: {  	[sflag:s20] =	ssyncset.done $0x0  }
0x30: {  	[sflag:s20] =	ssyncadd.s32 $0xFFFFC000  }
0x31: {  	[spmem:s8] =	stream.linear.scatter [tilespmem:s19], [sflag:$0x5], $0x4000, $0x38;
	[tilespmem:$0x1E900] =	vst v63  }
0x32: {  	_ =	swait.ge [sflag:s20], $0x4000  }
0x33: {  	[sflag:s20] =	ssyncset.done $0x0  }
0x34: {  	[sflag:s20] =	ssyncadd.s32 $0xFFFFC000  }
0x35: {  	[spmem:s10] =	stream.linear.scatter [tilespmem:s19], [sflag:$0x5], $0x4000, $0x38;
	[tilespmem:$0x1E900] =	vst v63  }
0x36: {  	_ =	swait.ge [sflag:s20], $0x4000  }
0x37: {  	[sflag:s20] =	ssyncset.done $0x0  }
0x38: {  	[sflag:s20] =	ssyncadd.s32 $0xFFFFC000  }
0x39: {  	[bflag:$0x0] =	sbarrier.arrive $0xFFFF  }
0x3a: {  	_ =	swait.ge [sflag:s21], $0x2900  }
0x3b: {  	[sflag:s21] =	ssyncset.done $0x0  }
0x3c: {  	s29 =	simm.s32 $0x0;
	[sflag:s21] =	ssyncadd.s32 $0xFFFFD700  }
0x3d: {  	[tilespmem:s19], [sflag:$0x2] =	stream.linear.gather [hbm4b:s9+s29], $0x4000, $0x38;
	[tilespmem:$0x1E900] =	vst v63  }
0x3e: {  	_ = 	snop  }
0x3f: {  	[tilespmem:s22], [sflag:$0x3] =	stream.linear.gather [hbm4b:s11+s29], $0x4000, $0x38;
	[tilespmem:$0x1E900] =	vst v63  }
0x40: {  	_ =	swait.ge [sflag:s23], $0x4000  }
0x41: {  	[sflag:s23] =	ssyncset.done $0x0  }
0x42: {  	s29 =	simm.s32 $0x0;
	[sflag:s23] =	ssyncadd.s32 $0xFFFFC000  }
0x43: {  	[spmem:s2] =	stream.indirect.scatter.add.f32 [tilespmem:s19], [sflag:$0x4], $0x80, s29, s24, $0xb8;
	[tilespmem:$0x1E900] =	vst v63  }
0x44: {  	_ =	swait.ge [sflag:s25], $0x4000  }
0x45: {  	[sflag:s25] =	ssyncset.done $0x0  }
0x46: {  	s29 =	sadd.s32 $0xFFFFF800, s18;
	[sflag:s25] =	ssyncadd.s32 $0xFFFFC000  }
0x47: {  	[tilespmem:s19], [sflag:$0x2] =	stream.linear.gather [hbm4b:s29+s3], $0x4000, $0x38;
	[tilespmem:$0x1E900] =	vst v63  }
0x48: {  	_ =	swait.ge [sflag:s26], $0x4000  }
0x49: {  	[sflag:s26] =	ssyncset.done $0x0  }
0x4a: {  	s29 =	simm.s32 $0x80;
	[sflag:s26] =	ssyncadd.s32 $0xFFFFC000  }
0x4b: {  	[spmem:s2] =	stream.indirect.scatter.add.f32 [tilespmem:s22], [sflag:$0x4], $0x80, s29, s24, $0xb8;
	[tilespmem:$0x1E900] =	vst v63  }
0x4c: {  	_ =	swait.ge [sflag:s25], $0x4000  }
0x4d: {  	s30 =	sadd.s32 $0x1000, s18;
	[sflag:s25] =	ssyncset.done $0x0  }
0x4e: {  	s31 =	smov.u32 s18;
	s29 =	simm.s32 $0x400;
	[sflag:s25] =	ssyncadd.s32 $0xFFFFC000  }
.LBB2_4:
0x4f: {  	[tilespmem:s22], [sflag:$0x3] =	stream.linear.gather [hbm4b:s31+s3], $0x4000, $0x38;
	[tilespmem:$0x1E900] =	vst v63  }
0x50: {  	s1 =	smov.u32 s29;
	s31 =	smov.u32 s30  }
0x51: {  	p0 =	sne.s32 s29, $0xA000;
	s29 =	sadd.s32 $0x400, s29;
	_ =	swait.ge [sflag:s23], $0x4000  }
0x52: {  	[sflag:s23] =	ssyncset.done $0x0  }
0x53: {  	s1 =	sshra.s32 s1, $0x2;
	[sflag:s23] =	ssyncadd.s32 $0xFFFFC000  }
0x54: {  	[spmem:s2] =	stream.indirect.scatter.add.f32 [tilespmem:s19], [sflag:$0x4], $0x80, s1, s24, $0xb8;
	[tilespmem:$0x1E900] =	vst v63  }
0x55: {  	_ =	swait.ge [sflag:s25], $0x4000  }
0x56: {  	[sflag:s25] =	ssyncset.done $0x0  }
0x57: {  	s0 =	sadd.s32 $0xFFFFF800, s30;
	[sflag:s25] =	ssyncadd.s32 $0xFFFFC000  }
0x58: {  	[tilespmem:s19], [sflag:$0x2] =	stream.linear.gather [hbm4b:s0+s3], $0x4000, $0x38;
	[tilespmem:$0x1E900] =	vst v63  }
0x59: {  	_ =	swait.ge [sflag:s26], $0x4000  }
0x5a: {  	[sflag:s26] =	ssyncset.done $0x0  }
.Ltmp1:
0x5b: {  	s0 =	sadd.s32 $0x80, s1;
	[sflag:s26] =	ssyncadd.s32 $0xFFFFC000;
	(pc) =	sbr.rel @p0 .LBB2_4-.Ltmp1, $4  }
0x5c: {  	[spmem:s2] =	stream.indirect.scatter.add.f32 [tilespmem:s22], [sflag:$0x4], $0x80, s0, s24, $0xb8;
	[tilespmem:$0x1E900] =	vst v63  }
0x5d: {  	_ =	swait.ge [sflag:s25], $0x4000  }
0x5e: {  	[sflag:s25] =	ssyncset.done $0x0  }
0x5f: {  	s30 =	sadd.s32 $0x1000, s30;
	[sflag:s25] =	ssyncadd.s32 $0xFFFFC000  }
0x60: {  	[tilespmem:s22], [sflag:$0x3] =	stream.linear.gather [hbm4b:s31+s3], $0x4000, $0x38;
	[tilespmem:$0x1E900] =	vst v63  }
0x61: {  	_ =	swait.ge [sflag:s23], $0x4000  }
0x62: {  	[sflag:s23] =	ssyncset.done $0x0  }
0x63: {  	[sflag:s23] =	ssyncadd.s32 $0xFFFFC000  }
0x64: {  	_ =	swait.ge [sflag:s26], $0x4000  }
0x65: {  	s0 =	stileid.u32;
	[sflag:s26] =	ssyncset.done $0x0  }
0x66: {  	s0 =	sshll.u32 s0, $0x6;
	[sflag:s26] =	ssyncadd.s32 $0xFFFFC000  }
0x67: {  	s1 =	sshrl.u32 s4, $0x3;
	s0 =	sor.u32 $0x1C05, s0;
	[bflag:$0x0] =	sbarrier.arrive $0xFFFF  }
0x68: {  	[hbm:s12], [sflag:s0] =	dma.local [spmem:s1], $0x800  }
0x69: {  	_ =	swait.ge [sflag:s20], $0x800  }
0x6a: {  	[sflag:s20] =	ssyncset.done $0x0  }
0x6b: {  	s31 =	sshrl.u32 s6, $0x3;
	[sflag:s20] =	ssyncadd.s32 $0xFFFFF800  }
0x6c: {  	[hbm:s13], [sflag:s0] =	dma.local [spmem:s31], $0x800  }
0x6d: {  	_ =	swait.ge [sflag:s20], $0x800  }
0x6e: {  	[sflag:s20] =	ssyncset.done $0x0  }
0x6f: {  	s29 =	sshrl.u32 s7, $0x3;
	[sflag:s20] =	ssyncadd.s32 $0xFFFFF800  }
0x70: {  	[hbm:s14], [sflag:s0] =	dma.local [spmem:s29], $0x800  }
0x71: {  	_ =	swait.ge [sflag:s20], $0x800  }
0x72: {  	[sflag:s20] =	ssyncset.done $0x0  }
0x73: {  	s30 =	sshrl.u32 s8, $0x3;
	[sflag:s20] =	ssyncadd.s32 $0xFFFFF800  }
0x74: {  	[hbm:s15], [sflag:s0] =	dma.local [spmem:s30], $0x800  }
0x75: {  	s28 =	sadd.s32 $0x1, s28;
	_ =	swait.ge [sflag:s20], $0x800  }
0x76: {  	p0 =	sne.s32 s28, s17;
	[sflag:s20] =	ssyncset.done $0x0  }
.Ltmp2:
0x77: {  	s31 =	sshrl.u32 s10, $0x3;
	[sflag:s20] =	ssyncadd.s32 $0xFFFFF800;
	(pc) =	sbr.rel @p0 .LBB2_1-.Ltmp2, $4  }
0x78: {  	[hbm:s16], [sflag:s0] =	dma.local [spmem:s31], $0x800  }
0x79: {  	_ =	swait.ge [sflag:s20], $0x800  }
0x7a: {  	[sflag:s20] =	ssyncset.done $0x0  }
0x7b: {  	[sflag:s20] =	ssyncadd.s32 $0xFFFFF800  }
0x7c: {  	_ =	sfence.sel $0x180000  }
0x7d: {  	[bflag:$0x0] =	sbarrier.arrive $0xFFFF  }
0x7e: {  	_ =	strace $0x9000004A  }
0x7f: {  	s0 =	stileid.u32;
	[bflag:$0x2] =	sbarrier.arrive $0xFFFF  }
0x80: {  	p0 =	sne.s32 s0, $0x0;
	s0 =	rddreg [dreg:$0x2]  }
0x81: {  	s0 =	sadd.s32 @!p0 $0x100000, s0  }
0x82: {  	[sflag:s0] =	ssyncadd.tile.s32 @!p0 $0x1;
	_ =	shalt  }
.Lfunc_end2:
_tile_overlayer_lowered:
.L_overlay_start_2:
0x83: {  	(tag) =	ssettag $0x2  }
0x84: {  	s0 =	rddreg [dreg:$0x0];
	s2 =	stileid.u32  }
0x85: {  	s1 =	rddreg [dreg:$0x1];
	p0 =	sne.s32 s2, $0x0  }
0x86: {  	s3 =	rddreg [dreg:$0x2];
	[bflag:$0x3] =	sbarrier.arrive $0xFFFF;
	s2 =	simm.s32 @!p0 $0x1C05  }
0x87: {  	[timem:s3], [sflag:s2] =	dma.local @!p0 [hbm:s0], s1  }
0x88: {  	s0 =	simm.s32 @!p0 $0x5  }
0x89: {  	_ =	swait.ge @!p0 [sflag:s0], s1  }
0x8a: {  	s1 =	ssub.s32 @!p0 $0x0, s1;
	[sflag:s0] =	ssyncset.done @!p0 $0x0  }
0x8b: {  	[sflag:s0] =	ssyncadd.s32 @!p0 s1  }
0x8c: {  	[bflag:$0x3] =	sbarrier.arrive $0xFFFF  }
0x8d: {  	_ =	shalt  }

// kernel: kernel.16.cloned.1.call-start
scs
__scs_entry_jumppad:
0x0: {  	(pc) =	sbr.rel $0x88, $3  }
0x1: {  	(tag) =	ssettag $0x0;
	lr =	simm.s32 $0x1  }
0x2: {  	[smem:$0x3F98] =	sst lr;
	_ =	strace $0xD0000000  }
0x3: {  	_ = 	snop  }
0x4: {  	_ = 	snop  }
0x5: {  	_ = 	snop  }
0x6: {  	_ = 	snop  }
0x7: {  	_ = 	snop  }
__scs_overlays_trampoline_lowered:
0x8: {  	[smem:$0x3FA7] =	sst s0  }
0x9: {  	[smem:$0x3FA8] =	sst s1  }
0xa: {  	[smem:$0x3FA9] =	sst s2  }
0xb: {  	[smem:$0x3FAA] =	sst s3  }
0xc: {  	[smem:$0x3FAB] =	sst s4  }
0xd: {  	[smem:$0x3FAC] =	sst s5  }
0xe: {  	[smem:$0x3FAD] =	sst s6  }
0xf: {  	[smem:$0x3FAE] =	sst s7  }
0x10: {  	[smem:$0x3FAF] =	sst s8  }
0x11: {  	[smem:$0x3FB0] =	sst s9;
	s0 =	simm.s32 @!p0 $0x0  }
0x12: {  	s1 =	sld [smem:$0x3F96];
	s0 =	simm.s32 @p0 $0x1  }
0x13: {  	[smem:$0x3FB1] =	sst s0;
	s0 =	simm.s32 @!p1 $0x0  }
0x14: {  	s2 =	sld [smem:$0x3F95];
	s0 =	simm.s32 @p1 $0x1  }
0x15: {  	[smem:$0x3FB2] =	sst s0;
	s0 =	simm.s32 @!p2 $0x0  }
0x16: {  	s3 =	sld [smem:$0x3FDB];
	s0 =	simm.s32 @p2 $0x1  }
0x17: {  	s4 =	simm.s32 $0x1BF5;
	[smem:$0x3FB4] =	sst s0  }
0x18: {  	s0 =	sld [smem:$0x3F97];
	_ =	swait.ge [sflag:s4], $0x0  }
0x19: {  	s7 =	sld [smem:$0x3F98]  }
0x1a: {  	s8 =	sadd.s32 $0xFFFFE003, lr  }
0x1b: {  	s9 =	sadd.s32 $0xFFFFFEF7, lr;
	s5 =	simm.s32 $0xFFFFFFFF;
	p2 =	slt.u32 s8, $0xFFFFF086  }
0x1c: {  	p1 =	slt.u32 s9, $0xF7A;
	s5 =	simm.s32 @!p2 $0x0  }
0x1d: {  	s5 =	simm.s32 @p1 $0x1;
	p0 =	seq.s32 s7, s2  }
0x1e: {  	s7 =	smul.u32 @!p0 $0xF7A, s2;
	p2 =	seq.s32 @!p0 s5, $0x0  }
0x1f: {  	s9 =	smul.u32 $0xF7A, s1;
	s8 =	simm.s32 @!p0 $0x1BF5;
	p2 =	por !p2, p0  }
0x20: {  	[sflag:s8] =	ssyncset.s32 @!p0 $0xFFFFF086;
	s6 =	sadd.s32 @!p0 s3, s7;
	s7 =	simm.s32 @!p0 $0x108  }
0x21: {  	s3 =	sadd.s32 s3, s9;
	s6 =	sadd.s32 @!p0 $0x88, s6;
	s7 =	simm.s32 @p2 $0x1082  }
0x22: {  	[simem:s7], [sflag:s8] =	dma.local @!p0 [hbm:s6], $0xF7A  }
0x23: {  	s9 =	sor.u32 $0xD0000000, s2;
	s6 =	simm.s32 $0x108;
	_ =	swait.ge @!p0 [sflag:s8], $0x0  }
0x24: {  	s3 =	sadd.s32 $0x88, s3;
	s6 =	simm.s32 @!p1 $0x1082;
	[sflag:s4] =	ssyncset.s32 $0xFFFFF086  }
0x25: {  	[simem:s6], [sflag:s4] =	dma.local [hbm:s3], $0xF7A  }
0x26: {  	[smem:$0x3F98] =	sst s1;
	(tag) =	ssettag s2;
	_ =	strace s9  }
0x27: {  	s1 =	sld [smem:$0x3FA8]  }
0x28: {  	s2 =	sld [smem:$0x3FA9]  }
0x29: {  	s4 =	sld [smem:$0x3FAB]  }
0x2a: {  	p0 =	seq.s32 s5, $0x0;
	s5 =	sld [smem:$0x3FAC]  }
0x2b: {  	s6 =	sld [smem:$0x3FAD]  }
0x2c: {  	s7 =	sld [smem:$0x3FAE]  }
0x2d: {  	s3 =	simm.s32 $0x108;
	s8 =	sld [smem:$0x3FAF]  }
0x2e: {  	s3 =	simm.s32 @!p0 $0x1082;
	s9 =	sld [smem:$0x3FB0]  }
0x2f: {  	lr =	sadd.s32 s0, s3;
	s0 =	sld [smem:$0x3FA7]  }
0x30: {  	s3 =	sld [smem:$0x3FAA]  }
0x31: {  	[smem:$0x3FB3] =	sst s10  }
0x32: {  	s10 =	sld [smem:$0x3FB1];
	_ =	sdelay $0x3  }
0x33: {  	p0 =	seq.s32 s10, $0x1;
	s10 =	sld [smem:$0x3FB3];
	_ =	sdelay $0x3  }
0x34: {  	[smem:$0x3FB3] =	sst s10  }
0x35: {  	s10 =	sld [smem:$0x3FB2];
	_ =	sdelay $0x3  }
0x36: {  	p1 =	seq.s32 s10, $0x1;
	s10 =	sld [smem:$0x3FB3];
	_ =	sdelay $0x3  }
0x37: {  	[smem:$0x3FB3] =	sst s10  }
0x38: {  	s10 =	sld [smem:$0x3FB4]  }
0x39: {  	_ = 	snop;
	(pc) =	sbr.ind lr, $3  }
0x3a: {  	_ = 	snop  }
0x3b: {  	_ = 	snop  }
0x3c: {  	p2 =	seq.s32 s10, $0x1;
	s10 =	sld [smem:$0x3FB3]  }
0x3d: {  	_ =	shalt  }
0x3e: {  	_ =	shalt  }
0x3f: {  	_ =	shalt  }
0x40: {  	_ =	shalt  }
0x41: {  	_ =	shalt  }
0x42: {  	_ =	shalt  }
0x43: {  	_ =	shalt  }
0x44: {  	_ =	shalt  }
0x45: {  	_ =	shalt  }
0x46: {  	_ =	shalt  }
0x47: {  	_ =	shalt  }
0x48: {  	_ =	shalt  }
0x49: {  	_ =	shalt  }
0x4a: {  	_ =	shalt  }
0x4b: {  	_ =	shalt  }
0x4c: {  	_ =	shalt  }
0x4d: {  	_ =	shalt  }
0x4e: {  	_ =	shalt  }
0x4f: {  	_ =	shalt  }
0x50: {  	_ =	shalt  }
0x51: {  	_ =	shalt  }
0x52: {  	_ =	shalt  }
0x53: {  	_ =	shalt  }
0x54: {  	_ =	shalt  }
0x55: {  	_ =	shalt  }
0x56: {  	_ =	shalt  }
0x57: {  	_ =	shalt  }
0x58: {  	_ =	shalt  }
0x59: {  	_ =	shalt  }
0x5a: {  	_ =	shalt  }
0x5b: {  	_ =	shalt  }
0x5c: {  	_ =	shalt  }
0x5d: {  	_ =	shalt  }
0x5e: {  	_ =	shalt  }
0x5f: {  	_ =	shalt  }
0x60: {  	_ =	shalt  }
0x61: {  	_ =	shalt  }
0x62: {  	_ =	shalt  }
0x63: {  	_ =	shalt  }
0x64: {  	_ =	shalt  }
0x65: {  	_ =	shalt  }
0x66: {  	_ =	shalt  }
0x67: {  	_ =	shalt  }
0x68: {  	_ =	shalt  }
0x69: {  	_ =	shalt  }
0x6a: {  	_ =	shalt  }
0x6b: {  	_ =	shalt  }
0x6c: {  	_ =	shalt  }
0x6d: {  	_ =	shalt  }
0x6e: {  	_ =	shalt  }
0x6f: {  	_ =	shalt  }
0x70: {  	_ =	shalt  }
0x71: {  	_ =	shalt  }
0x72: {  	_ =	shalt  }
0x73: {  	_ =	shalt  }
0x74: {  	_ =	shalt  }
0x75: {  	_ =	shalt  }
0x76: {  	_ =	shalt  }
0x77: {  	_ =	shalt  }
0x78: {  	_ =	shalt  }
0x79: {  	_ =	shalt  }
0x7a: {  	_ =	shalt  }
0x7b: {  	_ =	shalt  }
0x7c: {  	_ =	shalt  }
0x7d: {  	_ =	shalt  }
0x7e: {  	_ =	shalt  }
0x7f: {  	_ =	shalt  }
0x80: {  	_ =	shalt  }
0x81: {  	_ =	shalt  }
0x82: {  	_ =	shalt  }
0x83: {  	_ =	shalt  }
0x84: {  	_ =	shalt  }
0x85: {  	_ =	shalt  }
0x86: {  	_ =	shalt  }
0x87: {  	_ =	shalt  }
.Lfunc_end0:
.L_simem_size_0:
called_computation.2_lowered:
.L_overlay_start_0:
0x88: {  	s2 =	sld [smem:$0x3FD9]  }
0x89: {  	s3 =	sld [smem:$0x3FFE];
	_ =	sdelay $0x1  }
0x8a: {  	s1 =	srdreg.scid  }
0x8b: {  	s0 =	sand.u32 $0x1, s1  }
0x8c: {  	s16 =	sshll.u32 s0, $0xA;
	s2 =	sadd.s32 s3, s2  }
0x8d: {  	s2 =	sadd.s32 s2, s16  }
0x8e: {  	[smem:$0x3FBF] =	sst s2  }
0x8f: {  	_ = 	snop  }
0x90: {  	(tm) =	ssettm $0x1  }
0x91: {  	s17 =	sld [smem:$0x3FFB];
	_ =	sdelay $0x3  }
0x92: {  	_ =	strace s17  }
0x93: {  	s2 =	sld [smem:$0x3FFC];
	_ =	sdelay $0x3  }
0x94: {  	_ =	strace s2  }
0x95: {  	s2 =	sld [smem:$0x3FFD];
	_ =	sdelay $0x3  }
0x96: {  	_ =	strace s2  }
0x97: {  	_ =	strace $0x8FFFFFFF  }
0x98: {  	s18 =	sld [smem:$0x3FDB];
	_ =	sdelay $0x1  }
0x99: {  	s19 =	simm.s32 $_scs_section_size  }
0x9a: {  	s4 =	simm.s32 $_size__tile_overlayer_lowered;
	s5 =	simm.s32 $_tile_overlayer_lowered  }
0x9b: {  	s22 =	simm.s32 $0x1BFF;
	s21 =	sshll.u32 s5, $0x1;
	s2 =	sadd.s32 s19, s18  }
0x9c: {  	s6 =	simm.s32 $0x0;
	s20 =	sshll.u32 s4, $0x1;
	s4 =	sadd.s32 s21, s2  }
0x9d: {  	[timem:s6], [sflag:s22] =	dma.local [hbm:s4], s20  }
0x9e: {  	_ =	swait.ge [sflag:s22], s20  }
0x9f: {  	s3 =	ssub.s32 $0x0, s20;
	[sflag:s22] =	ssyncset.done $0x0  }
0xa0: {  	[sflag:s22] =	ssyncadd.s32 s3;
	_ =	sdelay $0x1  }
0xa1: {  	s23 =	simm.s32 $0x1B8B  }
0xa2: {  	_ =	swait.ge [sflag:s23], $0x1  }
0xa3: {  	[sflag:s23] =	ssyncset.done $0x0  }
0xa4: {  	s25 =	simm.s32 $0x1B8E;
	s24 =	sld [smem:$0x3FFE];
	[sflag:s23] =	ssyncadd.s32 $0xFFFFFFFF  }
0xa5: {  	s26 =	simm.s32 $execute0_lowered;
	[smem:$0x3FD2] =	sst s25  }
0xa6: {  	s4 =	sshll.u32 s26, $0x1;
	_ =	strace $0x8000004C;
	[dreg:$0x1] =	wrdreg $0xFFFFFFFF  }
0xa7: {  	s28 =	simm.s32 $_size_execute0_lowered;
	s2 =	sadd.s32 s2, s4;
	[dreg:$0x0] =	wrdreg $0x0  }
0xa8: {  	s4 =	sshll.u32 s28, $0x1;
	[dreg:$0x2] =	wrdreg s2  }
0xa9: {  	[dreg:$0x3] =	wrdreg s4  }
0xaa: {  	[dreg:$0x4] =	wrdreg $0xC0  }
0xab: {  	_ =	task [dreg:s6], $0x5FFFF  }
0xac: {  	[dreg:$0x1] =	wrdreg $0xFFFFFFFF  }
0xad: {  	[dreg:$0x0] =	wrdreg $0x60  }
0xae: {  	[dreg:$0x2] =	wrdreg s24  }
0xaf: {  	[dreg:$0x3] =	wrdreg $0xA9000  }
0xb0: {  	[dreg:$0x4] =	wrdreg $0x9  }
0xb1: {  	_ =	task.clear_ibuf [dreg:s6], $0x5FFFF;
	_ =	strace $0x9000004C  }
0xb2: {  	s29 =	simm.s32 $0x9;
	_ =	strace $0x8000004E  }
0xb3: {  	_ =	swait.ge [sflag:s29], $0x1  }
0xb4: {  	[sflag:s29] =	ssyncadd.s32 $0xFFFFFFFF  }
0xb5: {  	_ =	strace $0x9000004E  }
0xb6: {  	_ =	sfence  }
0xb7: {  	s30 =	sld [smem:$0x0];
	_ =	sdelay $0x2  }
0xb8: {  	s31 =	sshll.u32 s1, $0xD;
	s1 =	sshrl.u32 s1, $0x2  }
0xb9: {  	s3 =	sand.u32 $0x4000, s31;
	s1 =	sadd.s32 s1, s30  }
0xba: {  	s0 =	sor.u32 s3, s0;
	s1 =	sshll.u32 s1, $0x11  }
0xbb: {  	s0 =	sor.u32 s1, s0  }
0xbc: {  	s0 =	sadd.s32 $0x8F2B, s0  }
0xbd: {  	[sflag:s0] =	ssyncadd.remote.s32 $0x1  }
0xbe: {  	_ =	sfence.sel $0xFFFF  }
0xbf: {  	[dreg:$0x0] =	wrdreg $0xFFFFFFFF;
	(pc) =	sbr.abs _section_cstart, $3  }
0xc0: {  	[dreg:$0x1] =	wrdreg $0xFFFFFFFF  }
0xc1: {  	_ =	task.clear_ibuf [dreg:s6], $0x2FFFF;
	_ =	strace $0x9FFFFFFF  }
0xc2: {  	(tm) =	ssettm $0x7FFFFFFF  }
0xc3: {  	_ =	shalt  }
tec
execute0_lowered:
.L_overlay_start_1:
0x0: {  	(tag) =	ssettag $0x1  }
0x1: {  	s0 =	srdreg.scid;
	s4 =	rddreg [dreg:$0x0]  }
0x2: {  	s25 =	stileid.u32;
	s2 =	rddreg [dreg:$0x1];
	s3 =	simm.s32 $0x0  }
0x3: {  	s20 =	simm.s32 $0x5;
	s21 =	simm.s32 $0x1;
	s22 =	simm.s32 $0x6900  }
0x4: {  	s23 =	simm.s32 $0x2;
	s24 =	simm.s32 $0x80;
	s7 =	smul.u32 $0x280, s25  }
0x5: {  	s28 =	simm.s32 $0x0;
	s10 =	sand.u32 $0x1, s0;
	s26 =	smul.u32 $0x50000, s25  }
0x6: {  	[smem:$0x7FF] =	sst s3;
	s14 =	sadd.s32 $0x55A200, s4;
	s18 =	smul.u32 $0x29000, s25  }
0x7: {  	s1 =	sshll.u32 s10, $0x4;
	s8 =	smul.u32 $0x2800, s10;
	_ =	strace $0x8000004D  }
0x8: {  	s9 =	ssub.s32 $0x2, s10;
	s15 =	smul.u32 $0x290000, s10;
	s5 =	sor.u32 s25, s1  }
0x9: {  	s29 =	sshrl.u32 s9, $0x1;
	s30 =	sshrl.u32 s26, $0x2;
	s25 =	simm.s32 $0x4  }
0xa: {  	s26 =	simm.s32 $0x3;
	s6 =	smul.u32 $0x2900, s5;
	s7 =	sadd.s32 s7, s8  }
0xb: {  	s17 =	ssub.s32 s9, s29;
	s31 =	smul.u32 $0x29000, s5;
	s19 =	sadd.s32 s15, s14  }
0xc: {  	s7 =	sshll.u32 s7, $0x4;
	s18 =	sadd.s32 s18, s19;
	s17 =	smax.u32 s17, $0x1  }
0xd: {  	s19 =	simm.s32 $0x2900;
	s6 =	sshrl.u32 s6, $0x3;
	s16 =	sadd.s32 s7, s4  }
0xe: {  	s9 =	sadd.s32 s14, s31;
	s18 =	sadd.s32 $0x1800, s18;
	s6 =	sadd.s32 s6, s4  }
0xf: {  	s4 =	sadd.s32 s30, s2;
	s11 =	sadd.s32 $0x800, s9;
	s12 =	sadd.s32 $0x51000, s16  }
0x10: {  	s13 =	sadd.s32 $0x51800, s16;
	s14 =	sadd.s32 $0x52000, s16;
	s15 =	sadd.s32 $0x52800, s16  }
0x11: {  	s16 =	sadd.s32 $0x53000, s16;
	s5 =	sadd.s32 $0x3E00, s6;
	s6 =	sadd.s32 $0x4000, s4  }
0x12: {  	v0 =	vimm.f32 $0.0e+00;
	s7 =	sadd.s32 $0x8000, s4;
	s8 =	sadd.s32 $0xC000, s4;
	s10 =	sadd.s32 $0x10000, s4  }
.LBB2_1:
0x13: {  	[tilespmem:s3], [sflag:$0x1] =	stream.linear.gather [hbm4b:s5+s3], $0x2900, $0x38;
	[tilespmem:$0x1E900] =	vst v63  }
0x14: {  	s29 =	simm.s32 $0x0;
	s30 =	simm.s32 $0x200  }
.LBB2_2:
0x15: {  	p0 =	sne.s32 s30, $0xFE00;
	[tilespmem:s29+$0x2970] =	vst v0  }
0x16: {  	[tilespmem:s29+$0x2900] =	vst v0  }
0x17: {  	[tilespmem:s29+$0x2910] =	vst v0  }
.Ltmp0:
0x18: {  	[tilespmem:s29+$0x2920] =	vst v0;
	(pc) =	sbr.rel @p0 .LBB2_2-.Ltmp0, $4  }
0x19: {  	[tilespmem:s29+$0x2930] =	vst v0  }
0x1a: {  	[tilespmem:s29+$0x2940] =	vst v0  }
0x1b: {  	[tilespmem:s29+$0x2950] =	vst v0  }
0x1c: {  	[tilespmem:s29+$0x2960] =	vst v0;
	s29 =	sshra.s32 s30, $0x2;
	s30 =	sadd.s32 $0x200, s30  }
0x1d: {  	[tilespmem:s29+$0x2970] =	vst v0  }
0x1e: {  	[tilespmem:s29+$0x2900] =	vst v0  }
0x1f: {  	[tilespmem:s29+$0x2910] =	vst v0  }
0x20: {  	[tilespmem:s29+$0x2920] =	vst v0  }
0x21: {  	[tilespmem:s29+$0x2930] =	vst v0  }
0x22: {  	[tilespmem:s29+$0x2940] =	vst v0  }
0x23: {  	[tilespmem:s29+$0x2950] =	vst v0  }
0x24: {  	[tilespmem:s29+$0x2960] =	vst v0  }
0x25: {  	[spmem:s4] =	stream.linear.scatter [tilespmem:s19], [sflag:$0x5], $0x4000, $0x38;
	[tilespmem:$0x1E900] =	vst v63  }
0x26: {  	_ =	swait.ge [sflag:s20], $0x4000  }
0x27: {  	[sflag:s20] =	ssyncset.done $0x0  }
0x28: {  	[sflag:s20] =	ssyncadd.s32 $0xFFFFC000  }
0x29: {  	[spmem:s6] =	stream.linear.scatter [tilespmem:s19], [sflag:$0x5], $0x4000, $0x38;
	[tilespmem:$0x1E900] =	vst v63  }
0x2a: {  	_ =	swait.ge [sflag:s20], $0x4000  }
0x2b: {  	[sflag:s20] =	ssyncset.done $0x0  }
0x2c: {  	[sflag:s20] =	ssyncadd.s32 $0xFFFFC000  }
0x2d: {  	[spmem:s7] =	stream.linear.scatter [tilespmem:s19], [sflag:$0x5], $0x4000, $0x38;
	[tilespmem:$0x1E900] =	vst v63  }
0x2e: {  	_ =	swait.ge [sflag:s20], $0x4000  }
0x2f: {  	[sflag:s20] =	ssyncset.done $0x0  }
0x30: {  	[sflag:s20] =	ssyncadd.s32 $0xFFFFC000  }
0x31: {  	[spmem:s8] =	stream.linear.scatter [tilespmem:s19], [sflag:$0x5], $0x4000, $0x38;
	[tilespmem:$0x1E900] =	vst v63  }
0x32: {  	_ =	swait.ge [sflag:s20], $0x4000  }
0x33: {  	[sflag:s20] =	ssyncset.done $0x0  }
0x34: {  	[sflag:s20] =	ssyncadd.s32 $0xFFFFC000  }
0x35: {  	[spmem:s10] =	stream.linear.scatter [tilespmem:s19], [sflag:$0x5], $0x4000, $0x38;
	[tilespmem:$0x1E900] =	vst v63  }
0x36: {  	_ =	swait.ge [sflag:s20], $0x4000  }
0x37: {  	[sflag:s20] =	ssyncset.done $0x0  }
0x38: {  	[sflag:s20] =	ssyncadd.s32 $0xFFFFC000  }
0x39: {  	[bflag:$0x0] =	sbarrier.arrive $0xFFFF  }
0x3a: {  	_ =	swait.ge [sflag:s21], $0x2900  }
0x3b: {  	[sflag:s21] =	ssyncset.done $0x0  }
0x3c: {  	s29 =	simm.s32 $0x0;
	[sflag:s21] =	ssyncadd.s32 $0xFFFFD700  }
0x3d: {  	[tilespmem:s19], [sflag:$0x2] =	stream.linear.gather [hbm4b:s9+s29], $0x4000, $0x38;
	[tilespmem:$0x1E900] =	vst v63  }
0x3e: {  	_ = 	snop  }
0x3f: {  	[tilespmem:s22], [sflag:$0x3] =	stream.linear.gather [hbm4b:s11+s29], $0x4000, $0x38;
	[tilespmem:$0x1E900] =	vst v63  }
0x40: {  	_ =	swait.ge [sflag:s23], $0x4000  }
0x41: {  	[sflag:s23] =	ssyncset.done $0x0  }
0x42: {  	s29 =	simm.s32 $0x0;
	[sflag:s23] =	ssyncadd.s32 $0xFFFFC000  }
0x43: {  	[spmem:s2] =	stream.indirect.scatter.add.f32 [tilespmem:s19], [sflag:$0x4], $0x80, s29, s24, $0xb8;
	[tilespmem:$0x1E900] =	vst v63  }
0x44: {  	_ =	swait.ge [sflag:s25], $0x4000  }
0x45: {  	[sflag:s25] =	ssyncset.done $0x0  }
0x46: {  	s29 =	sadd.s32 $0xFFFFF800, s18;
	[sflag:s25] =	ssyncadd.s32 $0xFFFFC000  }
0x47: {  	[tilespmem:s19], [sflag:$0x2] =	stream.linear.gather [hbm4b:s29+s3], $0x4000, $0x38;
	[tilespmem:$0x1E900] =	vst v63  }
0x48: {  	_ =	swait.ge [sflag:s26], $0x4000  }
0x49: {  	[sflag:s26] =	ssyncset.done $0x0  }
0x4a: {  	s29 =	simm.s32 $0x80;
	[sflag:s26] =	ssyncadd.s32 $0xFFFFC000  }
0x4b: {  	[spmem:s2] =	stream.indirect.scatter.add.f32 [tilespmem:s22], [sflag:$0x4], $0x80, s29, s24, $0xb8;
	[tilespmem:$0x1E900] =	vst v63  }
0x4c: {  	_ =	swait.ge [sflag:s25], $0x4000  }
0x4d: {  	s30 =	sadd.s32 $0x1000, s18;
	[sflag:s25] =	ssyncset.done $0x0  }
0x4e: {  	s31 =	smov.u32 s18;
	s29 =	simm.s32 $0x400;
	[sflag:s25] =	ssyncadd.s32 $0xFFFFC000  }
.LBB2_4:
0x4f: {  	[tilespmem:s22], [sflag:$0x3] =	stream.linear.gather [hbm4b:s31+s3], $0x4000, $0x38;
	[tilespmem:$0x1E900] =	vst v63  }
0x50: {  	s1 =	smov.u32 s29;
	s31 =	smov.u32 s30  }
0x51: {  	p0 =	sne.s32 s29, $0xA000;
	s29 =	sadd.s32 $0x400, s29;
	_ =	swait.ge [sflag:s23], $0x4000  }
0x52: {  	[sflag:s23] =	ssyncset.done $0x0  }
0x53: {  	s1 =	sshra.s32 s1, $0x2;
	[sflag:s23] =	ssyncadd.s32 $0xFFFFC000  }
0x54: {  	[spmem:s2] =	stream.indirect.scatter.add.f32 [tilespmem:s19], [sflag:$0x4], $0x80, s1, s24, $0xb8;
	[tilespmem:$0x1E900] =	vst v63  }
0x55: {  	_ =	swait.ge [sflag:s25], $0x4000  }
0x56: {  	[sflag:s25] =	ssyncset.done $0x0  }
0x57: {  	s0 =	sadd.s32 $0xFFFFF800, s30;
	[sflag:s25] =	ssyncadd.s32 $0xFFFFC000  }
0x58: {  	[tilespmem:s19], [sflag:$0x2] =	stream.linear.gather [hbm4b:s0+s3], $0x4000, $0x38;
	[tilespmem:$0x1E900] =	vst v63  }
0x59: {  	_ =	swait.ge [sflag:s26], $0x4000  }
0x5a: {  	[sflag:s26] =	ssyncset.done $0x0  }
.Ltmp1:
0x5b: {  	s0 =	sadd.s32 $0x80, s1;
	[sflag:s26] =	ssyncadd.s32 $0xFFFFC000;
	(pc) =	sbr.rel @p0 .LBB2_4-.Ltmp1, $4  }
0x5c: {  	[spmem:s2] =	stream.indirect.scatter.add.f32 [tilespmem:s22], [sflag:$0x4], $0x80, s0, s24, $0xb8;
	[tilespmem:$0x1E900] =	vst v63  }
0x5d: {  	_ =	swait.ge [sflag:s25], $0x4000  }
0x5e: {  	[sflag:s25] =	ssyncset.done $0x0  }
0x5f: {  	s30 =	sadd.s32 $0x1000, s30;
	[sflag:s25] =	ssyncadd.s32 $0xFFFFC000  }
0x60: {  	[tilespmem:s22], [sflag:$0x3] =	stream.linear.gather [hbm4b:s31+s3], $0x4000, $0x38;
	[tilespmem:$0x1E900] =	vst v63  }
0x61: {  	_ =	swait.ge [sflag:s23], $0x4000  }
0x62: {  	[sflag:s23] =	ssyncset.done $0x0  }
0x63: {  	[sflag:s23] =	ssyncadd.s32 $0xFFFFC000  }
0x64: {  	_ =	swait.ge [sflag:s26], $0x4000  }
0x65: {  	s0 =	stileid.u32;
	[sflag:s26] =	ssyncset.done $0x0  }
0x66: {  	s0 =	sshll.u32 s0, $0x6;
	[sflag:s26] =	ssyncadd.s32 $0xFFFFC000  }
0x67: {  	s1 =	sshrl.u32 s4, $0x3;
	s0 =	sor.u32 $0x1C05, s0;
	[bflag:$0x0] =	sbarrier.arrive $0xFFFF  }
0x68: {  	[hbm:s12], [sflag:s0] =	dma.local [spmem:s1], $0x800  }
0x69: {  	_ =	swait.ge [sflag:s20], $0x800  }
0x6a: {  	[sflag:s20] =	ssyncset.done $0x0  }
0x6b: {  	s31 =	sshrl.u32 s6, $0x3;
	[sflag:s20] =	ssyncadd.s32 $0xFFFFF800  }
0x6c: {  	[hbm:s13], [sflag:s0] =	dma.local [spmem:s31], $0x800  }
0x6d: {  	_ =	swait.ge [sflag:s20], $0x800  }
0x6e: {  	[sflag:s20] =	ssyncset.done $0x0  }
0x6f: {  	s29 =	sshrl.u32 s7, $0x3;
	[sflag:s20] =	ssyncadd.s32 $0xFFFFF800  }
0x70: {  	[hbm:s14], [sflag:s0] =	dma.local [spmem:s29], $0x800  }
0x71: {  	_ =	swait.ge [sflag:s20], $0x800  }
0x72: {  	[sflag:s20] =	ssyncset.done $0x0  }
0x73: {  	s30 =	sshrl.u32 s8, $0x3;
	[sflag:s20] =	ssyncadd.s32 $0xFFFFF800  }
0x74: {  	[hbm:s15], [sflag:s0] =	dma.local [spmem:s30], $0x800  }
0x75: {  	s28 =	sadd.s32 $0x1, s28;
	_ =	swait.ge [sflag:s20], $0x800  }
0x76: {  	p0 =	sne.s32 s28, s17;
	[sflag:s20] =	ssyncset.done $0x0  }
.Ltmp2:
0x77: {  	s31 =	sshrl.u32 s10, $0x3;
	[sflag:s20] =	ssyncadd.s32 $0xFFFFF800;
	(pc) =	sbr.rel @p0 .LBB2_1-.Ltmp2, $4  }
0x78: {  	[hbm:s16], [sflag:s0] =	dma.local [spmem:s31], $0x800  }
0x79: {  	_ =	swait.ge [sflag:s20], $0x800  }
0x7a: {  	[sflag:s20] =	ssyncset.done $0x0  }
0x7b: {  	[sflag:s20] =	ssyncadd.s32 $0xFFFFF800  }
0x7c: {  	_ =	sfence.sel $0x180000  }
0x7d: {  	[bflag:$0x0] =	sbarrier.arrive $0xFFFF  }
0x7e: {  	_ =	strace $0x9000004D  }
0x7f: {  	s0 =	stileid.u32;
	[bflag:$0x2] =	sbarrier.arrive $0xFFFF  }
0x80: {  	p0 =	sne.s32 s0, $0x0;
	s0 =	rddreg [dreg:$0x2]  }
0x81: {  	s0 =	sadd.s32 @!p0 $0x100000, s0  }
0x82: {  	[sflag:s0] =	ssyncadd.tile.s32 @!p0 $0x1;
	_ =	shalt  }
.Lfunc_end2:
_tile_overlayer_lowered:
.L_overlay_start_2:
0x83: {  	(tag) =	ssettag $0x2  }
0x84: {  	s0 =	rddreg [dreg:$0x0];
	s2 =	stileid.u32  }
0x85: {  	s1 =	rddreg [dreg:$0x1];
	p0 =	sne.s32 s2, $0x0  }
0x86: {  	s3 =	rddreg [dreg:$0x2];
	[bflag:$0x3] =	sbarrier.arrive $0xFFFF;
	s2 =	simm.s32 @!p0 $0x1C05  }
0x87: {  	[timem:s3], [sflag:s2] =	dma.local @!p0 [hbm:s0], s1  }
0x88: {  	s0 =	simm.s32 @!p0 $0x5  }
0x89: {  	_ =	swait.ge @!p0 [sflag:s0], s1  }
0x8a: {  	s1 =	ssub.s32 @!p0 $0x0, s1;
	[sflag:s0] =	ssyncset.done @!p0 $0x0  }
0x8b: {  	[sflag:s0] =	ssyncadd.s32 @!p0 s1  }
0x8c: {  	[bflag:$0x3] =	sbarrier.arrive $0xFFFF  }
0x8d: {  	_ =	shalt  }

// kernel: kernel.19.cloned.1.call-start
scs
__scs_entry_jumppad:
0x0: {  	(pc) =	sbr.rel $0x88, $3  }
0x1: {  	(tag) =	ssettag $0x0;
	lr =	simm.s32 $0x1  }
0x2: {  	[smem:$0x3F98] =	sst lr;
	_ =	strace $0xD0000000  }
0x3: {  	_ = 	snop  }
0x4: {  	_ = 	snop  }
0x5: {  	_ = 	snop  }
0x6: {  	_ = 	snop  }
0x7: {  	_ = 	snop  }
__scs_overlays_trampoline_lowered:
0x8: {  	[smem:$0x3FA7] =	sst s0  }
0x9: {  	[smem:$0x3FA8] =	sst s1  }
0xa: {  	[smem:$0x3FA9] =	sst s2  }
0xb: {  	[smem:$0x3FAA] =	sst s3  }
0xc: {  	[smem:$0x3FAB] =	sst s4  }
0xd: {  	[smem:$0x3FAC] =	sst s5  }
0xe: {  	[smem:$0x3FAD] =	sst s6  }
0xf: {  	[smem:$0x3FAE] =	sst s7  }
0x10: {  	[smem:$0x3FAF] =	sst s8  }
0x11: {  	[smem:$0x3FB0] =	sst s9;
	s0 =	simm.s32 @!p0 $0x0  }
0x12: {  	s1 =	sld [smem:$0x3F96];
	s0 =	simm.s32 @p0 $0x1  }
0x13: {  	[smem:$0x3FB1] =	sst s0;
	s0 =	simm.s32 @!p1 $0x0  }
0x14: {  	s2 =	sld [smem:$0x3F95];
	s0 =	simm.s32 @p1 $0x1  }
0x15: {  	[smem:$0x3FB2] =	sst s0;
	s0 =	simm.s32 @!p2 $0x0  }
0x16: {  	s3 =	sld [smem:$0x3FDB];
	s0 =	simm.s32 @p2 $0x1  }
0x17: {  	s4 =	simm.s32 $0x1BF5;
	[smem:$0x3FB4] =	sst s0  }
0x18: {  	s0 =	sld [smem:$0x3F97];
	_ =	swait.ge [sflag:s4], $0x0  }
0x19: {  	s7 =	sld [smem:$0x3F98]  }
0x1a: {  	s8 =	sadd.s32 $0xFFFFE003, lr  }
0x1b: {  	s9 =	sadd.s32 $0xFFFFFEF7, lr;
	s5 =	simm.s32 $0xFFFFFFFF;
	p2 =	slt.u32 s8, $0xFFFFF086  }
0x1c: {  	p1 =	slt.u32 s9, $0xF7A;
	s5 =	simm.s32 @!p2 $0x0  }
0x1d: {  	s5 =	simm.s32 @p1 $0x1;
	p0 =	seq.s32 s7, s2  }
0x1e: {  	s7 =	smul.u32 @!p0 $0xF7A, s2;
	p2 =	seq.s32 @!p0 s5, $0x0  }
0x1f: {  	s9 =	smul.u32 $0xF7A, s1;
	s8 =	simm.s32 @!p0 $0x1BF5;
	p2 =	por !p2, p0  }
0x20: {  	[sflag:s8] =	ssyncset.s32 @!p0 $0xFFFFF086;
	s6 =	sadd.s32 @!p0 s3, s7;
	s7 =	simm.s32 @!p0 $0x108  }
0x21: {  	s3 =	sadd.s32 s3, s9;
	s6 =	sadd.s32 @!p0 $0x88, s6;
	s7 =	simm.s32 @p2 $0x1082  }
0x22: {  	[simem:s7], [sflag:s8] =	dma.local @!p0 [hbm:s6], $0xF7A  }
0x23: {  	s9 =	sor.u32 $0xD0000000, s2;
	s6 =	simm.s32 $0x108;
	_ =	swait.ge @!p0 [sflag:s8], $0x0  }
0x24: {  	s3 =	sadd.s32 $0x88, s3;
	s6 =	simm.s32 @!p1 $0x1082;
	[sflag:s4] =	ssyncset.s32 $0xFFFFF086  }
0x25: {  	[simem:s6], [sflag:s4] =	dma.local [hbm:s3], $0xF7A  }
0x26: {  	[smem:$0x3F98] =	sst s1;
	(tag) =	ssettag s2;
	_ =	strace s9  }
0x27: {  	s1 =	sld [smem:$0x3FA8]  }
0x28: {  	s2 =	sld [smem:$0x3FA9]  }
0x29: {  	s4 =	sld [smem:$0x3FAB]  }
0x2a: {  	p0 =	seq.s32 s5, $0x0;
	s5 =	sld [smem:$0x3FAC]  }
0x2b: {  	s6 =	sld [smem:$0x3FAD]  }
0x2c: {  	s7 =	sld [smem:$0x3FAE]  }
0x2d: {  	s3 =	simm.s32 $0x108;
	s8 =	sld [smem:$0x3FAF]  }
0x2e: {  	s3 =	simm.s32 @!p0 $0x1082;
	s9 =	sld [smem:$0x3FB0]  }
0x2f: {  	lr =	sadd.s32 s0, s3;
	s0 =	sld [smem:$0x3FA7]  }
0x30: {  	s3 =	sld [smem:$0x3FAA]  }
0x31: {  	[smem:$0x3FB3] =	sst s10  }
0x32: {  	s10 =	sld [smem:$0x3FB1];
	_ =	sdelay $0x3  }
0x33: {  	p0 =	seq.s32 s10, $0x1;
	s10 =	sld [smem:$0x3FB3];
	_ =	sdelay $0x3  }
0x34: {  	[smem:$0x3FB3] =	sst s10  }
0x35: {  	s10 =	sld [smem:$0x3FB2];
	_ =	sdelay $0x3  }
0x36: {  	p1 =	seq.s32 s10, $0x1;
	s10 =	sld [smem:$0x3FB3];
	_ =	sdelay $0x3  }
0x37: {  	[smem:$0x3FB3] =	sst s10  }
0x38: {  	s10 =	sld [smem:$0x3FB4]  }
0x39: {  	_ = 	snop;
	(pc) =	sbr.ind lr, $3  }
0x3a: {  	_ = 	snop  }
0x3b: {  	_ = 	snop  }
0x3c: {  	p2 =	seq.s32 s10, $0x1;
	s10 =	sld [smem:$0x3FB3]  }
0x3d: {  	_ =	shalt  }
0x3e: {  	_ =	shalt  }
0x3f: {  	_ =	shalt  }
0x40: {  	_ =	shalt  }
0x41: {  	_ =	shalt  }
0x42: {  	_ =	shalt  }
0x43: {  	_ =	shalt  }
0x44: {  	_ =	shalt  }
0x45: {  	_ =	shalt  }
0x46: {  	_ =	shalt  }
0x47: {  	_ =	shalt  }
0x48: {  	_ =	shalt  }
0x49: {  	_ =	shalt  }
0x4a: {  	_ =	shalt  }
0x4b: {  	_ =	shalt  }
0x4c: {  	_ =	shalt  }
0x4d: {  	_ =	shalt  }
0x4e: {  	_ =	shalt  }
0x4f: {  	_ =	shalt  }
0x50: {  	_ =	shalt  }
0x51: {  	_ =	shalt  }
0x52: {  	_ =	shalt  }
0x53: {  	_ =	shalt  }
0x54: {  	_ =	shalt  }
0x55: {  	_ =	shalt  }
0x56: {  	_ =	shalt  }
0x57: {  	_ =	shalt  }
0x58: {  	_ =	shalt  }
0x59: {  	_ =	shalt  }
0x5a: {  	_ =	shalt  }
0x5b: {  	_ =	shalt  }
0x5c: {  	_ =	shalt  }
0x5d: {  	_ =	shalt  }
0x5e: {  	_ =	shalt  }
0x5f: {  	_ =	shalt  }
0x60: {  	_ =	shalt  }
0x61: {  	_ =	shalt  }
0x62: {  	_ =	shalt  }
0x63: {  	_ =	shalt  }
0x64: {  	_ =	shalt  }
0x65: {  	_ =	shalt  }
0x66: {  	_ =	shalt  }
0x67: {  	_ =	shalt  }
0x68: {  	_ =	shalt  }
0x69: {  	_ =	shalt  }
0x6a: {  	_ =	shalt  }
0x6b: {  	_ =	shalt  }
0x6c: {  	_ =	shalt  }
0x6d: {  	_ =	shalt  }
0x6e: {  	_ =	shalt  }
0x6f: {  	_ =	shalt  }
0x70: {  	_ =	shalt  }
0x71: {  	_ =	shalt  }
0x72: {  	_ =	shalt  }
0x73: {  	_ =	shalt  }
0x74: {  	_ =	shalt  }
0x75: {  	_ =	shalt  }
0x76: {  	_ =	shalt  }
0x77: {  	_ =	shalt  }
0x78: {  	_ =	shalt  }
0x79: {  	_ =	shalt  }
0x7a: {  	_ =	shalt  }
0x7b: {  	_ =	shalt  }
0x7c: {  	_ =	shalt  }
0x7d: {  	_ =	shalt  }
0x7e: {  	_ =	shalt  }
0x7f: {  	_ =	shalt  }
0x80: {  	_ =	shalt  }
0x81: {  	_ =	shalt  }
0x82: {  	_ =	shalt  }
0x83: {  	_ =	shalt  }
0x84: {  	_ =	shalt  }
0x85: {  	_ =	shalt  }
0x86: {  	_ =	shalt  }
0x87: {  	_ =	shalt  }
.Lfunc_end0:
.L_simem_size_0:
called_computation.3_lowered:
.L_overlay_start_0:
0x88: {  	s2 =	sld [smem:$0x3FD9]  }
0x89: {  	s3 =	sld [smem:$0x3FFE];
	_ =	sdelay $0x1  }
0x8a: {  	s1 =	srdreg.scid  }
0x8b: {  	s0 =	sand.u32 $0x1, s1  }
0x8c: {  	s16 =	sshll.u32 s0, $0xA;
	s2 =	sadd.s32 s3, s2  }
0x8d: {  	s2 =	sadd.s32 s2, s16  }
0x8e: {  	[smem:$0x3FBF] =	sst s2  }
0x8f: {  	_ = 	snop  }
0x90: {  	(tm) =	ssettm $0x1  }
0x91: {  	s17 =	sld [smem:$0x3FFB];
	_ =	sdelay $0x3  }
0x92: {  	_ =	strace s17  }
0x93: {  	s2 =	sld [smem:$0x3FFC];
	_ =	sdelay $0x3  }
0x94: {  	_ =	strace s2  }
0x95: {  	s2 =	sld [smem:$0x3FFD];
	_ =	sdelay $0x3  }
0x96: {  	_ =	strace s2  }
0x97: {  	_ =	strace $0x8FFFFFFF  }
0x98: {  	s18 =	sld [smem:$0x3FDB];
	_ =	sdelay $0x1  }
0x99: {  	s19 =	simm.s32 $_scs_section_size  }
0x9a: {  	s4 =	simm.s32 $_size__tile_overlayer_lowered;
	s5 =	simm.s32 $_tile_overlayer_lowered  }
0x9b: {  	s22 =	simm.s32 $0x1BFF;
	s21 =	sshll.u32 s5, $0x1;
	s2 =	sadd.s32 s19, s18  }
0x9c: {  	s6 =	simm.s32 $0x0;
	s20 =	sshll.u32 s4, $0x1;
	s4 =	sadd.s32 s21, s2  }
0x9d: {  	[timem:s6], [sflag:s22] =	dma.local [hbm:s4], s20  }
0x9e: {  	_ =	swait.ge [sflag:s22], s20  }
0x9f: {  	s3 =	ssub.s32 $0x0, s20;
	[sflag:s22] =	ssyncset.done $0x0  }
0xa0: {  	[sflag:s22] =	ssyncadd.s32 s3;
	_ =	sdelay $0x1  }
0xa1: {  	s23 =	simm.s32 $0x1B8B  }
0xa2: {  	_ =	swait.ge [sflag:s23], $0x1  }
0xa3: {  	[sflag:s23] =	ssyncset.done $0x0  }
0xa4: {  	s25 =	simm.s32 $0x1B8E;
	s24 =	sld [smem:$0x3FFE];
	[sflag:s23] =	ssyncadd.s32 $0xFFFFFFFF  }
0xa5: {  	s26 =	simm.s32 $execute0_lowered;
	[smem:$0x3FD2] =	sst s25  }
0xa6: {  	s4 =	sshll.u32 s26, $0x1;
	_ =	strace $0x8000004F;
	[dreg:$0x1] =	wrdreg $0xFFFFFFFF  }
0xa7: {  	s28 =	simm.s32 $_size_execute0_lowered;
	s2 =	sadd.s32 s2, s4;
	[dreg:$0x0] =	wrdreg $0x0  }
0xa8: {  	s4 =	sshll.u32 s28, $0x1;
	[dreg:$0x2] =	wrdreg s2  }
0xa9: {  	[dreg:$0x3] =	wrdreg s4  }
0xaa: {  	[dreg:$0x4] =	wrdreg $0xC0  }
0xab: {  	_ =	task [dreg:s6], $0x5FFFF  }
0xac: {  	[dreg:$0x1] =	wrdreg $0xFFFFFFFF  }
0xad: {  	[dreg:$0x0] =	wrdreg $0x60  }
0xae: {  	[dreg:$0x2] =	wrdreg s24  }
0xaf: {  	[dreg:$0x3] =	wrdreg $0xA9000  }
0xb0: {  	[dreg:$0x4] =	wrdreg $0x9  }
0xb1: {  	_ =	task.clear_ibuf [dreg:s6], $0x5FFFF;
	_ =	strace $0x9000004F  }
0xb2: {  	s29 =	simm.s32 $0x9;
	_ =	strace $0x80000051  }
0xb3: {  	_ =	swait.ge [sflag:s29], $0x1  }
0xb4: {  	[sflag:s29] =	ssyncadd.s32 $0xFFFFFFFF  }
0xb5: {  	_ =	strace $0x90000051  }
0xb6: {  	_ =	sfence  }
0xb7: {  	s30 =	sld [smem:$0x0];
	_ =	sdelay $0x2  }
0xb8: {  	s31 =	sshll.u32 s1, $0xD;
	s1 =	sshrl.u32 s1, $0x2  }
0xb9: {  	s3 =	sand.u32 $0x4000, s31;
	s1 =	sadd.s32 s1, s30  }
0xba: {  	s0 =	sor.u32 s3, s0;
	s1 =	sshll.u32 s1, $0x11  }
0xbb: {  	s0 =	sor.u32 s1, s0  }
0xbc: {  	s0 =	sadd.s32 $0x8F2B, s0  }
0xbd: {  	[sflag:s0] =	ssyncadd.remote.s32 $0x1  }
0xbe: {  	_ =	sfence.sel $0xFFFF  }
0xbf: {  	[dreg:$0x0] =	wrdreg $0xFFFFFFFF;
	(pc) =	sbr.abs _section_cstart, $3  }
0xc0: {  	[dreg:$0x1] =	wrdreg $0xFFFFFFFF  }
0xc1: {  	_ =	task.clear_ibuf [dreg:s6], $0x2FFFF;
	_ =	strace $0x9FFFFFFF  }
0xc2: {  	(tm) =	ssettm $0x7FFFFFFF  }
0xc3: {  	_ =	shalt  }
tec
execute0_lowered:
.L_overlay_start_1:
0x0: {  	(tag) =	ssettag $0x1  }
0x1: {  	s0 =	srdreg.scid;
	s4 =	rddreg [dreg:$0x0]  }
0x2: {  	s25 =	stileid.u32;
	s2 =	rddreg [dreg:$0x1];
	s3 =	simm.s32 $0x0  }
0x3: {  	s20 =	simm.s32 $0x5;
	s21 =	simm.s32 $0x1;
	s22 =	simm.s32 $0x6900  }
0x4: {  	s23 =	simm.s32 $0x2;
	s24 =	simm.s32 $0x80;
	s7 =	smul.u32 $0x280, s25  }
0x5: {  	s28 =	simm.s32 $0x0;
	s10 =	sand.u32 $0x1, s0;
	s26 =	smul.u32 $0x50000, s25  }
0x6: {  	[smem:$0x7FF] =	sst s3;
	s14 =	sadd.s32 $0x55A200, s4;
	s18 =	smul.u32 $0x29000, s25  }
0x7: {  	s1 =	sshll.u32 s10, $0x4;
	s8 =	smul.u32 $0x2800, s10;
	_ =	strace $0x80000050  }
0x8: {  	s9 =	ssub.s32 $0x2, s10;
	s15 =	smul.u32 $0x290000, s10;
	s5 =	sor.u32 s25, s1  }
0x9: {  	s29 =	sshrl.u32 s9, $0x1;
	s30 =	sshrl.u32 s26, $0x2;
	s25 =	simm.s32 $0x4  }
0xa: {  	s26 =	simm.s32 $0x3;
	s6 =	smul.u32 $0x2900, s5;
	s7 =	sadd.s32 s7, s8  }
0xb: {  	s17 =	ssub.s32 s9, s29;
	s31 =	smul.u32 $0x29000, s5;
	s19 =	sadd.s32 s15, s14  }
0xc: {  	s7 =	sshll.u32 s7, $0x4;
	s18 =	sadd.s32 s18, s19;
	s17 =	smax.u32 s17, $0x1  }
0xd: {  	s19 =	simm.s32 $0x2900;
	s6 =	sshrl.u32 s6, $0x3;
	s16 =	sadd.s32 s7, s4  }
0xe: {  	s9 =	sadd.s32 s14, s31;
	s18 =	sadd.s32 $0x1800, s18;
	s6 =	sadd.s32 s6, s4  }
0xf: {  	s4 =	sadd.s32 s30, s2;
	s11 =	sadd.s32 $0x800, s9;
	s12 =	sadd.s32 $0x51000, s16  }
0x10: {  	s13 =	sadd.s32 $0x51800, s16;
	s14 =	sadd.s32 $0x52000, s16;
	s15 =	sadd.s32 $0x52800, s16  }
0x11: {  	s16 =	sadd.s32 $0x53000, s16;
	s5 =	sadd.s32 $0x3E00, s6;
	s6 =	sadd.s32 $0x4000, s4  }
0x12: {  	v0 =	vimm.f32 $0.0e+00;
	s7 =	sadd.s32 $0x8000, s4;
	s8 =	sadd.s32 $0xC000, s4;
	s10 =	sadd.s32 $0x10000, s4  }
.LBB2_1:
0x13: {  	[tilespmem:s3], [sflag:$0x1] =	stream.linear.gather [hbm4b:s5+s3], $0x2900, $0x38;
	[tilespmem:$0x1E900] =	vst v63  }
0x14: {  	s29 =	simm.s32 $0x0;
	s30 =	simm.s32 $0x200  }
.LBB2_2:
0x15: {  	p0 =	sne.s32 s30, $0xFE00;
	[tilespmem:s29+$0x2970] =	vst v0  }
0x16: {  	[tilespmem:s29+$0x2900] =	vst v0  }
0x17: {  	[tilespmem:s29+$0x2910] =	vst v0  }
.Ltmp0:
0x18: {  	[tilespmem:s29+$0x2920] =	vst v0;
	(pc) =	sbr.rel @p0 .LBB2_2-.Ltmp0, $4  }
0x19: {  	[tilespmem:s29+$0x2930] =	vst v0  }
0x1a: {  	[tilespmem:s29+$0x2940] =	vst v0  }
0x1b: {  	[tilespmem:s29+$0x2950] =	vst v0  }
0x1c: {  	[tilespmem:s29+$0x2960] =	vst v0;
	s29 =	sshra.s32 s30, $0x2;
	s30 =	sadd.s32 $0x200, s30  }
0x1d: {  	[tilespmem:s29+$0x2970] =	vst v0  }
0x1e: {  	[tilespmem:s29+$0x2900] =	vst v0  }
0x1f: {  	[tilespmem:s29+$0x2910] =	vst v0  }
0x20: {  	[tilespmem:s29+$0x2920] =	vst v0  }
0x21: {  	[tilespmem:s29+$0x2930] =	vst v0  }
0x22: {  	[tilespmem:s29+$0x2940] =	vst v0  }
0x23: {  	[tilespmem:s29+$0x2950] =	vst v0  }
0x24: {  	[tilespmem:s29+$0x2960] =	vst v0  }
0x25: {  	[spmem:s4] =	stream.linear.scatter [tilespmem:s19], [sflag:$0x5], $0x4000, $0x38;
	[tilespmem:$0x1E900] =	vst v63  }
0x26: {  	_ =	swait.ge [sflag:s20], $0x4000  }
0x27: {  	[sflag:s20] =	ssyncset.done $0x0  }
0x28: {  	[sflag:s20] =	ssyncadd.s32 $0xFFFFC000  }
0x29: {  	[spmem:s6] =	stream.linear.scatter [tilespmem:s19], [sflag:$0x5], $0x4000, $0x38;
	[tilespmem:$0x1E900] =	vst v63  }
0x2a: {  	_ =	swait.ge [sflag:s20], $0x4000  }
0x2b: {  	[sflag:s20] =	ssyncset.done $0x0  }
0x2c: {  	[sflag:s20] =	ssyncadd.s32 $0xFFFFC000  }
0x2d: {  	[spmem:s7] =	stream.linear.scatter [tilespmem:s19], [sflag:$0x5], $0x4000, $0x38;
	[tilespmem:$0x1E900] =	vst v63  }
0x2e: {  	_ =	swait.ge [sflag:s20], $0x4000  }
0x2f: {  	[sflag:s20] =	ssyncset.done $0x0  }
0x30: {  	[sflag:s20] =	ssyncadd.s32 $0xFFFFC000  }
0x31: {  	[spmem:s8] =	stream.linear.scatter [tilespmem:s19], [sflag:$0x5], $0x4000, $0x38;
	[tilespmem:$0x1E900] =	vst v63  }
0x32: {  	_ =	swait.ge [sflag:s20], $0x4000  }
0x33: {  	[sflag:s20] =	ssyncset.done $0x0  }
0x34: {  	[sflag:s20] =	ssyncadd.s32 $0xFFFFC000  }
0x35: {  	[spmem:s10] =	stream.linear.scatter [tilespmem:s19], [sflag:$0x5], $0x4000, $0x38;
	[tilespmem:$0x1E900] =	vst v63  }
0x36: {  	_ =	swait.ge [sflag:s20], $0x4000  }
0x37: {  	[sflag:s20] =	ssyncset.done $0x0  }
0x38: {  	[sflag:s20] =	ssyncadd.s32 $0xFFFFC000  }
0x39: {  	[bflag:$0x0] =	sbarrier.arrive $0xFFFF  }
0x3a: {  	_ =	swait.ge [sflag:s21], $0x2900  }
0x3b: {  	[sflag:s21] =	ssyncset.done $0x0  }
0x3c: {  	s29 =	simm.s32 $0x0;
	[sflag:s21] =	ssyncadd.s32 $0xFFFFD700  }
0x3d: {  	[tilespmem:s19], [sflag:$0x2] =	stream.linear.gather [hbm4b:s9+s29], $0x4000, $0x38;
	[tilespmem:$0x1E900] =	vst v63  }
0x3e: {  	_ = 	snop  }
0x3f: {  	[tilespmem:s22], [sflag:$0x3] =	stream.linear.gather [hbm4b:s11+s29], $0x4000, $0x38;
	[tilespmem:$0x1E900] =	vst v63  }
0x40: {  	_ =	swait.ge [sflag:s23], $0x4000  }
0x41: {  	[sflag:s23] =	ssyncset.done $0x0  }
0x42: {  	s29 =	simm.s32 $0x0;
	[sflag:s23] =	ssyncadd.s32 $0xFFFFC000  }
0x43: {  	[spmem:s2] =	stream.indirect.scatter.add.f32 [tilespmem:s19], [sflag:$0x4], $0x80, s29, s24, $0xb8;
	[tilespmem:$0x1E900] =	vst v63  }
0x44: {  	_ =	swait.ge [sflag:s25], $0x4000  }
0x45: {  	[sflag:s25] =	ssyncset.done $0x0  }
0x46: {  	s29 =	sadd.s32 $0xFFFFF800, s18;
	[sflag:s25] =	ssyncadd.s32 $0xFFFFC000  }
0x47: {  	[tilespmem:s19], [sflag:$0x2] =	stream.linear.gather [hbm4b:s29+s3], $0x4000, $0x38;
	[tilespmem:$0x1E900] =	vst v63  }
0x48: {  	_ =	swait.ge [sflag:s26], $0x4000  }
0x49: {  	[sflag:s26] =	ssyncset.done $0x0  }
0x4a: {  	s29 =	simm.s32 $0x80;
	[sflag:s26] =	ssyncadd.s32 $0xFFFFC000  }
0x4b: {  	[spmem:s2] =	stream.indirect.scatter.add.f32 [tilespmem:s22], [sflag:$0x4], $0x80, s29, s24, $0xb8;
	[tilespmem:$0x1E900] =	vst v63  }
0x4c: {  	_ =	swait.ge [sflag:s25], $0x4000  }
0x4d: {  	s30 =	sadd.s32 $0x1000, s18;
	[sflag:s25] =	ssyncset.done $0x0  }
0x4e: {  	s31 =	smov.u32 s18;
	s29 =	simm.s32 $0x400;
	[sflag:s25] =	ssyncadd.s32 $0xFFFFC000  }
.LBB2_4:
0x4f: {  	[tilespmem:s22], [sflag:$0x3] =	stream.linear.gather [hbm4b:s31+s3], $0x4000, $0x38;
	[tilespmem:$0x1E900] =	vst v63  }
0x50: {  	s1 =	smov.u32 s29;
	s31 =	smov.u32 s30  }
0x51: {  	p0 =	sne.s32 s29, $0xA000;
	s29 =	sadd.s32 $0x400, s29;
	_ =	swait.ge [sflag:s23], $0x4000  }
0x52: {  	[sflag:s23] =	ssyncset.done $0x0  }
0x53: {  	s1 =	sshra.s32 s1, $0x2;
	[sflag:s23] =	ssyncadd.s32 $0xFFFFC000  }
0x54: {  	[spmem:s2] =	stream.indirect.scatter.add.f32 [tilespmem:s19], [sflag:$0x4], $0x80, s1, s24, $0xb8;
	[tilespmem:$0x1E900] =	vst v63  }
0x55: {  	_ =	swait.ge [sflag:s25], $0x4000  }
0x56: {  	[sflag:s25] =	ssyncset.done $0x0  }
0x57: {  	s0 =	sadd.s32 $0xFFFFF800, s30;
	[sflag:s25] =	ssyncadd.s32 $0xFFFFC000  }
0x58: {  	[tilespmem:s19], [sflag:$0x2] =	stream.linear.gather [hbm4b:s0+s3], $0x4000, $0x38;
	[tilespmem:$0x1E900] =	vst v63  }
0x59: {  	_ =	swait.ge [sflag:s26], $0x4000  }
0x5a: {  	[sflag:s26] =	ssyncset.done $0x0  }
.Ltmp1:
0x5b: {  	s0 =	sadd.s32 $0x80, s1;
	[sflag:s26] =	ssyncadd.s32 $0xFFFFC000;
	(pc) =	sbr.rel @p0 .LBB2_4-.Ltmp1, $4  }
0x5c: {  	[spmem:s2] =	stream.indirect.scatter.add.f32 [tilespmem:s22], [sflag:$0x4], $0x80, s0, s24, $0xb8;
	[tilespmem:$0x1E900] =	vst v63  }
0x5d: {  	_ =	swait.ge [sflag:s25], $0x4000  }
0x5e: {  	[sflag:s25] =	ssyncset.done $0x0  }
0x5f: {  	s30 =	sadd.s32 $0x1000, s30;
	[sflag:s25] =	ssyncadd.s32 $0xFFFFC000  }
0x60: {  	[tilespmem:s22], [sflag:$0x3] =	stream.linear.gather [hbm4b:s31+s3], $0x4000, $0x38;
	[tilespmem:$0x1E900] =	vst v63  }
0x61: {  	_ =	swait.ge [sflag:s23], $0x4000  }
0x62: {  	[sflag:s23] =	ssyncset.done $0x0  }
0x63: {  	[sflag:s23] =	ssyncadd.s32 $0xFFFFC000  }
0x64: {  	_ =	swait.ge [sflag:s26], $0x4000  }
0x65: {  	s0 =	stileid.u32;
	[sflag:s26] =	ssyncset.done $0x0  }
0x66: {  	s0 =	sshll.u32 s0, $0x6;
	[sflag:s26] =	ssyncadd.s32 $0xFFFFC000  }
0x67: {  	s1 =	sshrl.u32 s4, $0x3;
	s0 =	sor.u32 $0x1C05, s0;
	[bflag:$0x0] =	sbarrier.arrive $0xFFFF  }
0x68: {  	[hbm:s12], [sflag:s0] =	dma.local [spmem:s1], $0x800  }
0x69: {  	_ =	swait.ge [sflag:s20], $0x800  }
0x6a: {  	[sflag:s20] =	ssyncset.done $0x0  }
0x6b: {  	s31 =	sshrl.u32 s6, $0x3;
	[sflag:s20] =	ssyncadd.s32 $0xFFFFF800  }
0x6c: {  	[hbm:s13], [sflag:s0] =	dma.local [spmem:s31], $0x800  }
0x6d: {  	_ =	swait.ge [sflag:s20], $0x800  }
0x6e: {  	[sflag:s20] =	ssyncset.done $0x0  }
0x6f: {  	s29 =	sshrl.u32 s7, $0x3;
	[sflag:s20] =	ssyncadd.s32 $0xFFFFF800  }
0x70: {  	[hbm:s14], [sflag:s0] =	dma.local [spmem:s29], $0x800  }
0x71: {  	_ =	swait.ge [sflag:s20], $0x800  }
0x72: {  	[sflag:s20] =	ssyncset.done $0x0  }
0x73: {  	s30 =	sshrl.u32 s8, $0x3;
	[sflag:s20] =	ssyncadd.s32 $0xFFFFF800  }
0x74: {  	[hbm:s15], [sflag:s0] =	dma.local [spmem:s30], $0x800  }
0x75: {  	s28 =	sadd.s32 $0x1, s28;
	_ =	swait.ge [sflag:s20], $0x800  }
0x76: {  	p0 =	sne.s32 s28, s17;
	[sflag:s20] =	ssyncset.done $0x0  }
.Ltmp2:
0x77: {  	s31 =	sshrl.u32 s10, $0x3;
	[sflag:s20] =	ssyncadd.s32 $0xFFFFF800;
	(pc) =	sbr.rel @p0 .LBB2_1-.Ltmp2, $4  }
0x78: {  	[hbm:s16], [sflag:s0] =	dma.local [spmem:s31], $0x800  }
0x79: {  	_ =	swait.ge [sflag:s20], $0x800  }
0x7a: {  	[sflag:s20] =	ssyncset.done $0x0  }
0x7b: {  	[sflag:s20] =	ssyncadd.s32 $0xFFFFF800  }
0x7c: {  	_ =	sfence.sel $0x180000  }
0x7d: {  	[bflag:$0x0] =	sbarrier.arrive $0xFFFF  }
0x7e: {  	_ =	strace $0x90000050  }
0x7f: {  	s0 =	stileid.u32;
	[bflag:$0x2] =	sbarrier.arrive $0xFFFF  }
0x80: {  	p0 =	sne.s32 s0, $0x0;
	s0 =	rddreg [dreg:$0x2]  }
0x81: {  	s0 =	sadd.s32 @!p0 $0x100000, s0  }
0x82: {  	[sflag:s0] =	ssyncadd.tile.s32 @!p0 $0x1;
	_ =	shalt  }
.Lfunc_end2:
_tile_overlayer_lowered:
.L_overlay_start_2:
0x83: {  	(tag) =	ssettag $0x2  }
0x84: {  	s0 =	rddreg [dreg:$0x0];
	s2 =	stileid.u32  }
0x85: {  	s1 =	rddreg [dreg:$0x1];
	p0 =	sne.s32 s2, $0x0  }
0x86: {  	s3 =	rddreg [dreg:$0x2];
	[bflag:$0x3] =	sbarrier.arrive $0xFFFF;
	s2 =	simm.s32 @!p0 $0x1C05  }
0x87: {  	[timem:s3], [sflag:s2] =	dma.local @!p0 [hbm:s0], s1  }
0x88: {  	s0 =	simm.s32 @!p0 $0x5  }
0x89: {  	_ =	swait.ge @!p0 [sflag:s0], s1  }
0x8a: {  	s1 =	ssub.s32 @!p0 $0x0, s1;
	[sflag:s0] =	ssyncset.done @!p0 $0x0  }
0x8b: {  	[sflag:s0] =	ssyncadd.s32 @!p0 s1  }
0x8c: {  	[bflag:$0x3] =	sbarrier.arrive $0xFFFF  }
0x8d: {  	_ =	shalt  }

</sc_bundles>
